<compile_context>
chip_gen: v7x
topology: tpu7x:2x2x1
jax: 0.10.2.dev20260603
libtpu: 0.0.44.dev20260713+nightly
codegen_flags: <defaults>
</compile_context>

<pallas_src>
import functools

import jax
import jax.numpy as jnp
from jax import lax
from jax.experimental import pallas as pl
from jax.experimental.pallas import tpu as pltpu
from jax.experimental.pallas import tpu_sc as plsc

_NC, _NS, _LANES = 2, 16, 16


def _tc_body(S, hid_ref, w1_ref, b1_ref, idx_ref, h_ref, gidx_ref):
    b = pl.program_id(0)
    x = hid_ref[0]
    h = lax.dot_general(
        x, w1_ref[...], (((1,), (1,)), ((), ())),
        preferred_element_type=jnp.float32,
    )
    h_ref[...] = jnp.tanh(h + b1_ref[...])
    gidx_ref[0, 0] = idx_ref[0, 0] + b * S


def _make_sc_kernel(N, S, D, F, P, C):
    G = P // C
    CF = C * F
    assert CF <= 128 and G % 2 == 0
    mesh = plsc.VectorSubcoreMesh(
        core_axis_name="c", subcore_axis_name="s",
        num_cores=_NC, num_subcores=_NS)

    @functools.partial(
        pl.kernel,
        out_type=jax.ShapeDtypeStruct((N,), jnp.float32),
        mesh=mesh,
        scratch_types=[
            pltpu.VMEM((P * F,), jnp.int32),
            pltpu.VMEM((CF, D), jnp.float32),
            pltpu.VMEM((CF, D), jnp.float32),
            pltpu.VMEM((P,), jnp.float32),
            pltpu.VMEM((D,), jnp.float32),
            pltpu.SemaphoreType.DMA,
            pltpu.SemaphoreType.DMA,
        ],
    )
    def sc_kernel(h_hbm, idx_hbm, w2_hbm, out_hbm, idx_v, rows_a, rows_b,
                  outv, w2v, sem_a, sem_b):
        wid = lax.axis_index("s") * _NC + lax.axis_index("c")
        base = wid * P
        pltpu.sync_copy(w2_hbm, w2v)
        pltpu.sync_copy(idx_hbm.at[pl.ds(base * F, P * F)], idx_v)
        w2regs = [w2v[pl.ds(_LANES * j, _LANES)] for j in range(D // _LANES)]
        lane = lax.iota(jnp.int32, _LANES)

        def start_gather(g, rows, sem):
            pltpu.make_async_copy(
                h_hbm.at[idx_v.at[pl.ds(g * CF, CF)]], rows, sem).start()

        def wait_gather(rows, sem):
            pltpu.make_async_copy(
                h_hbm.at[idx_v.at[pl.ds(0, CF)]], rows, sem).wait()

        def lane_sum(v):
            for k in (1, 2, 4, 8):
                v = v + v[lane ^ k]
            return v

        def compute_chunk(g, rows):
            def pos_body(c, vacc):
                ci = c * F
                acc = jnp.zeros((_LANES,), jnp.float32)
                for j in range(D // _LANES):
                    dsl = pl.ds(_LANES * j, _LANES)
                    m = jnp.maximum(
                        jnp.maximum(rows[ci, dsl], rows[ci + 1, dsl]),
                        jnp.maximum(rows[ci + 2, dsl], rows[ci + 3, dsl]))
                    acc = acc + m * w2regs[j]
                sub = c & (_LANES - 1)
                vacc = jnp.where(lane == sub, lane_sum(acc), vacc)

                @pl.when(sub == _LANES - 1)
                def _():
                    outv[pl.ds(g * C + c - (_LANES - 1), _LANES)] = vacc

                return vacc

            lax.fori_loop(0, C, pos_body, jnp.zeros((_LANES,), jnp.float32),
                          unroll=2)

        start_gather(0, rows_a, sem_a)

        def outer(g2, _):
            g = g2 * 2
            start_gather(g + 1, rows_b, sem_b)
            wait_gather(rows_a, sem_a)
            compute_chunk(g, rows_a)

            @pl.when(g2 < G // 2 - 1)
            def _():
                start_gather(g + 2, rows_a, sem_a)

            wait_gather(rows_b, sem_b)
            compute_chunk(g + 1, rows_b)
            return 0

        lax.fori_loop(0, G // 2, outer, 0)
        pltpu.sync_copy(outv, out_hbm.at[pl.ds(base, P)])

    return sc_kernel


def kernel(hidden_states, mask, word_set_idx, W1_w, W1_b, w2_w, w2_b):
    B, S, D = hidden_states.shape
    F = word_set_idx.shape[-1]
    N = B * S

    tc = pl.pallas_call(
        functools.partial(_tc_body, S),
        grid=(B,),
        in_specs=[
            pl.BlockSpec((1, S, D), lambda b: (b, 0, 0)),
            pl.BlockSpec((D, D), lambda b: (0, 0)),
            pl.BlockSpec((1, D), lambda b: (0, 0)),
            pl.BlockSpec((1, 1, S * F), lambda b: (b, 0, 0)),
        ],
        out_specs=[
            pl.BlockSpec((S, D), lambda b: (b, 0)),
            pl.BlockSpec((1, 1, S * F), lambda b: (b, 0, 0)),
        ],
        out_shape=[
            jax.ShapeDtypeStruct((N, D), jnp.float32),
            jax.ShapeDtypeStruct((B, 1, S * F), jnp.int32),
        ],
    )
    h, gidx = tc(hidden_states, W1_w, W1_b.reshape(1, D),
                 word_set_idx.reshape(B, 1, S * F))

    P = N // (_NC * _NS)
    C = 16
    sc = _make_sc_kernel(N, S, D, F, P, C)
    out = sc(h, gidx.reshape(N * F), w2_w.reshape(D))
    return out.reshape(B, S) + w2_b

# --- scband reference (transcript-rebuilt; emitter-appended) ---
"""Pipeline reference for scband-word-weighting-layer-2551210574013 (READ-ONLY COPY).

The authoritative reference and input builder live on the scoring server;
editing this copy changes nothing except your own understanding.
"""

import jax, jax.numpy as jnp
import numpy as np

B, S, D, F = 8, 2048, 256, 4

def setup_inputs(seed: int = 0) -> dict:
    key = jax.random.key(seed)
    k1, k2, k3, k4 = jax.random.split(key, 4)
    hidden_states = jax.random.normal(k1, (B, S, D), dtype=jnp.float32)
    mask = jnp.ones((B, S), dtype=jnp.float32)
    word_set_idx = jax.random.randint(k2, (B, S, F), 0, S, dtype=jnp.int32)
    W1_w = jax.random.normal(k3, (D, D), dtype=jnp.float32) / np.sqrt(D)
    W1_b = jnp.zeros((D,), dtype=jnp.float32)
    w2_w = jax.random.normal(k4, (1, D), dtype=jnp.float32) / np.sqrt(D)
    w2_b = jnp.zeros((1,), dtype=jnp.float32)
    return {"hidden_states": hidden_states, "mask": mask, "word_set_idx": word_set_idx,
            "W1_w": W1_w, "W1_b": W1_b, "w2_w": w2_w, "w2_b": w2_b}

def reference(hidden_states, mask, word_set_idx, W1_w, W1_b, w2_w, w2_b):
    B_, S_, D_ = hidden_states.shape
    F_ = word_set_idx.shape[-1]
    # h = tanh(W1 @ hidden)
    h = jnp.tanh(hidden_states.reshape(-1, D_) @ W1_w.T + W1_b)
    # aggregate_word: every (batch, seq) position has F_ occurrences -> full mask of ones
    offs = jnp.arange(B_, dtype=word_set_idx.dtype)[:, None, None] * S_
    sel = (offs + word_set_idx + 1).reshape(-1)
    h_pad = jnp.concatenate([jnp.zeros((1, D_), dtype=h.dtype), h], axis=0)
    gathered = jnp.take(h_pad, sel, axis=0).reshape(-1, F_, D_)
    # AdaptiveMaxPool1d(1) over the occurrence axis
    pooled = jnp.max(gathered, axis=1).reshape(B_, S_, D_)
    h_agg = (pooled @ w2_w.T + w2_b).reshape(B_, S_)
    mask_aggregate = jnp.ones((B_, S_), dtype=jnp.float32)
    mask_add = -10000.0 * (1.0 - mask_aggregate)
    return h_agg.astype(jnp.float32) + mask_add

if __name__ == "__main__":
    import jax
    _d = setup_inputs()
    print(jax.jit(kernel)(*tuple(_d.values())))

</pallas_src>

<mosaic_0001>
#map = affine_map<(d0, d1) -> (0, 0)>
#map1 = affine_map<(d0, d1) -> (0)>
module attributes {stable_mosaic.version = 14 : i64} {
  func.func @sc_kernel(%arg0: i32, %arg1: i32, %arg2: memref<16384x256xf32, #tpu.memory_space<hbm>>, %arg3: memref<65536xi32, #tpu.memory_space<hbm>>, %arg4: memref<256xf32, #tpu.memory_space<hbm>>, %arg5: memref<16384xf32, #tpu.memory_space<hbm>>, %arg6: memref<2048xi32, #tpu.memory_space<vmem>>, %arg7: memref<64x256xf32, #tpu.memory_space<vmem>>, %arg8: memref<64x256xf32, #tpu.memory_space<vmem>>, %arg9: memref<512xf32, #tpu.memory_space<vmem>>, %arg10: memref<256xf32, #tpu.memory_space<vmem>>, %arg11: memref<!tpu.dma_semaphore, #tpu.memory_space<semaphore_mem>>, %arg12: memref<!tpu.dma_semaphore, #tpu.memory_space<semaphore_mem>>) attributes {dimension_semantics = [#tpu.dimension_semantics<core_parallel>, #tpu.dimension_semantics<subcore_parallel>], iteration_bounds = array<i64: 2, 16>, scalar_prefetch = 0 : i64, scratch_operands = 7 : i64, tpu.core_type = #tpu.core_type<sc_vector_subcore>, window_params = [{transform_indices = #map}, {transform_indices = #map1}, {transform_indices = #map1}, {transform_indices = #map1}]} {
    %mul3A = arith.constant 2 : i32
    %mul3A_0 = arith.muli %arg1, %mul3A : i32
    %add3A = arith.addi %mul3A_0, %arg0 : i32
    %mul3A_1 = arith.constant 512 : i32
    %mul3A_2 = arith.muli %add3A, %mul3A_1 : i32
    "tpu.region"() ({
      %run_scoped3A = tpu.sem_alloc : memref<!tpu.dma_semaphore, #tpu.memory_space<semaphore_mem>>
      tpu.enqueue_dma source(%arg4 : memref<256xf32, #tpu.memory_space<hbm>>) target(%arg10 : memref<256xf32, #tpu.memory_space<vmem>>) target_semaphore(%run_scoped3A : memref<!tpu.dma_semaphore, #tpu.memory_space<semaphore_mem>>)
      tpu.wait_dma2 semaphore(%run_scoped3A : memref<!tpu.dma_semaphore, #tpu.memory_space<semaphore_mem>>) src(%arg4 : memref<256xf32, #tpu.memory_space<hbm>>) dst(%arg10 : memref<256xf32, #tpu.memory_space<vmem>>)
      tpu.yield
    }) : () -> ()
    %mul3A_3 = arith.constant 4 : i32
    %mul3A_4 = arith.muli %mul3A_2, %mul3A_3 : i32
    "tpu.region"() ({
      %run_scoped3A = tpu.sem_alloc : memref<!tpu.dma_semaphore, #tpu.memory_space<semaphore_mem>>
      %dma_start3A_62 = tpu.memref_slice %arg3[%mul3A_4] : memref<65536xi32, #tpu.memory_space<hbm>> -> memref<2048xi32, #tpu.memory_space<hbm>>
      %dma_start3A_63 = tpu.memref_slice %arg3[%mul3A_4] : memref<65536xi32, #tpu.memory_space<hbm>> -> memref<2048xi32, #tpu.memory_space<hbm>>
      tpu.enqueue_dma source(%dma_start3A_63 : memref<2048xi32, #tpu.memory_space<hbm>>) target(%arg6 : memref<2048xi32, #tpu.memory_space<vmem>>) target_semaphore(%run_scoped3A : memref<!tpu.dma_semaphore, #tpu.memory_space<semaphore_mem>>)
      %dma_wait3A = tpu.memref_slice %arg3[%mul3A_4] : memref<65536xi32, #tpu.memory_space<hbm>> -> memref<2048xi32, #tpu.memory_space<hbm>>
      %dma_wait3A_64 = tpu.memref_slice %arg3[%mul3A_4] : memref<65536xi32, #tpu.memory_space<hbm>> -> memref<2048xi32, #tpu.memory_space<hbm>>
      tpu.wait_dma2 semaphore(%run_scoped3A : memref<!tpu.dma_semaphore, #tpu.memory_space<semaphore_mem>>) src(%dma_wait3A_64 : memref<2048xi32, #tpu.memory_space<hbm>>) dst(%arg6 : memref<2048xi32, #tpu.memory_space<vmem>>)
      tpu.yield
    }) : () -> ()
    %get3A = arith.constant 0 : index
    %get3A_5 = tpu.vector_load %arg10[%get3A] {strides = array<i32>} : memref<256xf32, #tpu.memory_space<vmem>>, vector<16xf32>,
    %get3A_6 = vector.shape_cast %get3A_5 : vector<16xf32> to vector<16xf32>
    %get3A_7 = arith.constant 16 : index
    %get3A_8 = tpu.vector_load %arg10[%get3A_7] {strides = array<i32>} : memref<256xf32, #tpu.memory_space<vmem>>, vector<16xf32>,
    %get3A_9 = vector.shape_cast %get3A_8 : vector<16xf32> to vector<16xf32>
    %get3A_10 = arith.constant 32 : index
    %get3A_11 = tpu.vector_load %arg10[%get3A_10] {strides = array<i32>} : memref<256xf32, #tpu.memory_space<vmem>>, vector<16xf32>,
    %get3A_12 = vector.shape_cast %get3A_11 : vector<16xf32> to vector<16xf32>
    %get3A_13 = arith.constant 48 : index
    %get3A_14 = tpu.vector_load %arg10[%get3A_13] {strides = array<i32>} : memref<256xf32, #tpu.memory_space<vmem>>, vector<16xf32>,
    %get3A_15 = vector.shape_cast %get3A_14 : vector<16xf32> to vector<16xf32>
    %get3A_16 = arith.constant 64 : index
    %get3A_17 = tpu.vector_load %arg10[%get3A_16] {strides = array<i32>} : memref<256xf32, #tpu.memory_space<vmem>>, vector<16xf32>,
    %get3A_18 = vector.shape_cast %get3A_17 : vector<16xf32> to vector<16xf32>
    %get3A_19 = arith.constant 80 : index
    %get3A_20 = tpu.vector_load %arg10[%get3A_19] {strides = array<i32>} : memref<256xf32, #tpu.memory_space<vmem>>, vector<16xf32>,
    %get3A_21 = vector.shape_cast %get3A_20 : vector<16xf32> to vector<16xf32>
    %get3A_22 = arith.constant 96 : index
    %get3A_23 = tpu.vector_load %arg10[%get3A_22] {strides = array<i32>} : memref<256xf32, #tpu.memory_space<vmem>>, vector<16xf32>,
    %get3A_24 = vector.shape_cast %get3A_23 : vector<16xf32> to vector<16xf32>
    %get3A_25 = arith.constant 112 : index
    %get3A_26 = tpu.vector_load %arg10[%get3A_25] {strides = array<i32>} : memref<256xf32, #tpu.memory_space<vmem>>, vector<16xf32>,
    %get3A_27 = vector.shape_cast %get3A_26 : vector<16xf32> to vector<16xf32>
    %get3A_28 = arith.constant 128 : index
    %get3A_29 = tpu.vector_load %arg10[%get3A_28] {strides = array<i32>} : memref<256xf32, #tpu.memory_space<vmem>>, vector<16xf32>,
    %get3A_30 = vector.shape_cast %get3A_29 : vector<16xf32> to vector<16xf32>
    %get3A_31 = arith.constant 144 : index
    %get3A_32 = tpu.vector_load %arg10[%get3A_31] {strides = array<i32>} : memref<256xf32, #tpu.memory_space<vmem>>, vector<16xf32>,
    %get3A_33 = vector.shape_cast %get3A_32 : vector<16xf32> to vector<16xf32>
    %get3A_34 = arith.constant 160 : index
    %get3A_35 = tpu.vector_load %arg10[%get3A_34] {strides = array<i32>} : memref<256xf32, #tpu.memory_space<vmem>>, vector<16xf32>,
    %get3A_36 = vector.shape_cast %get3A_35 : vector<16xf32> to vector<16xf32>
    %get3A_37 = arith.constant 176 : index
    %get3A_38 = tpu.vector_load %arg10[%get3A_37] {strides = array<i32>} : memref<256xf32, #tpu.memory_space<vmem>>, vector<16xf32>,
    %get3A_39 = vector.shape_cast %get3A_38 : vector<16xf32> to vector<16xf32>
    %get3A_40 = arith.constant 192 : index
    %get3A_41 = tpu.vector_load %arg10[%get3A_40] {strides = array<i32>} : memref<256xf32, #tpu.memory_space<vmem>>, vector<16xf32>,
    %get3A_42 = vector.shape_cast %get3A_41 : vector<16xf32> to vector<16xf32>
    %get3A_43 = arith.constant 208 : index
    %get3A_44 = tpu.vector_load %arg10[%get3A_43] {strides = array<i32>} : memref<256xf32, #tpu.memory_space<vmem>>, vector<16xf32>,
    %get3A_45 = vector.shape_cast %get3A_44 : vector<16xf32> to vector<16xf32>
    %get3A_46 = arith.constant 224 : index
    %get3A_47 = tpu.vector_load %arg10[%get3A_46] {strides = array<i32>} : memref<256xf32, #tpu.memory_space<vmem>>, vector<16xf32>,
    %get3A_48 = vector.shape_cast %get3A_47 : vector<16xf32> to vector<16xf32>
    %get3A_49 = arith.constant 240 : index
    %get3A_50 = tpu.vector_load %arg10[%get3A_49] {strides = array<i32>} : memref<256xf32, #tpu.memory_space<vmem>>, vector<16xf32>,
    %get3A_51 = vector.shape_cast %get3A_50 : vector<16xf32> to vector<16xf32>
    %iota3A = tpu.iota {dimensions = array<i32: 0>} : vector<16xi32>
    %dma_start3A = arith.constant 0 : i32
    %dma_start3A_52 = tpu.memref_slice %arg6[%dma_start3A] : memref<2048xi32, #tpu.memory_space<vmem>> -> memref<64xi32, #tpu.memory_space<vmem>>
    %dma_start3A_53 = arith.constant 0 : i32
    %dma_start3A_54 = arith.constant 0 : i32
    %dma_start3A_55 = tpu.memref_slice %arg2[%dma_start3A_53, %dma_start3A_54] : memref<16384x256xf32, #tpu.memory_space<hbm>> -> memref<16384x256xf32, #tpu.memory_space<hbm>>
    tpu.enqueue_indirect_dma source(%dma_start3A_55 : memref<16384x256xf32, #tpu.memory_space<hbm>>) target(%arg7 : memref<64x256xf32, #tpu.memory_space<vmem>>) offsets(%dma_start3A_52 : memref<64xi32, #tpu.memory_space<vmem>>) semaphore(%arg11 : memref<!tpu.dma_semaphore, #tpu.memory_space<semaphore_mem>>)
    %scan3A = arith.constant 0 : i32
    %scan3A_56 = arith.constant 0 : i32
    %scan3A_57 = arith.constant 16 : i32
    %scan3A_58 = arith.addi %scan3A_56, %scan3A_57 : i32
    %scan3A_59 = arith.constant 1 : i32
    %scan3A_60 = scf.for %scan3A_62 = %scan3A_56 to %scan3A_58 step %scan3A_59 iter_args(%scan3A_63 = %scan3A) -> (i32)  : i32 {
      %mul3A_64 = arith.constant 2 : i32
      %mul3A_65 = arith.muli %scan3A_62, %mul3A_64 : i32
      %add3A_66 = arith.constant 1 : i32
      %add3A_67 = arith.addi %mul3A_65, %add3A_66 : i32
      %mul3A_68 = arith.constant 64 : i32
      %mul3A_69 = arith.muli %add3A_67, %mul3A_68 : i32
      %dma_start3A_70 = tpu.memref_slice %arg6[%mul3A_69] : memref<2048xi32, #tpu.memory_space<vmem>> -> memref<64xi32, #tpu.memory_space<vmem>>
      %dma_start3A_71 = arith.constant 0 : i32
      %dma_start3A_72 = arith.constant 0 : i32
      %dma_start3A_73 = tpu.memref_slice %arg2[%dma_start3A_71, %dma_start3A_72] : memref<16384x256xf32, #tpu.memory_space<hbm>> -> memref<16384x256xf32, #tpu.memory_space<hbm>>
      tpu.enqueue_indirect_dma source(%dma_start3A_73 : memref<16384x256xf32, #tpu.memory_space<hbm>>) target(%arg8 : memref<64x256xf32, #tpu.memory_space<vmem>>) offsets(%dma_start3A_70 : memref<64xi32, #tpu.memory_space<vmem>>) semaphore(%arg12 : memref<!tpu.dma_semaphore, #tpu.memory_space<semaphore_mem>>)
      %dma_wait3A = arith.constant 0 : i32
      %dma_wait3A_74 = tpu.memref_slice %arg6[%dma_wait3A] : memref<2048xi32, #tpu.memory_space<vmem>> -> memref<64xi32, #tpu.memory_space<vmem>>
      %dma_wait3A_75 = arith.constant 0 : i32
      %dma_wait3A_76 = arith.constant 0 : i32
      %dma_wait3A_77 = tpu.memref_slice %arg2[%dma_wait3A_75, %dma_wait3A_76] : memref<16384x256xf32, #tpu.memory_space<hbm>> -> memref<16384x256xf32, #tpu.memory_space<hbm>>
      tpu.wait_indirect_dma semaphore(%arg11 : memref<!tpu.dma_semaphore, #tpu.memory_space<semaphore_mem>>) src(%dma_wait3A_77 : memref<16384x256xf32, #tpu.memory_space<hbm>>) dst(%arg7 : memref<64x256xf32, #tpu.memory_space<vmem>>)
      %broadcast_in_dim3A = arith.constant 0.000000e+00 : f32
      %broadcast_in_dim3A_78 = vector.broadcast %broadcast_in_dim3A : f32 to vector<16xf32>
      %scan3A_79 = arith.constant 0 : i32
      %scan3A_80 = arith.constant 16 : i32
      %scan3A_81 = arith.addi %scan3A_79, %scan3A_80 : i32
      %scan3A_82 = arith.constant 2 : i32
      %scan3A_83 = scf.for %scan3A_103 = %scan3A_79 to %scan3A_81 step %scan3A_82 iter_args(%scan3A_104 = %broadcast_in_dim3A_78) -> (vector<16xf32>)  : i32 {
        %mul3A_105 = arith.constant 4 : i32
        %mul3A_106 = arith.muli %scan3A_103, %mul3A_105 : i32
        %broadcast_in_dim3A_107 = arith.constant 0.000000e+00 : f32
        %broadcast_in_dim3A_108 = vector.broadcast %broadcast_in_dim3A_107 : f32 to vector<16xf32>
        %get3A_109 = arith.index_cast %mul3A_106 : i32 to index
        %get3A_110 = arith.constant 0 : index
        %get3A_111 = tpu.vector_load %arg7[%get3A_109, %get3A_110] {strides = array<i32>} : memref<64x256xf32, #tpu.memory_space<vmem>>, vector<1x16xf32>,
        %get3A_112 = vector.shape_cast %get3A_111 : vector<1x16xf32> to vector<16xf32>
        %add3A_113 = arith.constant 1 : i32
        %add3A_114 = arith.addi %mul3A_106, %add3A_113 : i32
        %get3A_115 = arith.index_cast %add3A_114 : i32 to index
        %get3A_116 = arith.constant 0 : index
        %get3A_117 = tpu.vector_load %arg7[%get3A_115, %get3A_116] {strides = array<i32>} : memref<64x256xf32, #tpu.memory_space<vmem>>, vector<1x16xf32>,
        %get3A_118 = vector.shape_cast %get3A_117 : vector<1x16xf32> to vector<16xf32>
        %max3A = arith.maximumf %get3A_112, %get3A_118 : vector<16xf32>
        %add3A_119 = arith.constant 2 : i32
        %add3A_120 = arith.addi %mul3A_106, %add3A_119 : i32
        %get3A_121 = arith.index_cast %add3A_120 : i32 to index
        %get3A_122 = arith.constant 0 : index
        %get3A_123 = tpu.vector_load %arg7[%get3A_121, %get3A_122] {strides = array<i32>} : memref<64x256xf32, #tpu.memory_space<vmem>>, vector<1x16xf32>,
        %get3A_124 = vector.shape_cast %get3A_123 : vector<1x16xf32> to vector<16xf32>
        %add3A_125 = arith.constant 3 : i32
        %add3A_126 = arith.addi %mul3A_106, %add3A_125 : i32
        %get3A_127 = arith.index_cast %add3A_126 : i32 to index
        %get3A_128 = arith.constant 0 : index
        %get3A_129 = tpu.vector_load %arg7[%get3A_127, %get3A_128] {strides = array<i32>} : memref<64x256xf32, #tpu.memory_space<vmem>>, vector<1x16xf32>,
        %get3A_130 = vector.shape_cast %get3A_129 : vector<1x16xf32> to vector<16xf32>
        %max3A_131 = arith.maximumf %get3A_124, %get3A_130 : vector<16xf32>
        %max3A_132 = arith.maximumf %max3A, %max3A_131 : vector<16xf32>
        %mul3A_133 = arith.mulf %max3A_132, %get3A_6 : vector<16xf32>
        %add3A_134 = arith.addf %broadcast_in_dim3A_108, %mul3A_133 : vector<16xf32>
        %get3A_135 = arith.index_cast %mul3A_106 : i32 to index
        %get3A_136 = arith.constant 16 : index
        %get3A_137 = tpu.vector_load %arg7[%get3A_135, %get3A_136] {strides = array<i32>} : memref<64x256xf32, #tpu.memory_space<vmem>>, vector<1x16xf32>,
        %get3A_138 = vector.shape_cast %get3A_137 : vector<1x16xf32> to vector<16xf32>
        %add3A_139 = arith.constant 1 : i32
        %add3A_140 = arith.addi %mul3A_106, %add3A_139 : i32
        %get3A_141 = arith.index_cast %add3A_140 : i32 to index
        %get3A_142 = arith.constant 16 : index
        %get3A_143 = tpu.vector_load %arg7[%get3A_141, %get3A_142] {strides = array<i32>} : memref<64x256xf32, #tpu.memory_space<vmem>>, vector<1x16xf32>,
        %get3A_144 = vector.shape_cast %get3A_143 : vector<1x16xf32> to vector<16xf32>
        %max3A_145 = arith.maximumf %get3A_138, %get3A_144 : vector<16xf32>
        %add3A_146 = arith.constant 2 : i32
        %add3A_147 = arith.addi %mul3A_106, %add3A_146 : i32
        %get3A_148 = arith.index_cast %add3A_147 : i32 to index
        %get3A_149 = arith.constant 16 : index
        %get3A_150 = tpu.vector_load %arg7[%get3A_148, %get3A_149] {strides = array<i32>} : memref<64x256xf32, #tpu.memory_space<vmem>>, vector<1x16xf32>,
        %get3A_151 = vector.shape_cast %get3A_150 : vector<1x16xf32> to vector<16xf32>
        %add3A_152 = arith.constant 3 : i32
        %add3A_153 = arith.addi %mul3A_106, %add3A_152 : i32
        %get3A_154 = arith.index_cast %add3A_153 : i32 to index
        %get3A_155 = arith.constant 16 : index
        %get3A_156 = tpu.vector_load %arg7[%get3A_154, %get3A_155] {strides = array<i32>} : memref<64x256xf32, #tpu.memory_space<vmem>>, vector<1x16xf32>,
        %get3A_157 = vector.shape_cast %get3A_156 : vector<1x16xf32> to vector<16xf32>
        %max3A_158 = arith.maximumf %get3A_151, %get3A_157 : vector<16xf32>
        %max3A_159 = arith.maximumf %max3A_145, %max3A_158 : vector<16xf32>
        %mul3A_160 = arith.mulf %max3A_159, %get3A_9 : vector<16xf32>
        %add3A_161 = arith.addf %add3A_134, %mul3A_160 : vector<16xf32>
        %get3A_162 = arith.index_cast %mul3A_106 : i32 to index
        %get3A_163 = arith.constant 32 : index
        %get3A_164 = tpu.vector_load %arg7[%get3A_162, %get3A_163] {strides = array<i32>} : memref<64x256xf32, #tpu.memory_space<vmem>>, vector<1x16xf32>,
        %get3A_165 = vector.shape_cast %get3A_164 : vector<1x16xf32> to vector<16xf32>
        %add3A_166 = arith.constant 1 : i32
        %add3A_167 = arith.addi %mul3A_106, %add3A_166 : i32
        %get3A_168 = arith.index_cast %add3A_167 : i32 to index
        %get3A_169 = arith.constant 32 : index
        %get3A_170 = tpu.vector_load %arg7[%get3A_168, %get3A_169] {strides = array<i32>} : memref<64x256xf32, #tpu.memory_space<vmem>>, vector<1x16xf32>,
        %get3A_171 = vector.shape_cast %get3A_170 : vector<1x16xf32> to vector<16xf32>
        %max3A_172 = arith.maximumf %get3A_165, %get3A_171 : vector<16xf32>
        %add3A_173 = arith.constant 2 : i32
        %add3A_174 = arith.addi %mul3A_106, %add3A_173 : i32
        %get3A_175 = arith.index_cast %add3A_174 : i32 to index
        %get3A_176 = arith.constant 32 : index
        %get3A_177 = tpu.vector_load %arg7[%get3A_175, %get3A_176] {strides = array<i32>} : memref<64x256xf32, #tpu.memory_space<vmem>>, vector<1x16xf32>,
        %get3A_178 = vector.shape_cast %get3A_177 : vector<1x16xf32> to vector<16xf32>
        %add3A_179 = arith.constant 3 : i32
        %add3A_180 = arith.addi %mul3A_106, %add3A_179 : i32
        %get3A_181 = arith.index_cast %add3A_180 : i32 to index
        %get3A_182 = arith.constant 32 : index
        %get3A_183 = tpu.vector_load %arg7[%get3A_181, %get3A_182] {strides = array<i32>} : memref<64x256xf32, #tpu.memory_space<vmem>>, vector<1x16xf32>,
        %get3A_184 = vector.shape_cast %get3A_183 : vector<1x16xf32> to vector<16xf32>
        %max3A_185 = arith.maximumf %get3A_178, %get3A_184 : vector<16xf32>
        %max3A_186 = arith.maximumf %max3A_172, %max3A_185 : vector<16xf32>
        %mul3A_187 = arith.mulf %max3A_186, %get3A_12 : vector<16xf32>
        %add3A_188 = arith.addf %add3A_161, %mul3A_187 : vector<16xf32>
        %get3A_189 = arith.index_cast %mul3A_106 : i32 to index
        %get3A_190 = arith.constant 48 : index
        %get3A_191 = tpu.vector_load %arg7[%get3A_189, %get3A_190] {strides = array<i32>} : memref<64x256xf32, #tpu.memory_space<vmem>>, vector<1x16xf32>,
        %get3A_192 = vector.shape_cast %get3A_191 : vector<1x16xf32> to vector<16xf32>
        %add3A_193 = arith.constant 1 : i32
        %add3A_194 = arith.addi %mul3A_106, %add3A_193 : i32
        %get3A_195 = arith.index_cast %add3A_194 : i32 to index
        %get3A_196 = arith.constant 48 : index
        %get3A_197 = tpu.vector_load %arg7[%get3A_195, %get3A_196] {strides = array<i32>} : memref<64x256xf32, #tpu.memory_space<vmem>>, vector<1x16xf32>,
        %get3A_198 = vector.shape_cast %get3A_197 : vector<1x16xf32> to vector<16xf32>
        %max3A_199 = arith.maximumf %get3A_192, %get3A_198 : vector<16xf32>
        %add3A_200 = arith.constant 2 : i32
        %add3A_201 = arith.addi %mul3A_106, %add3A_200 : i32
        %get3A_202 = arith.index_cast %add3A_201 : i32 to index
        %get3A_203 = arith.constant 48 : index
        %get3A_204 = tpu.vector_load %arg7[%get3A_202, %get3A_203] {strides = array<i32>} : memref<64x256xf32, #tpu.memory_space<vmem>>, vector<1x16xf32>,
        %get3A_205 = vector.shape_cast %get3A_204 : vector<1x16xf32> to vector<16xf32>
        %add3A_206 = arith.constant 3 : i32
        %add3A_207 = arith.addi %mul3A_106, %add3A_206 : i32
        %get3A_208 = arith.index_cast %add3A_207 : i32 to index
        %get3A_209 = arith.constant 48 : index
        %get3A_210 = tpu.vector_load %arg7[%get3A_208, %get3A_209] {strides = array<i32>} : memref<64x256xf32, #tpu.memory_space<vmem>>, vector<1x16xf32>,
        %get3A_211 = vector.shape_cast %get3A_210 : vector<1x16xf32> to vector<16xf32>
        %max3A_212 = arith.maximumf %get3A_205, %get3A_211 : vector<16xf32>
        %max3A_213 = arith.maximumf %max3A_199, %max3A_212 : vector<16xf32>
        %mul3A_214 = arith.mulf %max3A_213, %get3A_15 : vector<16xf32>
        %add3A_215 = arith.addf %add3A_188, %mul3A_214 : vector<16xf32>
        %get3A_216 = arith.index_cast %mul3A_106 : i32 to index
        %get3A_217 = arith.constant 64 : index
        %get3A_218 = tpu.vector_load %arg7[%get3A_216, %get3A_217] {strides = array<i32>} : memref<64x256xf32, #tpu.memory_space<vmem>>, vector<1x16xf32>,
        %get3A_219 = vector.shape_cast %get3A_218 : vector<1x16xf32> to vector<16xf32>
        %add3A_220 = arith.constant 1 : i32
        %add3A_221 = arith.addi %mul3A_106, %add3A_220 : i32
        %get3A_222 = arith.index_cast %add3A_221 : i32 to index
        %get3A_223 = arith.constant 64 : index
        %get3A_224 = tpu.vector_load %arg7[%get3A_222, %get3A_223] {strides = array<i32>} : memref<64x256xf32, #tpu.memory_space<vmem>>, vector<1x16xf32>,
        %get3A_225 = vector.shape_cast %get3A_224 : vector<1x16xf32> to vector<16xf32>
        %max3A_226 = arith.maximumf %get3A_219, %get3A_225 : vector<16xf32>
        %add3A_227 = arith.constant 2 : i32
        %add3A_228 = arith.addi %mul3A_106, %add3A_227 : i32
        %get3A_229 = arith.index_cast %add3A_228 : i32 to index
        %get3A_230 = arith.constant 64 : index
        %get3A_231 = tpu.vector_load %arg7[%get3A_229, %get3A_230] {strides = array<i32>} : memref<64x256xf32, #tpu.memory_space<vmem>>, vector<1x16xf32>,
        %get3A_232 = vector.shape_cast %get3A_231 : vector<1x16xf32> to vector<16xf32>
        %add3A_233 = arith.constant 3 : i32
        %add3A_234 = arith.addi %mul3A_106, %add3A_233 : i32
        %get3A_235 = arith.index_cast %add3A_234 : i32 to index
        %get3A_236 = arith.constant 64 : index
        %get3A_237 = tpu.vector_load %arg7[%get3A_235, %get3A_236] {strides = array<i32>} : memref<64x256xf32, #tpu.memory_space<vmem>>, vector<1x16xf32>,
        %get3A_238 = vector.shape_cast %get3A_237 : vector<1x16xf32> to vector<16xf32>
        %max3A_239 = arith.maximumf %get3A_232, %get3A_238 : vector<16xf32>
        %max3A_240 = arith.maximumf %max3A_226, %max3A_239 : vector<16xf32>
        %mul3A_241 = arith.mulf %max3A_240, %get3A_18 : vector<16xf32>
        %add3A_242 = arith.addf %add3A_215, %mul3A_241 : vector<16xf32>
        %get3A_243 = arith.index_cast %mul3A_106 : i32 to index
        %get3A_244 = arith.constant 80 : index
        %get3A_245 = tpu.vector_load %arg7[%get3A_243, %get3A_244] {strides = array<i32>} : memref<64x256xf32, #tpu.memory_space<vmem>>, vector<1x16xf32>,
        %get3A_246 = vector.shape_cast %get3A_245 : vector<1x16xf32> to vector<16xf32>
        %add3A_247 = arith.constant 1 : i32
        %add3A_248 = arith.addi %mul3A_106, %add3A_247 : i32
        %get3A_249 = arith.index_cast %add3A_248 : i32 to index
        %get3A_250 = arith.constant 80 : index
        %get3A_251 = tpu.vector_load %arg7[%get3A_249, %get3A_250] {strides = array<i32>} : memref<64x256xf32, #tpu.memory_space<vmem>>, vector<1x16xf32>,
        %get3A_252 = vector.shape_cast %get3A_251 : vector<1x16xf32> to vector<16xf32>
        %max3A_253 = arith.maximumf %get3A_246, %get3A_252 : vector<16xf32>
        %add3A_254 = arith.constant 2 : i32
        %add3A_255 = arith.addi %mul3A_106, %add3A_254 : i32
        %get3A_256 = arith.index_cast %add3A_255 : i32 to index
        %get3A_257 = arith.constant 80 : index
        %get3A_258 = tpu.vector_load %arg7[%get3A_256, %get3A_257] {strides = array<i32>} : memref<64x256xf32, #tpu.memory_space<vmem>>, vector<1x16xf32>,
        %get3A_259 = vector.shape_cast %get3A_258 : vector<1x16xf32> to vector<16xf32>
        %add3A_260 = arith.constant 3 : i32
        %add3A_261 = arith.addi %mul3A_106, %add3A_260 : i32
        %get3A_262 = arith.index_cast %add3A_261 : i32 to index
        %get3A_263 = arith.constant 80 : index
        %get3A_264 = tpu.vector_load %arg7[%get3A_262, %get3A_263] {strides = array<i32>} : memref<64x256xf32, #tpu.memory_space<vmem>>, vector<1x16xf32>,
        %get3A_265 = vector.shape_cast %get3A_264 : vector<1x16xf32> to vector<16xf32>
        %max3A_266 = arith.maximumf %get3A_259, %get3A_265 : vector<16xf32>
        %max3A_267 = arith.maximumf %max3A_253, %max3A_266 : vector<16xf32>
        %mul3A_268 = arith.mulf %max3A_267, %get3A_21 : vector<16xf32>
        %add3A_269 = arith.addf %add3A_242, %mul3A_268 : vector<16xf32>
        %get3A_270 = arith.index_cast %mul3A_106 : i32 to index
        %get3A_271 = arith.constant 96 : index
        %get3A_272 = tpu.vector_load %arg7[%get3A_270, %get3A_271] {strides = array<i32>} : memref<64x256xf32, #tpu.memory_space<vmem>>, vector<1x16xf32>,
        %get3A_273 = vector.shape_cast %get3A_272 : vector<1x16xf32> to vector<16xf32>
        %add3A_274 = arith.constant 1 : i32
        %add3A_275 = arith.addi %mul3A_106, %add3A_274 : i32
        %get3A_276 = arith.index_cast %add3A_275 : i32 to index
        %get3A_277 = arith.constant 96 : index
        %get3A_278 = tpu.vector_load %arg7[%get3A_276, %get3A_277] {strides = array<i32>} : memref<64x256xf32, #tpu.memory_space<vmem>>, vector<1x16xf32>,
        %get3A_279 = vector.shape_cast %get3A_278 : vector<1x16xf32> to vector<16xf32>
        %max3A_280 = arith.maximumf %get3A_273, %get3A_279 : vector<16xf32>
        %add3A_281 = arith.constant 2 : i32
        %add3A_282 = arith.addi %mul3A_106, %add3A_281 : i32
        %get3A_283 = arith.index_cast %add3A_282 : i32 to index
        %get3A_284 = arith.constant 96 : index
        %get3A_285 = tpu.vector_load %arg7[%get3A_283, %get3A_284] {strides = array<i32>} : memref<64x256xf32, #tpu.memory_space<vmem>>, vector<1x16xf32>,
        %get3A_286 = vector.shape_cast %get3A_285 : vector<1x16xf32> to vector<16xf32>
        %add3A_287 = arith.constant 3 : i32
        %add3A_288 = arith.addi %mul3A_106, %add3A_287 : i32
        %get3A_289 = arith.index_cast %add3A_288 : i32 to index
        %get3A_290 = arith.constant 96 : index
        %get3A_291 = tpu.vector_load %arg7[%get3A_289, %get3A_290] {strides = array<i32>} : memref<64x256xf32, #tpu.memory_space<vmem>>, vector<1x16xf32>,
        %get3A_292 = vector.shape_cast %get3A_291 : vector<1x16xf32> to vector<16xf32>
        %max3A_293 = arith.maximumf %get3A_286, %get3A_292 : vector<16xf32>
        %max3A_294 = arith.maximumf %max3A_280, %max3A_293 : vector<16xf32>
        %mul3A_295 = arith.mulf %max3A_294, %get3A_24 : vector<16xf32>
        %add3A_296 = arith.addf %add3A_269, %mul3A_295 : vector<16xf32>
        %get3A_297 = arith.index_cast %mul3A_106 : i32 to index
        %get3A_298 = arith.constant 112 : index
        %get3A_299 = tpu.vector_load %arg7[%get3A_297, %get3A_298] {strides = array<i32>} : memref<64x256xf32, #tpu.memory_space<vmem>>, vector<1x16xf32>,
        %get3A_300 = vector.shape_cast %get3A_299 : vector<1x16xf32> to vector<16xf32>
        %add3A_301 = arith.constant 1 : i32
        %add3A_302 = arith.addi %mul3A_106, %add3A_301 : i32
        %get3A_303 = arith.index_cast %add3A_302 : i32 to index
        %get3A_304 = arith.constant 112 : index
        %get3A_305 = tpu.vector_load %arg7[%get3A_303, %get3A_304] {strides = array<i32>} : memref<64x256xf32, #tpu.memory_space<vmem>>, vector<1x16xf32>,
        %get3A_306 = vector.shape_cast %get3A_305 : vector<1x16xf32> to vector<16xf32>
        %max3A_307 = arith.maximumf %get3A_300, %get3A_306 : vector<16xf32>
        %add3A_308 = arith.constant 2 : i32
        %add3A_309 = arith.addi %mul3A_106, %add3A_308 : i32
        %get3A_310 = arith.index_cast %add3A_309 : i32 to index
        %get3A_311 = arith.constant 112 : index
        %get3A_312 = tpu.vector_load %arg7[%get3A_310, %get3A_311] {strides = array<i32>} : memref<64x256xf32, #tpu.memory_space<vmem>>, vector<1x16xf32>,
        %get3A_313 = vector.shape_cast %get3A_312 : vector<1x16xf32> to vector<16xf32>
        %add3A_314 = arith.constant 3 : i32
        %add3A_315 = arith.addi %mul3A_106, %add3A_314 : i32
        %get3A_316 = arith.index_cast %add3A_315 : i32 to index
        %get3A_317 = arith.constant 112 : index
        %get3A_318 = tpu.vector_load %arg7[%get3A_316, %get3A_317] {strides = array<i32>} : memref<64x256xf32, #tpu.memory_space<vmem>>, vector<1x16xf32>,
        %get3A_319 = vector.shape_cast %get3A_318 : vector<1x16xf32> to vector<16xf32>
        %max3A_320 = arith.maximumf %get3A_313, %get3A_319 : vector<16xf32>
        %max3A_321 = arith.maximumf %max3A_307, %max3A_320 : vector<16xf32>
        %mul3A_322 = arith.mulf %max3A_321, %get3A_27 : vector<16xf32>
        %add3A_323 = arith.addf %add3A_296, %mul3A_322 : vector<16xf32>
        %get3A_324 = arith.index_cast %mul3A_106 : i32 to index
        %get3A_325 = arith.constant 128 : index
        %get3A_326 = tpu.vector_load %arg7[%get3A_324, %get3A_325] {strides = array<i32>} : memref<64x256xf32, #tpu.memory_space<vmem>>, vector<1x16xf32>,
        %get3A_327 = vector.shape_cast %get3A_326 : vector<1x16xf32> to vector<16xf32>
        %add3A_328 = arith.constant 1 : i32
        %add3A_329 = arith.addi %mul3A_106, %add3A_328 : i32
        %get3A_330 = arith.index_cast %add3A_329 : i32 to index
        %get3A_331 = arith.constant 128 : index
        %get3A_332 = tpu.vector_load %arg7[%get3A_330, %get3A_331] {strides = array<i32>} : memref<64x256xf32, #tpu.memory_space<vmem>>, vector<1x16xf32>,
        %get3A_333 = vector.shape_cast %get3A_332 : vector<1x16xf32> to vector<16xf32>
        %max3A_334 = arith.maximumf %get3A_327, %get3A_333 : vector<16xf32>
        %add3A_335 = arith.constant 2 : i32
        %add3A_336 = arith.addi %mul3A_106, %add3A_335 : i32
        %get3A_337 = arith.index_cast %add3A_336 : i32 to index
        %get3A_338 = arith.constant 128 : index
        %get3A_339 = tpu.vector_load %arg7[%get3A_337, %get3A_338] {strides = array<i32>} : memref<64x256xf32, #tpu.memory_space<vmem>>, vector<1x16xf32>,
        %get3A_340 = vector.shape_cast %get3A_339 : vector<1x16xf32> to vector<16xf32>
        %add3A_341 = arith.constant 3 : i32
        %add3A_342 = arith.addi %mul3A_106, %add3A_341 : i32
        %get3A_343 = arith.index_cast %add3A_342 : i32 to index
        %get3A_344 = arith.constant 128 : index
        %get3A_345 = tpu.vector_load %arg7[%get3A_343, %get3A_344] {strides = array<i32>} : memref<64x256xf32, #tpu.memory_space<vmem>>, vector<1x16xf32>,
        %get3A_346 = vector.shape_cast %get3A_345 : vector<1x16xf32> to vector<16xf32>
        %max3A_347 = arith.maximumf %get3A_340, %get3A_346 : vector<16xf32>
        %max3A_348 = arith.maximumf %max3A_334, %max3A_347 : vector<16xf32>
        %mul3A_349 = arith.mulf %max3A_348, %get3A_30 : vector<16xf32>
        %add3A_350 = arith.addf %add3A_323, %mul3A_349 : vector<16xf32>
        %get3A_351 = arith.index_cast %mul3A_106 : i32 to index
        %get3A_352 = arith.constant 144 : index
        %get3A_353 = tpu.vector_load %arg7[%get3A_351, %get3A_352] {strides = array<i32>} : memref<64x256xf32, #tpu.memory_space<vmem>>, vector<1x16xf32>,
        %get3A_354 = vector.shape_cast %get3A_353 : vector<1x16xf32> to vector<16xf32>
        %add3A_355 = arith.constant 1 : i32
        %add3A_356 = arith.addi %mul3A_106, %add3A_355 : i32
        %get3A_357 = arith.index_cast %add3A_356 : i32 to index
        %get3A_358 = arith.constant 144 : index
        %get3A_359 = tpu.vector_load %arg7[%get3A_357, %get3A_358] {strides = array<i32>} : memref<64x256xf32, #tpu.memory_space<vmem>>, vector<1x16xf32>,
        %get3A_360 = vector.shape_cast %get3A_359 : vector<1x16xf32> to vector<16xf32>
        %max3A_361 = arith.maximumf %get3A_354, %get3A_360 : vector<16xf32>
        %add3A_362 = arith.constant 2 : i32
        %add3A_363 = arith.addi %mul3A_106, %add3A_362 : i32
        %get3A_364 = arith.index_cast %add3A_363 : i32 to index
        %get3A_365 = arith.constant 144 : index
        %get3A_366 = tpu.vector_load %arg7[%get3A_364, %get3A_365] {strides = array<i32>} : memref<64x256xf32, #tpu.memory_space<vmem>>, vector<1x16xf32>,
        %get3A_367 = vector.shape_cast %get3A_366 : vector<1x16xf32> to vector<16xf32>
        %add3A_368 = arith.constant 3 : i32
        %add3A_369 = arith.addi %mul3A_106, %add3A_368 : i32
        %get3A_370 = arith.index_cast %add3A_369 : i32 to index
        %get3A_371 = arith.constant 144 : index
        %get3A_372 = tpu.vector_load %arg7[%get3A_370, %get3A_371] {strides = array<i32>} : memref<64x256xf32, #tpu.memory_space<vmem>>, vector<1x16xf32>,
        %get3A_373 = vector.shape_cast %get3A_372 : vector<1x16xf32> to vector<16xf32>
        %max3A_374 = arith.maximumf %get3A_367, %get3A_373 : vector<16xf32>
        %max3A_375 = arith.maximumf %max3A_361, %max3A_374 : vector<16xf32>
        %mul3A_376 = arith.mulf %max3A_375, %get3A_33 : vector<16xf32>
        %add3A_377 = arith.addf %add3A_350, %mul3A_376 : vector<16xf32>
        %get3A_378 = arith.index_cast %mul3A_106 : i32 to index
        %get3A_379 = arith.constant 160 : index
        %get3A_380 = tpu.vector_load %arg7[%get3A_378, %get3A_379] {strides = array<i32>} : memref<64x256xf32, #tpu.memory_space<vmem>>, vector<1x16xf32>,
        %get3A_381 = vector.shape_cast %get3A_380 : vector<1x16xf32> to vector<16xf32>
        %add3A_382 = arith.constant 1 : i32
        %add3A_383 = arith.addi %mul3A_106, %add3A_382 : i32
        %get3A_384 = arith.index_cast %add3A_383 : i32 to index
        %get3A_385 = arith.constant 160 : index
        %get3A_386 = tpu.vector_load %arg7[%get3A_384, %get3A_385] {strides = array<i32>} : memref<64x256xf32, #tpu.memory_space<vmem>>, vector<1x16xf32>,
        %get3A_387 = vector.shape_cast %get3A_386 : vector<1x16xf32> to vector<16xf32>
        %max3A_388 = arith.maximumf %get3A_381, %get3A_387 : vector<16xf32>
        %add3A_389 = arith.constant 2 : i32
        %add3A_390 = arith.addi %mul3A_106, %add3A_389 : i32
        %get3A_391 = arith.index_cast %add3A_390 : i32 to index
        %get3A_392 = arith.constant 160 : index
        %get3A_393 = tpu.vector_load %arg7[%get3A_391, %get3A_392] {strides = array<i32>} : memref<64x256xf32, #tpu.memory_space<vmem>>, vector<1x16xf32>,
        %get3A_394 = vector.shape_cast %get3A_393 : vector<1x16xf32> to vector<16xf32>
        %add3A_395 = arith.constant 3 : i32
        %add3A_396 = arith.addi %mul3A_106, %add3A_395 : i32
        %get3A_397 = arith.index_cast %add3A_396 : i32 to index
        %get3A_398 = arith.constant 160 : index
        %get3A_399 = tpu.vector_load %arg7[%get3A_397, %get3A_398] {strides = array<i32>} : memref<64x256xf32, #tpu.memory_space<vmem>>, vector<1x16xf32>,
        %get3A_400 = vector.shape_cast %get3A_399 : vector<1x16xf32> to vector<16xf32>
        %max3A_401 = arith.maximumf %get3A_394, %get3A_400 : vector<16xf32>
        %max3A_402 = arith.maximumf %max3A_388, %max3A_401 : vector<16xf32>
        %mul3A_403 = arith.mulf %max3A_402, %get3A_36 : vector<16xf32>
        %add3A_404 = arith.addf %add3A_377, %mul3A_403 : vector<16xf32>
        %get3A_405 = arith.index_cast %mul3A_106 : i32 to index
        %get3A_406 = arith.constant 176 : index
        %get3A_407 = tpu.vector_load %arg7[%get3A_405, %get3A_406] {strides = array<i32>} : memref<64x256xf32, #tpu.memory_space<vmem>>, vector<1x16xf32>,
        %get3A_408 = vector.shape_cast %get3A_407 : vector<1x16xf32> to vector<16xf32>
        %add3A_409 = arith.constant 1 : i32
        %add3A_410 = arith.addi %mul3A_106, %add3A_409 : i32
        %get3A_411 = arith.index_cast %add3A_410 : i32 to index
        %get3A_412 = arith.constant 176 : index
        %get3A_413 = tpu.vector_load %arg7[%get3A_411, %get3A_412] {strides = array<i32>} : memref<64x256xf32, #tpu.memory_space<vmem>>, vector<1x16xf32>,
        %get3A_414 = vector.shape_cast %get3A_413 : vector<1x16xf32> to vector<16xf32>
        %max3A_415 = arith.maximumf %get3A_408, %get3A_414 : vector<16xf32>
        %add3A_416 = arith.constant 2 : i32
        %add3A_417 = arith.addi %mul3A_106, %add3A_416 : i32
        %get3A_418 = arith.index_cast %add3A_417 : i32 to index
        %get3A_419 = arith.constant 176 : index
        %get3A_420 = tpu.vector_load %arg7[%get3A_418, %get3A_419] {strides = array<i32>} : memref<64x256xf32, #tpu.memory_space<vmem>>, vector<1x16xf32>,
        %get3A_421 = vector.shape_cast %get3A_420 : vector<1x16xf32> to vector<16xf32>
        %add3A_422 = arith.constant 3 : i32
        %add3A_423 = arith.addi %mul3A_106, %add3A_422 : i32
        %get3A_424 = arith.index_cast %add3A_423 : i32 to index
        %get3A_425 = arith.constant 176 : index
        %get3A_426 = tpu.vector_load %arg7[%get3A_424, %get3A_425] {strides = array<i32>} : memref<64x256xf32, #tpu.memory_space<vmem>>, vector<1x16xf32>,
        %get3A_427 = vector.shape_cast %get3A_426 : vector<1x16xf32> to vector<16xf32>
        %max3A_428 = arith.maximumf %get3A_421, %get3A_427 : vector<16xf32>
        %max3A_429 = arith.maximumf %max3A_415, %max3A_428 : vector<16xf32>
        %mul3A_430 = arith.mulf %max3A_429, %get3A_39 : vector<16xf32>
        %add3A_431 = arith.addf %add3A_404, %mul3A_430 : vector<16xf32>
        %get3A_432 = arith.index_cast %mul3A_106 : i32 to index
        %get3A_433 = arith.constant 192 : index
        %get3A_434 = tpu.vector_load %arg7[%get3A_432, %get3A_433] {strides = array<i32>} : memref<64x256xf32, #tpu.memory_space<vmem>>, vector<1x16xf32>,
        %get3A_435 = vector.shape_cast %get3A_434 : vector<1x16xf32> to vector<16xf32>
        %add3A_436 = arith.constant 1 : i32
        %add3A_437 = arith.addi %mul3A_106, %add3A_436 : i32
        %get3A_438 = arith.index_cast %add3A_437 : i32 to index
        %get3A_439 = arith.constant 192 : index
        %get3A_440 = tpu.vector_load %arg7[%get3A_438, %get3A_439] {strides = array<i32>} : memref<64x256xf32, #tpu.memory_space<vmem>>, vector<1x16xf32>,
        %get3A_441 = vector.shape_cast %get3A_440 : vector<1x16xf32> to vector<16xf32>
        %max3A_442 = arith.maximumf %get3A_435, %get3A_441 : vector<16xf32>
        %add3A_443 = arith.constant 2 : i32
        %add3A_444 = arith.addi %mul3A_106, %add3A_443 : i32
        %get3A_445 = arith.index_cast %add3A_444 : i32 to index
        %get3A_446 = arith.constant 192 : index
        %get3A_447 = tpu.vector_load %arg7[%get3A_445, %get3A_446] {strides = array<i32>} : memref<64x256xf32, #tpu.memory_space<vmem>>, vector<1x16xf32>,
        %get3A_448 = vector.shape_cast %get3A_447 : vector<1x16xf32> to vector<16xf32>
        %add3A_449 = arith.constant 3 : i32
        %add3A_450 = arith.addi %mul3A_106, %add3A_449 : i32
        %get3A_451 = arith.index_cast %add3A_450 : i32 to index
        %get3A_452 = arith.constant 192 : index
        %get3A_453 = tpu.vector_load %arg7[%get3A_451, %get3A_452] {strides = array<i32>} : memref<64x256xf32, #tpu.memory_space<vmem>>, vector<1x16xf32>,
        %get3A_454 = vector.shape_cast %get3A_453 : vector<1x16xf32> to vector<16xf32>
        %max3A_455 = arith.maximumf %get3A_448, %get3A_454 : vector<16xf32>
        %max3A_456 = arith.maximumf %max3A_442, %max3A_455 : vector<16xf32>
        %mul3A_457 = arith.mulf %max3A_456, %get3A_42 : vector<16xf32>
        %add3A_458 = arith.addf %add3A_431, %mul3A_457 : vector<16xf32>
        %get3A_459 = arith.index_cast %mul3A_106 : i32 to index
        %get3A_460 = arith.constant 208 : index
        %get3A_461 = tpu.vector_load %arg7[%get3A_459, %get3A_460] {strides = array<i32>} : memref<64x256xf32, #tpu.memory_space<vmem>>, vector<1x16xf32>,
        %get3A_462 = vector.shape_cast %get3A_461 : vector<1x16xf32> to vector<16xf32>
        %add3A_463 = arith.constant 1 : i32
        %add3A_464 = arith.addi %mul3A_106, %add3A_463 : i32
        %get3A_465 = arith.index_cast %add3A_464 : i32 to index
        %get3A_466 = arith.constant 208 : index
        %get3A_467 = tpu.vector_load %arg7[%get3A_465, %get3A_466] {strides = array<i32>} : memref<64x256xf32, #tpu.memory_space<vmem>>, vector<1x16xf32>,
        %get3A_468 = vector.shape_cast %get3A_467 : vector<1x16xf32> to vector<16xf32>
        %max3A_469 = arith.maximumf %get3A_462, %get3A_468 : vector<16xf32>
        %add3A_470 = arith.constant 2 : i32
        %add3A_471 = arith.addi %mul3A_106, %add3A_470 : i32
        %get3A_472 = arith.index_cast %add3A_471 : i32 to index
        %get3A_473 = arith.constant 208 : index
        %get3A_474 = tpu.vector_load %arg7[%get3A_472, %get3A_473] {strides = array<i32>} : memref<64x256xf32, #tpu.memory_space<vmem>>, vector<1x16xf32>,
        %get3A_475 = vector.shape_cast %get3A_474 : vector<1x16xf32> to vector<16xf32>
        %add3A_476 = arith.constant 3 : i32
        %add3A_477 = arith.addi %mul3A_106, %add3A_476 : i32
        %get3A_478 = arith.index_cast %add3A_477 : i32 to index
        %get3A_479 = arith.constant 208 : index
        %get3A_480 = tpu.vector_load %arg7[%get3A_478, %get3A_479] {strides = array<i32>} : memref<64x256xf32, #tpu.memory_space<vmem>>, vector<1x16xf32>,
        %get3A_481 = vector.shape_cast %get3A_480 : vector<1x16xf32> to vector<16xf32>
        %max3A_482 = arith.maximumf %get3A_475, %get3A_481 : vector<16xf32>
        %max3A_483 = arith.maximumf %max3A_469, %max3A_482 : vector<16xf32>
        %mul3A_484 = arith.mulf %max3A_483, %get3A_45 : vector<16xf32>
        %add3A_485 = arith.addf %add3A_458, %mul3A_484 : vector<16xf32>
        %get3A_486 = arith.index_cast %mul3A_106 : i32 to index
        %get3A_487 = arith.constant 224 : index
        %get3A_488 = tpu.vector_load %arg7[%get3A_486, %get3A_487] {strides = array<i32>} : memref<64x256xf32, #tpu.memory_space<vmem>>, vector<1x16xf32>,
        %get3A_489 = vector.shape_cast %get3A_488 : vector<1x16xf32> to vector<16xf32>
        %add3A_490 = arith.constant 1 : i32
        %add3A_491 = arith.addi %mul3A_106, %add3A_490 : i32
        %get3A_492 = arith.index_cast %add3A_491 : i32 to index
        %get3A_493 = arith.constant 224 : index
        %get3A_494 = tpu.vector_load %arg7[%get3A_492, %get3A_493] {strides = array<i32>} : memref<64x256xf32, #tpu.memory_space<vmem>>, vector<1x16xf32>,
        %get3A_495 = vector.shape_cast %get3A_494 : vector<1x16xf32> to vector<16xf32>
        %max3A_496 = arith.maximumf %get3A_489, %get3A_495 : vector<16xf32>
        %add3A_497 = arith.constant 2 : i32
        %add3A_498 = arith.addi %mul3A_106, %add3A_497 : i32
        %get3A_499 = arith.index_cast %add3A_498 : i32 to index
        %get3A_500 = arith.constant 224 : index
        %get3A_501 = tpu.vector_load %arg7[%get3A_499, %get3A_500] {strides = array<i32>} : memref<64x256xf32, #tpu.memory_space<vmem>>, vector<1x16xf32>,
        %get3A_502 = vector.shape_cast %get3A_501 : vector<1x16xf32> to vector<16xf32>
        %add3A_503 = arith.constant 3 : i32
        %add3A_504 = arith.addi %mul3A_106, %add3A_503 : i32
        %get3A_505 = arith.index_cast %add3A_504 : i32 to index
        %get3A_506 = arith.constant 224 : index
        %get3A_507 = tpu.vector_load %arg7[%get3A_505, %get3A_506] {strides = array<i32>} : memref<64x256xf32, #tpu.memory_space<vmem>>, vector<1x16xf32>,
        %get3A_508 = vector.shape_cast %get3A_507 : vector<1x16xf32> to vector<16xf32>
        %max3A_509 = arith.maximumf %get3A_502, %get3A_508 : vector<16xf32>
        %max3A_510 = arith.maximumf %max3A_496, %max3A_509 : vector<16xf32>
        %mul3A_511 = arith.mulf %max3A_510, %get3A_48 : vector<16xf32>
        %add3A_512 = arith.addf %add3A_485, %mul3A_511 : vector<16xf32>
        %get3A_513 = arith.index_cast %mul3A_106 : i32 to index
        %get3A_514 = arith.constant 240 : index
        %get3A_515 = tpu.vector_load %arg7[%get3A_513, %get3A_514] {strides = array<i32>} : memref<64x256xf32, #tpu.memory_space<vmem>>, vector<1x16xf32>,
        %get3A_516 = vector.shape_cast %get3A_515 : vector<1x16xf32> to vector<16xf32>
        %add3A_517 = arith.constant 1 : i32
        %add3A_518 = arith.addi %mul3A_106, %add3A_517 : i32
        %get3A_519 = arith.index_cast %add3A_518 : i32 to index
        %get3A_520 = arith.constant 240 : index
        %get3A_521 = tpu.vector_load %arg7[%get3A_519, %get3A_520] {strides = array<i32>} : memref<64x256xf32, #tpu.memory_space<vmem>>, vector<1x16xf32>,
        %get3A_522 = vector.shape_cast %get3A_521 : vector<1x16xf32> to vector<16xf32>
        %max3A_523 = arith.maximumf %get3A_516, %get3A_522 : vector<16xf32>
        %add3A_524 = arith.constant 2 : i32
        %add3A_525 = arith.addi %mul3A_106, %add3A_524 : i32
        %get3A_526 = arith.index_cast %add3A_525 : i32 to index
        %get3A_527 = arith.constant 240 : index
        %get3A_528 = tpu.vector_load %arg7[%get3A_526, %get3A_527] {strides = array<i32>} : memref<64x256xf32, #tpu.memory_space<vmem>>, vector<1x16xf32>,
        %get3A_529 = vector.shape_cast %get3A_528 : vector<1x16xf32> to vector<16xf32>
        %add3A_530 = arith.constant 3 : i32
        %add3A_531 = arith.addi %mul3A_106, %add3A_530 : i32
        %get3A_532 = arith.index_cast %add3A_531 : i32 to index
        %get3A_533 = arith.constant 240 : index
        %get3A_534 = tpu.vector_load %arg7[%get3A_532, %get3A_533] {strides = array<i32>} : memref<64x256xf32, #tpu.memory_space<vmem>>, vector<1x16xf32>,
        %get3A_535 = vector.shape_cast %get3A_534 : vector<1x16xf32> to vector<16xf32>
        %max3A_536 = arith.maximumf %get3A_529, %get3A_535 : vector<16xf32>
        %max3A_537 = arith.maximumf %max3A_523, %max3A_536 : vector<16xf32>
        %mul3A_538 = arith.mulf %max3A_537, %get3A_51 : vector<16xf32>
        %add3A_539 = arith.addf %add3A_512, %mul3A_538 : vector<16xf32>
        %and3A = arith.constant 15 : i32
        %and3A_540 = arith.andi %scan3A_103, %and3A : i32
        %eq3A = vector.broadcast %and3A_540 : i32 to vector<16xi32>
        %eq3A_541 = arith.cmpi eq, %iota3A, %eq3A : vector<16xi32>
        %xor3A = arith.constant 1 : i32
        %xor3A_542 = vector.broadcast %xor3A : i32 to vector<16xi32>
        %xor3A_543 = arith.xori %iota3A, %xor3A_542 : vector<16xi32>
        %lt3A_544 = arith.constant 0 : i32
        %lt3A_545 = vector.broadcast %lt3A_544 : i32 to vector<16xi32>
        %lt3A_546 = arith.cmpi slt, %xor3A_543, %lt3A_545 : vector<16xi32>
        %add3A_547 = arith.constant 16 : i32
        %add3A_548 = vector.broadcast %add3A_547 : i32 to vector<16xi32>
        %add3A_549 = arith.addi %xor3A_543, %add3A_548 : vector<16xi32>
        %select_n3A = arith.select %lt3A_546, %add3A_549, %xor3A_543 : vector<16xi1>, vector<16xi32>
        %broadcast_in_dim3A_550 = vector.shape_cast %select_n3A : vector<16xi32> to vector<16x1xi32>
        %gather3A = vector.shape_cast %broadcast_in_dim3A_550 : vector<16x1xi32> to vector<16xi32>
        %gather3A_551 = tpu.dynamic_gather %add3A_539[%gather3A] in [0] : vector<16xf32>, vector<16xi32> -> vector<16xf32>
        %add3A_552 = arith.addf %add3A_539, %gather3A_551 : vector<16xf32>
        %xor3A_553 = arith.constant 2 : i32
        %xor3A_554 = vector.broadcast %xor3A_553 : i32 to vector<16xi32>
        %xor3A_555 = arith.xori %iota3A, %xor3A_554 : vector<16xi32>
        %lt3A_556 = arith.constant 0 : i32
        %lt3A_557 = vector.broadcast %lt3A_556 : i32 to vector<16xi32>
        %lt3A_558 = arith.cmpi slt, %xor3A_555, %lt3A_557 : vector<16xi32>
        %add3A_559 = arith.constant 16 : i32
        %add3A_560 = vector.broadcast %add3A_559 : i32 to vector<16xi32>
        %add3A_561 = arith.addi %xor3A_555, %add3A_560 : vector<16xi32>
        %select_n3A_562 = arith.select %lt3A_558, %add3A_561, %xor3A_555 : vector<16xi1>, vector<16xi32>
        %broadcast_in_dim3A_563 = vector.shape_cast %select_n3A_562 : vector<16xi32> to vector<16x1xi32>
        %gather3A_564 = vector.shape_cast %broadcast_in_dim3A_563 : vector<16x1xi32> to vector<16xi32>
        %gather3A_565 = tpu.dynamic_gather %add3A_552[%gather3A_564] in [0] : vector<16xf32>, vector<16xi32> -> vector<16xf32>
        %add3A_566 = arith.addf %add3A_552, %gather3A_565 : vector<16xf32>
        %xor3A_567 = arith.constant 4 : i32
        %xor3A_568 = vector.broadcast %xor3A_567 : i32 to vector<16xi32>
        %xor3A_569 = arith.xori %iota3A, %xor3A_568 : vector<16xi32>
        %lt3A_570 = arith.constant 0 : i32
        %lt3A_571 = vector.broadcast %lt3A_570 : i32 to vector<16xi32>
        %lt3A_572 = arith.cmpi slt, %xor3A_569, %lt3A_571 : vector<16xi32>
        %add3A_573 = arith.constant 16 : i32
        %add3A_574 = vector.broadcast %add3A_573 : i32 to vector<16xi32>
        %add3A_575 = arith.addi %xor3A_569, %add3A_574 : vector<16xi32>
        %select_n3A_576 = arith.select %lt3A_572, %add3A_575, %xor3A_569 : vector<16xi1>, vector<16xi32>
        %broadcast_in_dim3A_577 = vector.shape_cast %select_n3A_576 : vector<16xi32> to vector<16x1xi32>
        %gather3A_578 = vector.shape_cast %broadcast_in_dim3A_577 : vector<16x1xi32> to vector<16xi32>
        %gather3A_579 = tpu.dynamic_gather %add3A_566[%gather3A_578] in [0] : vector<16xf32>, vector<16xi32> -> vector<16xf32>
        %add3A_580 = arith.addf %add3A_566, %gather3A_579 : vector<16xf32>
        %xor3A_581 = arith.constant 8 : i32
        %xor3A_582 = vector.broadcast %xor3A_581 : i32 to vector<16xi32>
        %xor3A_583 = arith.xori %iota3A, %xor3A_582 : vector<16xi32>
        %lt3A_584 = arith.constant 0 : i32
        %lt3A_585 = vector.broadcast %lt3A_584 : i32 to vector<16xi32>
        %lt3A_586 = arith.cmpi slt, %xor3A_583, %lt3A_585 : vector<16xi32>
        %add3A_587 = arith.constant 16 : i32
        %add3A_588 = vector.broadcast %add3A_587 : i32 to vector<16xi32>
        %add3A_589 = arith.addi %xor3A_583, %add3A_588 : vector<16xi32>
        %select_n3A_590 = arith.select %lt3A_586, %add3A_589, %xor3A_583 : vector<16xi1>, vector<16xi32>
        %broadcast_in_dim3A_591 = vector.shape_cast %select_n3A_590 : vector<16xi32> to vector<16x1xi32>
        %gather3A_592 = vector.shape_cast %broadcast_in_dim3A_591 : vector<16x1xi32> to vector<16xi32>
        %gather3A_593 = tpu.dynamic_gather %add3A_580[%gather3A_592] in [0] : vector<16xf32>, vector<16xi32> -> vector<16xf32>
        %add3A_594 = arith.addf %add3A_580, %gather3A_593 : vector<16xf32>
        %select_n3A_595 = arith.select %eq3A_541, %add3A_594, %scan3A_104 : vector<16xi1>, vector<16xf32>
        %eq3A_596 = arith.constant 15 : i32
        %eq3A_597 = arith.cmpi eq, %and3A_540, %eq3A_596 : i32
        %convert_element_type3A_598 = arith.extui %eq3A_597 : i1 to i32
        %cond3A_599 = arith.constant 0 : i32
        %cond3A_600 = arith.cmpi ne, %convert_element_type3A_598, %cond3A_599 : i32
        scf.if %cond3A_600 {
          %mul3A_1105 = arith.constant 16 : i32
          %mul3A_1106 = arith.muli %mul3A_65, %mul3A_1105 : i32
          %add3A_1107 = arith.addi %mul3A_1106, %scan3A_103 : i32
          %sub3A = arith.constant 15 : i32
          %sub3A_1108 = arith.subi %add3A_1107, %sub3A : i32
          %swap3A = arith.index_cast %sub3A_1108 : i32 to index
          %swap3A_1109 = tpu.vector_load %arg9[%swap3A] {strides = array<i32>} : memref<512xf32, #tpu.memory_space<vmem>>, vector<16xf32>,
          %swap3A_1110 = vector.shape_cast %swap3A_1109 : vector<16xf32> to vector<16xf32>
          %swap3A_1111 = vector.shape_cast %select_n3A_595 : vector<16xf32> to vector<16xf32>
          tpu.vector_store %arg9[%swap3A], %swap3A_1111 {strides = array<i32>} : memref<512xf32, #tpu.memory_space<vmem>>, vector<16xf32>,
        } else {
        }
        %scan3A_601 = arith.constant 1 : i32
        %scan3A_602 = arith.addi %scan3A_103, %scan3A_601 : i32
        %mul3A_603 = arith.constant 4 : i32
        %mul3A_604 = arith.muli %scan3A_602, %mul3A_603 : i32
        %broadcast_in_dim3A_605 = arith.constant 0.000000e+00 : f32
        %broadcast_in_dim3A_606 = vector.broadcast %broadcast_in_dim3A_605 : f32 to vector<16xf32>
        %get3A_607 = arith.index_cast %mul3A_604 : i32 to index
        %get3A_608 = arith.constant 0 : index
        %get3A_609 = tpu.vector_load %arg7[%get3A_607, %get3A_608] {strides = array<i32>} : memref<64x256xf32, #tpu.memory_space<vmem>>, vector<1x16xf32>,
        %get3A_610 = vector.shape_cast %get3A_609 : vector<1x16xf32> to vector<16xf32>
        %add3A_611 = arith.constant 1 : i32
        %add3A_612 = arith.addi %mul3A_604, %add3A_611 : i32
        %get3A_613 = arith.index_cast %add3A_612 : i32 to index
        %get3A_614 = arith.constant 0 : index
        %get3A_615 = tpu.vector_load %arg7[%get3A_613, %get3A_614] {strides = array<i32>} : memref<64x256xf32, #tpu.memory_space<vmem>>, vector<1x16xf32>,
        %get3A_616 = vector.shape_cast %get3A_615 : vector<1x16xf32> to vector<16xf32>
        %max3A_617 = arith.maximumf %get3A_610, %get3A_616 : vector<16xf32>
        %add3A_618 = arith.constant 2 : i32
        %add3A_619 = arith.addi %mul3A_604, %add3A_618 : i32
        %get3A_620 = arith.index_cast %add3A_619 : i32 to index
        %get3A_621 = arith.constant 0 : index
        %get3A_622 = tpu.vector_load %arg7[%get3A_620, %get3A_621] {strides = array<i32>} : memref<64x256xf32, #tpu.memory_space<vmem>>, vector<1x16xf32>,
        %get3A_623 = vector.shape_cast %get3A_622 : vector<1x16xf32> to vector<16xf32>
        %add3A_624 = arith.constant 3 : i32
        %add3A_625 = arith.addi %mul3A_604, %add3A_624 : i32
        %get3A_626 = arith.index_cast %add3A_625 : i32 to index
        %get3A_627 = arith.constant 0 : index
        %get3A_628 = tpu.vector_load %arg7[%get3A_626, %get3A_627] {strides = array<i32>} : memref<64x256xf32, #tpu.memory_space<vmem>>, vector<1x16xf32>,
        %get3A_629 = vector.shape_cast %get3A_628 : vector<1x16xf32> to vector<16xf32>
        %max3A_630 = arith.maximumf %get3A_623, %get3A_629 : vector<16xf32>
        %max3A_631 = arith.maximumf %max3A_617, %max3A_630 : vector<16xf32>
        %mul3A_632 = arith.mulf %max3A_631, %get3A_6 : vector<16xf32>
        %add3A_633 = arith.addf %broadcast_in_dim3A_606, %mul3A_632 : vector<16xf32>
        %get3A_634 = arith.index_cast %mul3A_604 : i32 to index
        %get3A_635 = arith.constant 16 : index
        %get3A_636 = tpu.vector_load %arg7[%get3A_634, %get3A_635] {strides = array<i32>} : memref<64x256xf32, #tpu.memory_space<vmem>>, vector<1x16xf32>,
        %get3A_637 = vector.shape_cast %get3A_636 : vector<1x16xf32> to vector<16xf32>
        %add3A_638 = arith.constant 1 : i32
        %add3A_639 = arith.addi %mul3A_604, %add3A_638 : i32
        %get3A_640 = arith.index_cast %add3A_639 : i32 to index
        %get3A_641 = arith.constant 16 : index
        %get3A_642 = tpu.vector_load %arg7[%get3A_640, %get3A_641] {strides = array<i32>} : memref<64x256xf32, #tpu.memory_space<vmem>>, vector<1x16xf32>,
        %get3A_643 = vector.shape_cast %get3A_642 : vector<1x16xf32> to vector<16xf32>
        %max3A_644 = arith.maximumf %get3A_637, %get3A_643 : vector<16xf32>
        %add3A_645 = arith.constant 2 : i32
        %add3A_646 = arith.addi %mul3A_604, %add3A_645 : i32
        %get3A_647 = arith.index_cast %add3A_646 : i32 to index
        %get3A_648 = arith.constant 16 : index
        %get3A_649 = tpu.vector_load %arg7[%get3A_647, %get3A_648] {strides = array<i32>} : memref<64x256xf32, #tpu.memory_space<vmem>>, vector<1x16xf32>,
        %get3A_650 = vector.shape_cast %get3A_649 : vector<1x16xf32> to vector<16xf32>
        %add3A_651 = arith.constant 3 : i32
        %add3A_652 = arith.addi %mul3A_604, %add3A_651 : i32
        %get3A_653 = arith.index_cast %add3A_652 : i32 to index
        %get3A_654 = arith.constant 16 : index
        %get3A_655 = tpu.vector_load %arg7[%get3A_653, %get3A_654] {strides = array<i32>} : memref<64x256xf32, #tpu.memory_space<vmem>>, vector<1x16xf32>,
        %get3A_656 = vector.shape_cast %get3A_655 : vector<1x16xf32> to vector<16xf32>
        %max3A_657 = arith.maximumf %get3A_650, %get3A_656 : vector<16xf32>
        %max3A_658 = arith.maximumf %max3A_644, %max3A_657 : vector<16xf32>
        %mul3A_659 = arith.mulf %max3A_658, %get3A_9 : vector<16xf32>
        %add3A_660 = arith.addf %add3A_633, %mul3A_659 : vector<16xf32>
        %get3A_661 = arith.index_cast %mul3A_604 : i32 to index
        %get3A_662 = arith.constant 32 : index
        %get3A_663 = tpu.vector_load %arg7[%get3A_661, %get3A_662] {strides = array<i32>} : memref<64x256xf32, #tpu.memory_space<vmem>>, vector<1x16xf32>,
        %get3A_664 = vector.shape_cast %get3A_663 : vector<1x16xf32> to vector<16xf32>
        %add3A_665 = arith.constant 1 : i32
        %add3A_666 = arith.addi %mul3A_604, %add3A_665 : i32
        %get3A_667 = arith.index_cast %add3A_666 : i32 to index
        %get3A_668 = arith.constant 32 : index
        %get3A_669 = tpu.vector_load %arg7[%get3A_667, %get3A_668] {strides = array<i32>} : memref<64x256xf32, #tpu.memory_space<vmem>>, vector<1x16xf32>,
        %get3A_670 = vector.shape_cast %get3A_669 : vector<1x16xf32> to vector<16xf32>
        %max3A_671 = arith.maximumf %get3A_664, %get3A_670 : vector<16xf32>
        %add3A_672 = arith.constant 2 : i32
        %add3A_673 = arith.addi %mul3A_604, %add3A_672 : i32
        %get3A_674 = arith.index_cast %add3A_673 : i32 to index
        %get3A_675 = arith.constant 32 : index
        %get3A_676 = tpu.vector_load %arg7[%get3A_674, %get3A_675] {strides = array<i32>} : memref<64x256xf32, #tpu.memory_space<vmem>>, vector<1x16xf32>,
        %get3A_677 = vector.shape_cast %get3A_676 : vector<1x16xf32> to vector<16xf32>
        %add3A_678 = arith.constant 3 : i32
        %add3A_679 = arith.addi %mul3A_604, %add3A_678 : i32
        %get3A_680 = arith.index_cast %add3A_679 : i32 to index
        %get3A_681 = arith.constant 32 : index
        %get3A_682 = tpu.vector_load %arg7[%get3A_680, %get3A_681] {strides = array<i32>} : memref<64x256xf32, #tpu.memory_space<vmem>>, vector<1x16xf32>,
        %get3A_683 = vector.shape_cast %get3A_682 : vector<1x16xf32> to vector<16xf32>
        %max3A_684 = arith.maximumf %get3A_677, %get3A_683 : vector<16xf32>
        %max3A_685 = arith.maximumf %max3A_671, %max3A_684 : vector<16xf32>
        %mul3A_686 = arith.mulf %max3A_685, %get3A_12 : vector<16xf32>
        %add3A_687 = arith.addf %add3A_660, %mul3A_686 : vector<16xf32>
        %get3A_688 = arith.index_cast %mul3A_604 : i32 to index
        %get3A_689 = arith.constant 48 : index
        %get3A_690 = tpu.vector_load %arg7[%get3A_688, %get3A_689] {strides = array<i32>} : memref<64x256xf32, #tpu.memory_space<vmem>>, vector<1x16xf32>,
        %get3A_691 = vector.shape_cast %get3A_690 : vector<1x16xf32> to vector<16xf32>
        %add3A_692 = arith.constant 1 : i32
        %add3A_693 = arith.addi %mul3A_604, %add3A_692 : i32
        %get3A_694 = arith.index_cast %add3A_693 : i32 to index
        %get3A_695 = arith.constant 48 : index
        %get3A_696 = tpu.vector_load %arg7[%get3A_694, %get3A_695] {strides = array<i32>} : memref<64x256xf32, #tpu.memory_space<vmem>>, vector<1x16xf32>,
        %get3A_697 = vector.shape_cast %get3A_696 : vector<1x16xf32> to vector<16xf32>
        %max3A_698 = arith.maximumf %get3A_691, %get3A_697 : vector<16xf32>
        %add3A_699 = arith.constant 2 : i32
        %add3A_700 = arith.addi %mul3A_604, %add3A_699 : i32
        %get3A_701 = arith.index_cast %add3A_700 : i32 to index
        %get3A_702 = arith.constant 48 : index
        %get3A_703 = tpu.vector_load %arg7[%get3A_701, %get3A_702] {strides = array<i32>} : memref<64x256xf32, #tpu.memory_space<vmem>>, vector<1x16xf32>,
        %get3A_704 = vector.shape_cast %get3A_703 : vector<1x16xf32> to vector<16xf32>
        %add3A_705 = arith.constant 3 : i32
        %add3A_706 = arith.addi %mul3A_604, %add3A_705 : i32
        %get3A_707 = arith.index_cast %add3A_706 : i32 to index
        %get3A_708 = arith.constant 48 : index
        %get3A_709 = tpu.vector_load %arg7[%get3A_707, %get3A_708] {strides = array<i32>} : memref<64x256xf32, #tpu.memory_space<vmem>>, vector<1x16xf32>,
        %get3A_710 = vector.shape_cast %get3A_709 : vector<1x16xf32> to vector<16xf32>
        %max3A_711 = arith.maximumf %get3A_704, %get3A_710 : vector<16xf32>
        %max3A_712 = arith.maximumf %max3A_698, %max3A_711 : vector<16xf32>
        %mul3A_713 = arith.mulf %max3A_712, %get3A_15 : vector<16xf32>
        %add3A_714 = arith.addf %add3A_687, %mul3A_713 : vector<16xf32>
        %get3A_715 = arith.index_cast %mul3A_604 : i32 to index
        %get3A_716 = arith.constant 64 : index
        %get3A_717 = tpu.vector_load %arg7[%get3A_715, %get3A_716] {strides = array<i32>} : memref<64x256xf32, #tpu.memory_space<vmem>>, vector<1x16xf32>,
        %get3A_718 = vector.shape_cast %get3A_717 : vector<1x16xf32> to vector<16xf32>
        %add3A_719 = arith.constant 1 : i32
        %add3A_720 = arith.addi %mul3A_604, %add3A_719 : i32
        %get3A_721 = arith.index_cast %add3A_720 : i32 to index
        %get3A_722 = arith.constant 64 : index
        %get3A_723 = tpu.vector_load %arg7[%get3A_721, %get3A_722] {strides = array<i32>} : memref<64x256xf32, #tpu.memory_space<vmem>>, vector<1x16xf32>,
        %get3A_724 = vector.shape_cast %get3A_723 : vector<1x16xf32> to vector<16xf32>
        %max3A_725 = arith.maximumf %get3A_718, %get3A_724 : vector<16xf32>
        %add3A_726 = arith.constant 2 : i32
        %add3A_727 = arith.addi %mul3A_604, %add3A_726 : i32
        %get3A_728 = arith.index_cast %add3A_727 : i32 to index
        %get3A_729 = arith.constant 64 : index
        %get3A_730 = tpu.vector_load %arg7[%get3A_728, %get3A_729] {strides = array<i32>} : memref<64x256xf32, #tpu.memory_space<vmem>>, vector<1x16xf32>,
        %get3A_731 = vector.shape_cast %get3A_730 : vector<1x16xf32> to vector<16xf32>
        %add3A_732 = arith.constant 3 : i32
        %add3A_733 = arith.addi %mul3A_604, %add3A_732 : i32
        %get3A_734 = arith.index_cast %add3A_733 : i32 to index
        %get3A_735 = arith.constant 64 : index
        %get3A_736 = tpu.vector_load %arg7[%get3A_734, %get3A_735] {strides = array<i32>} : memref<64x256xf32, #tpu.memory_space<vmem>>, vector<1x16xf32>,
        %get3A_737 = vector.shape_cast %get3A_736 : vector<1x16xf32> to vector<16xf32>
        %max3A_738 = arith.maximumf %get3A_731, %get3A_737 : vector<16xf32>
        %max3A_739 = arith.maximumf %max3A_725, %max3A_738 : vector<16xf32>
        %mul3A_740 = arith.mulf %max3A_739, %get3A_18 : vector<16xf32>
        %add3A_741 = arith.addf %add3A_714, %mul3A_740 : vector<16xf32>
        %get3A_742 = arith.index_cast %mul3A_604 : i32 to index
        %get3A_743 = arith.constant 80 : index
        %get3A_744 = tpu.vector_load %arg7[%get3A_742, %get3A_743] {strides = array<i32>} : memref<64x256xf32, #tpu.memory_space<vmem>>, vector<1x16xf32>,
        %get3A_745 = vector.shape_cast %get3A_744 : vector<1x16xf32> to vector<16xf32>
        %add3A_746 = arith.constant 1 : i32
        %add3A_747 = arith.addi %mul3A_604, %add3A_746 : i32
        %get3A_748 = arith.index_cast %add3A_747 : i32 to index
        %get3A_749 = arith.constant 80 : index
        %get3A_750 = tpu.vector_load %arg7[%get3A_748, %get3A_749] {strides = array<i32>} : memref<64x256xf32, #tpu.memory_space<vmem>>, vector<1x16xf32>,
        %get3A_751 = vector.shape_cast %get3A_750 : vector<1x16xf32> to vector<16xf32>
        %max3A_752 = arith.maximumf %get3A_745, %get3A_751 : vector<16xf32>
        %add3A_753 = arith.constant 2 : i32
        %add3A_754 = arith.addi %mul3A_604, %add3A_753 : i32
        %get3A_755 = arith.index_cast %add3A_754 : i32 to index
        %get3A_756 = arith.constant 80 : index
        %get3A_757 = tpu.vector_load %arg7[%get3A_755, %get3A_756] {strides = array<i32>} : memref<64x256xf32, #tpu.memory_space<vmem>>, vector<1x16xf32>,
        %get3A_758 = vector.shape_cast %get3A_757 : vector<1x16xf32> to vector<16xf32>
        %add3A_759 = arith.constant 3 : i32
        %add3A_760 = arith.addi %mul3A_604, %add3A_759 : i32
        %get3A_761 = arith.index_cast %add3A_760 : i32 to index
        %get3A_762 = arith.constant 80 : index
        %get3A_763 = tpu.vector_load %arg7[%get3A_761, %get3A_762] {strides = array<i32>} : memref<64x256xf32, #tpu.memory_space<vmem>>, vector<1x16xf32>,
        %get3A_764 = vector.shape_cast %get3A_763 : vector<1x16xf32> to vector<16xf32>
        %max3A_765 = arith.maximumf %get3A_758, %get3A_764 : vector<16xf32>
        %max3A_766 = arith.maximumf %max3A_752, %max3A_765 : vector<16xf32>
        %mul3A_767 = arith.mulf %max3A_766, %get3A_21 : vector<16xf32>
        %add3A_768 = arith.addf %add3A_741, %mul3A_767 : vector<16xf32>
        %get3A_769 = arith.index_cast %mul3A_604 : i32 to index
        %get3A_770 = arith.constant 96 : index
        %get3A_771 = tpu.vector_load %arg7[%get3A_769, %get3A_770] {strides = array<i32>} : memref<64x256xf32, #tpu.memory_space<vmem>>, vector<1x16xf32>,
        %get3A_772 = vector.shape_cast %get3A_771 : vector<1x16xf32> to vector<16xf32>
        %add3A_773 = arith.constant 1 : i32
        %add3A_774 = arith.addi %mul3A_604, %add3A_773 : i32
        %get3A_775 = arith.index_cast %add3A_774 : i32 to index
        %get3A_776 = arith.constant 96 : index
        %get3A_777 = tpu.vector_load %arg7[%get3A_775, %get3A_776] {strides = array<i32>} : memref<64x256xf32, #tpu.memory_space<vmem>>, vector<1x16xf32>,
        %get3A_778 = vector.shape_cast %get3A_777 : vector<1x16xf32> to vector<16xf32>
        %max3A_779 = arith.maximumf %get3A_772, %get3A_778 : vector<16xf32>
        %add3A_780 = arith.constant 2 : i32
        %add3A_781 = arith.addi %mul3A_604, %add3A_780 : i32
        %get3A_782 = arith.index_cast %add3A_781 : i32 to index
        %get3A_783 = arith.constant 96 : index
        %get3A_784 = tpu.vector_load %arg7[%get3A_782, %get3A_783] {strides = array<i32>} : memref<64x256xf32, #tpu.memory_space<vmem>>, vector<1x16xf32>,
        %get3A_785 = vector.shape_cast %get3A_784 : vector<1x16xf32> to vector<16xf32>
        %add3A_786 = arith.constant 3 : i32
        %add3A_787 = arith.addi %mul3A_604, %add3A_786 : i32
        %get3A_788 = arith.index_cast %add3A_787 : i32 to index
        %get3A_789 = arith.constant 96 : index
        %get3A_790 = tpu.vector_load %arg7[%get3A_788, %get3A_789] {strides = array<i32>} : memref<64x256xf32, #tpu.memory_space<vmem>>, vector<1x16xf32>,
        %get3A_791 = vector.shape_cast %get3A_790 : vector<1x16xf32> to vector<16xf32>
        %max3A_792 = arith.maximumf %get3A_785, %get3A_791 : vector<16xf32>
        %max3A_793 = arith.maximumf %max3A_779, %max3A_792 : vector<16xf32>
        %mul3A_794 = arith.mulf %max3A_793, %get3A_24 : vector<16xf32>
        %add3A_795 = arith.addf %add3A_768, %mul3A_794 : vector<16xf32>
        %get3A_796 = arith.index_cast %mul3A_604 : i32 to index
        %get3A_797 = arith.constant 112 : index
        %get3A_798 = tpu.vector_load %arg7[%get3A_796, %get3A_797] {strides = array<i32>} : memref<64x256xf32, #tpu.memory_space<vmem>>, vector<1x16xf32>,
        %get3A_799 = vector.shape_cast %get3A_798 : vector<1x16xf32> to vector<16xf32>
        %add3A_800 = arith.constant 1 : i32
        %add3A_801 = arith.addi %mul3A_604, %add3A_800 : i32
        %get3A_802 = arith.index_cast %add3A_801 : i32 to index
        %get3A_803 = arith.constant 112 : index
        %get3A_804 = tpu.vector_load %arg7[%get3A_802, %get3A_803] {strides = array<i32>} : memref<64x256xf32, #tpu.memory_space<vmem>>, vector<1x16xf32>,
        %get3A_805 = vector.shape_cast %get3A_804 : vector<1x16xf32> to vector<16xf32>
        %max3A_806 = arith.maximumf %get3A_799, %get3A_805 : vector<16xf32>
        %add3A_807 = arith.constant 2 : i32
        %add3A_808 = arith.addi %mul3A_604, %add3A_807 : i32
        %get3A_809 = arith.index_cast %add3A_808 : i32 to index
        %get3A_810 = arith.constant 112 : index
        %get3A_811 = tpu.vector_load %arg7[%get3A_809, %get3A_810] {strides = array<i32>} : memref<64x256xf32, #tpu.memory_space<vmem>>, vector<1x16xf32>,
        %get3A_812 = vector.shape_cast %get3A_811 : vector<1x16xf32> to vector<16xf32>
        %add3A_813 = arith.constant 3 : i32
        %add3A_814 = arith.addi %mul3A_604, %add3A_813 : i32
        %get3A_815 = arith.index_cast %add3A_814 : i32 to index
        %get3A_816 = arith.constant 112 : index
        %get3A_817 = tpu.vector_load %arg7[%get3A_815, %get3A_816] {strides = array<i32>} : memref<64x256xf32, #tpu.memory_space<vmem>>, vector<1x16xf32>,
        %get3A_818 = vector.shape_cast %get3A_817 : vector<1x16xf32> to vector<16xf32>
        %max3A_819 = arith.maximumf %get3A_812, %get3A_818 : vector<16xf32>
        %max3A_820 = arith.maximumf %max3A_806, %max3A_819 : vector<16xf32>
        %mul3A_821 = arith.mulf %max3A_820, %get3A_27 : vector<16xf32>
        %add3A_822 = arith.addf %add3A_795, %mul3A_821 : vector<16xf32>
        %get3A_823 = arith.index_cast %mul3A_604 : i32 to index
        %get3A_824 = arith.constant 128 : index
        %get3A_825 = tpu.vector_load %arg7[%get3A_823, %get3A_824] {strides = array<i32>} : memref<64x256xf32, #tpu.memory_space<vmem>>, vector<1x16xf32>,
        %get3A_826 = vector.shape_cast %get3A_825 : vector<1x16xf32> to vector<16xf32>
        %add3A_827 = arith.constant 1 : i32
        %add3A_828 = arith.addi %mul3A_604, %add3A_827 : i32
        %get3A_829 = arith.index_cast %add3A_828 : i32 to index
        %get3A_830 = arith.constant 128 : index
        %get3A_831 = tpu.vector_load %arg7[%get3A_829, %get3A_830] {strides = array<i32>} : memref<64x256xf32, #tpu.memory_space<vmem>>, vector<1x16xf32>,
        %get3A_832 = vector.shape_cast %get3A_831 : vector<1x16xf32> to vector<16xf32>
        %max3A_833 = arith.maximumf %get3A_826, %get3A_832 : vector<16xf32>
        %add3A_834 = arith.constant 2 : i32
        %add3A_835 = arith.addi %mul3A_604, %add3A_834 : i32
        %get3A_836 = arith.index_cast %add3A_835 : i32 to index
        %get3A_837 = arith.constant 128 : index
        %get3A_838 = tpu.vector_load %arg7[%get3A_836, %get3A_837] {strides = array<i32>} : memref<64x256xf32, #tpu.memory_space<vmem>>, vector<1x16xf32>,
        %get3A_839 = vector.shape_cast %get3A_838 : vector<1x16xf32> to vector<16xf32>
        %add3A_840 = arith.constant 3 : i32
        %add3A_841 = arith.addi %mul3A_604, %add3A_840 : i32
        %get3A_842 = arith.index_cast %add3A_841 : i32 to index
        %get3A_843 = arith.constant 128 : index
        %get3A_844 = tpu.vector_load %arg7[%get3A_842, %get3A_843] {strides = array<i32>} : memref<64x256xf32, #tpu.memory_space<vmem>>, vector<1x16xf32>,
        %get3A_845 = vector.shape_cast %get3A_844 : vector<1x16xf32> to vector<16xf32>
        %max3A_846 = arith.maximumf %get3A_839, %get3A_845 : vector<16xf32>
        %max3A_847 = arith.maximumf %max3A_833, %max3A_846 : vector<16xf32>
        %mul3A_848 = arith.mulf %max3A_847, %get3A_30 : vector<16xf32>
        %add3A_849 = arith.addf %add3A_822, %mul3A_848 : vector<16xf32>
        %get3A_850 = arith.index_cast %mul3A_604 : i32 to index
        %get3A_851 = arith.constant 144 : index
        %get3A_852 = tpu.vector_load %arg7[%get3A_850, %get3A_851] {strides = array<i32>} : memref<64x256xf32, #tpu.memory_space<vmem>>, vector<1x16xf32>,
        %get3A_853 = vector.shape_cast %get3A_852 : vector<1x16xf32> to vector<16xf32>
        %add3A_854 = arith.constant 1 : i32
        %add3A_855 = arith.addi %mul3A_604, %add3A_854 : i32
        %get3A_856 = arith.index_cast %add3A_855 : i32 to index
        %get3A_857 = arith.constant 144 : index
        %get3A_858 = tpu.vector_load %arg7[%get3A_856, %get3A_857] {strides = array<i32>} : memref<64x256xf32, #tpu.memory_space<vmem>>, vector<1x16xf32>,
        %get3A_859 = vector.shape_cast %get3A_858 : vector<1x16xf32> to vector<16xf32>
        %max3A_860 = arith.maximumf %get3A_853, %get3A_859 : vector<16xf32>
        %add3A_861 = arith.constant 2 : i32
        %add3A_862 = arith.addi %mul3A_604, %add3A_861 : i32
        %get3A_863 = arith.index_cast %add3A_862 : i32 to index
        %get3A_864 = arith.constant 144 : index
        %get3A_865 = tpu.vector_load %arg7[%get3A_863, %get3A_864] {strides = array<i32>} : memref<64x256xf32, #tpu.memory_space<vmem>>, vector<1x16xf32>,
        %get3A_866 = vector.shape_cast %get3A_865 : vector<1x16xf32> to vector<16xf32>
        %add3A_867 = arith.constant 3 : i32
        %add3A_868 = arith.addi %mul3A_604, %add3A_867 : i32
        %get3A_869 = arith.index_cast %add3A_868 : i32 to index
        %get3A_870 = arith.constant 144 : index
        %get3A_871 = tpu.vector_load %arg7[%get3A_869, %get3A_870] {strides = array<i32>} : memref<64x256xf32, #tpu.memory_space<vmem>>, vector<1x16xf32>,
        %get3A_872 = vector.shape_cast %get3A_871 : vector<1x16xf32> to vector<16xf32>
        %max3A_873 = arith.maximumf %get3A_866, %get3A_872 : vector<16xf32>
        %max3A_874 = arith.maximumf %max3A_860, %max3A_873 : vector<16xf32>
        %mul3A_875 = arith.mulf %max3A_874, %get3A_33 : vector<16xf32>
        %add3A_876 = arith.addf %add3A_849, %mul3A_875 : vector<16xf32>
        %get3A_877 = arith.index_cast %mul3A_604 : i32 to index
        %get3A_878 = arith.constant 160 : index
        %get3A_879 = tpu.vector_load %arg7[%get3A_877, %get3A_878] {strides = array<i32>} : memref<64x256xf32, #tpu.memory_space<vmem>>, vector<1x16xf32>,
        %get3A_880 = vector.shape_cast %get3A_879 : vector<1x16xf32> to vector<16xf32>
        %add3A_881 = arith.constant 1 : i32
        %add3A_882 = arith.addi %mul3A_604, %add3A_881 : i32
        %get3A_883 = arith.index_cast %add3A_882 : i32 to index
        %get3A_884 = arith.constant 160 : index
        %get3A_885 = tpu.vector_load %arg7[%get3A_883, %get3A_884] {strides = array<i32>} : memref<64x256xf32, #tpu.memory_space<vmem>>, vector<1x16xf32>,
        %get3A_886 = vector.shape_cast %get3A_885 : vector<1x16xf32> to vector<16xf32>
        %max3A_887 = arith.maximumf %get3A_880, %get3A_886 : vector<16xf32>
        %add3A_888 = arith.constant 2 : i32
        %add3A_889 = arith.addi %mul3A_604, %add3A_888 : i32
        %get3A_890 = arith.index_cast %add3A_889 : i32 to index
        %get3A_891 = arith.constant 160 : index
        %get3A_892 = tpu.vector_load %arg7[%get3A_890, %get3A_891] {strides = array<i32>} : memref<64x256xf32, #tpu.memory_space<vmem>>, vector<1x16xf32>,
        %get3A_893 = vector.shape_cast %get3A_892 : vector<1x16xf32> to vector<16xf32>
        %add3A_894 = arith.constant 3 : i32
        %add3A_895 = arith.addi %mul3A_604, %add3A_894 : i32
        %get3A_896 = arith.index_cast %add3A_895 : i32 to index
        %get3A_897 = arith.constant 160 : index
        %get3A_898 = tpu.vector_load %arg7[%get3A_896, %get3A_897] {strides = array<i32>} : memref<64x256xf32, #tpu.memory_space<vmem>>, vector<1x16xf32>,
        %get3A_899 = vector.shape_cast %get3A_898 : vector<1x16xf32> to vector<16xf32>
        %max3A_900 = arith.maximumf %get3A_893, %get3A_899 : vector<16xf32>
        %max3A_901 = arith.maximumf %max3A_887, %max3A_900 : vector<16xf32>
        %mul3A_902 = arith.mulf %max3A_901, %get3A_36 : vector<16xf32>
        %add3A_903 = arith.addf %add3A_876, %mul3A_902 : vector<16xf32>
        %get3A_904 = arith.index_cast %mul3A_604 : i32 to index
        %get3A_905 = arith.constant 176 : index
        %get3A_906 = tpu.vector_load %arg7[%get3A_904, %get3A_905] {strides = array<i32>} : memref<64x256xf32, #tpu.memory_space<vmem>>, vector<1x16xf32>,
        %get3A_907 = vector.shape_cast %get3A_906 : vector<1x16xf32> to vector<16xf32>
        %add3A_908 = arith.constant 1 : i32
        %add3A_909 = arith.addi %mul3A_604, %add3A_908 : i32
        %get3A_910 = arith.index_cast %add3A_909 : i32 to index
        %get3A_911 = arith.constant 176 : index
        %get3A_912 = tpu.vector_load %arg7[%get3A_910, %get3A_911] {strides = array<i32>} : memref<64x256xf32, #tpu.memory_space<vmem>>, vector<1x16xf32>,
        %get3A_913 = vector.shape_cast %get3A_912 : vector<1x16xf32> to vector<16xf32>
        %max3A_914 = arith.maximumf %get3A_907, %get3A_913 : vector<16xf32>
        %add3A_915 = arith.constant 2 : i32
        %add3A_916 = arith.addi %mul3A_604, %add3A_915 : i32
        %get3A_917 = arith.index_cast %add3A_916 : i32 to index
        %get3A_918 = arith.constant 176 : index
        %get3A_919 = tpu.vector_load %arg7[%get3A_917, %get3A_918] {strides = array<i32>} : memref<64x256xf32, #tpu.memory_space<vmem>>, vector<1x16xf32>,
        %get3A_920 = vector.shape_cast %get3A_919 : vector<1x16xf32> to vector<16xf32>
        %add3A_921 = arith.constant 3 : i32
        %add3A_922 = arith.addi %mul3A_604, %add3A_921 : i32
        %get3A_923 = arith.index_cast %add3A_922 : i32 to index
        %get3A_924 = arith.constant 176 : index
        %get3A_925 = tpu.vector_load %arg7[%get3A_923, %get3A_924] {strides = array<i32>} : memref<64x256xf32, #tpu.memory_space<vmem>>, vector<1x16xf32>,
        %get3A_926 = vector.shape_cast %get3A_925 : vector<1x16xf32> to vector<16xf32>
        %max3A_927 = arith.maximumf %get3A_920, %get3A_926 : vector<16xf32>
        %max3A_928 = arith.maximumf %max3A_914, %max3A_927 : vector<16xf32>
        %mul3A_929 = arith.mulf %max3A_928, %get3A_39 : vector<16xf32>
        %add3A_930 = arith.addf %add3A_903, %mul3A_929 : vector<16xf32>
        %get3A_931 = arith.index_cast %mul3A_604 : i32 to index
        %get3A_932 = arith.constant 192 : index
        %get3A_933 = tpu.vector_load %arg7[%get3A_931, %get3A_932] {strides = array<i32>} : memref<64x256xf32, #tpu.memory_space<vmem>>, vector<1x16xf32>,
        %get3A_934 = vector.shape_cast %get3A_933 : vector<1x16xf32> to vector<16xf32>
        %add3A_935 = arith.constant 1 : i32
        %add3A_936 = arith.addi %mul3A_604, %add3A_935 : i32
        %get3A_937 = arith.index_cast %add3A_936 : i32 to index
        %get3A_938 = arith.constant 192 : index
        %get3A_939 = tpu.vector_load %arg7[%get3A_937, %get3A_938] {strides = array<i32>} : memref<64x256xf32, #tpu.memory_space<vmem>>, vector<1x16xf32>,
        %get3A_940 = vector.shape_cast %get3A_939 : vector<1x16xf32> to vector<16xf32>
        %max3A_941 = arith.maximumf %get3A_934, %get3A_940 : vector<16xf32>
        %add3A_942 = arith.constant 2 : i32
        %add3A_943 = arith.addi %mul3A_604, %add3A_942 : i32
        %get3A_944 = arith.index_cast %add3A_943 : i32 to index
        %get3A_945 = arith.constant 192 : index
        %get3A_946 = tpu.vector_load %arg7[%get3A_944, %get3A_945] {strides = array<i32>} : memref<64x256xf32, #tpu.memory_space<vmem>>, vector<1x16xf32>,
        %get3A_947 = vector.shape_cast %get3A_946 : vector<1x16xf32> to vector<16xf32>
        %add3A_948 = arith.constant 3 : i32
        %add3A_949 = arith.addi %mul3A_604, %add3A_948 : i32
        %get3A_950 = arith.index_cast %add3A_949 : i32 to index
        %get3A_951 = arith.constant 192 : index
        %get3A_952 = tpu.vector_load %arg7[%get3A_950, %get3A_951] {strides = array<i32>} : memref<64x256xf32, #tpu.memory_space<vmem>>, vector<1x16xf32>,
        %get3A_953 = vector.shape_cast %get3A_952 : vector<1x16xf32> to vector<16xf32>
        %max3A_954 = arith.maximumf %get3A_947, %get3A_953 : vector<16xf32>
        %max3A_955 = arith.maximumf %max3A_941, %max3A_954 : vector<16xf32>
        %mul3A_956 = arith.mulf %max3A_955, %get3A_42 : vector<16xf32>
        %add3A_957 = arith.addf %add3A_930, %mul3A_956 : vector<16xf32>
        %get3A_958 = arith.index_cast %mul3A_604 : i32 to index
        %get3A_959 = arith.constant 208 : index
        %get3A_960 = tpu.vector_load %arg7[%get3A_958, %get3A_959] {strides = array<i32>} : memref<64x256xf32, #tpu.memory_space<vmem>>, vector<1x16xf32>,
        %get3A_961 = vector.shape_cast %get3A_960 : vector<1x16xf32> to vector<16xf32>
        %add3A_962 = arith.constant 1 : i32
        %add3A_963 = arith.addi %mul3A_604, %add3A_962 : i32
        %get3A_964 = arith.index_cast %add3A_963 : i32 to index
        %get3A_965 = arith.constant 208 : index
        %get3A_966 = tpu.vector_load %arg7[%get3A_964, %get3A_965] {strides = array<i32>} : memref<64x256xf32, #tpu.memory_space<vmem>>, vector<1x16xf32>,
        %get3A_967 = vector.shape_cast %get3A_966 : vector<1x16xf32> to vector<16xf32>
        %max3A_968 = arith.maximumf %get3A_961, %get3A_967 : vector<16xf32>
        %add3A_969 = arith.constant 2 : i32
        %add3A_970 = arith.addi %mul3A_604, %add3A_969 : i32
        %get3A_971 = arith.index_cast %add3A_970 : i32 to index
        %get3A_972 = arith.constant 208 : index
        %get3A_973 = tpu.vector_load %arg7[%get3A_971, %get3A_972] {strides = array<i32>} : memref<64x256xf32, #tpu.memory_space<vmem>>, vector<1x16xf32>,
        %get3A_974 = vector.shape_cast %get3A_973 : vector<1x16xf32> to vector<16xf32>
        %add3A_975 = arith.constant 3 : i32
        %add3A_976 = arith.addi %mul3A_604, %add3A_975 : i32
        %get3A_977 = arith.index_cast %add3A_976 : i32 to index
        %get3A_978 = arith.constant 208 : index
        %get3A_979 = tpu.vector_load %arg7[%get3A_977, %get3A_978] {strides = array<i32>} : memref<64x256xf32, #tpu.memory_space<vmem>>, vector<1x16xf32>,
        %get3A_980 = vector.shape_cast %get3A_979 : vector<1x16xf32> to vector<16xf32>
        %max3A_981 = arith.maximumf %get3A_974, %get3A_980 : vector<16xf32>
        %max3A_982 = arith.maximumf %max3A_968, %max3A_981 : vector<16xf32>
        %mul3A_983 = arith.mulf %max3A_982, %get3A_45 : vector<16xf32>
        %add3A_984 = arith.addf %add3A_957, %mul3A_983 : vector<16xf32>
        %get3A_985 = arith.index_cast %mul3A_604 : i32 to index
        %get3A_986 = arith.constant 224 : index
        %get3A_987 = tpu.vector_load %arg7[%get3A_985, %get3A_986] {strides = array<i32>} : memref<64x256xf32, #tpu.memory_space<vmem>>, vector<1x16xf32>,
        %get3A_988 = vector.shape_cast %get3A_987 : vector<1x16xf32> to vector<16xf32>
        %add3A_989 = arith.constant 1 : i32
        %add3A_990 = arith.addi %mul3A_604, %add3A_989 : i32
        %get3A_991 = arith.index_cast %add3A_990 : i32 to index
        %get3A_992 = arith.constant 224 : index
        %get3A_993 = tpu.vector_load %arg7[%get3A_991, %get3A_992] {strides = array<i32>} : memref<64x256xf32, #tpu.memory_space<vmem>>, vector<1x16xf32>,
        %get3A_994 = vector.shape_cast %get3A_993 : vector<1x16xf32> to vector<16xf32>
        %max3A_995 = arith.maximumf %get3A_988, %get3A_994 : vector<16xf32>
        %add3A_996 = arith.constant 2 : i32
        %add3A_997 = arith.addi %mul3A_604, %add3A_996 : i32
        %get3A_998 = arith.index_cast %add3A_997 : i32 to index
        %get3A_999 = arith.constant 224 : index
        %get3A_1000 = tpu.vector_load %arg7[%get3A_998, %get3A_999] {strides = array<i32>} : memref<64x256xf32, #tpu.memory_space<vmem>>, vector<1x16xf32>,
        %get3A_1001 = vector.shape_cast %get3A_1000 : vector<1x16xf32> to vector<16xf32>
        %add3A_1002 = arith.constant 3 : i32
        %add3A_1003 = arith.addi %mul3A_604, %add3A_1002 : i32
        %get3A_1004 = arith.index_cast %add3A_1003 : i32 to index
        %get3A_1005 = arith.constant 224 : index
        %get3A_1006 = tpu.vector_load %arg7[%get3A_1004, %get3A_1005] {strides = array<i32>} : memref<64x256xf32, #tpu.memory_space<vmem>>, vector<1x16xf32>,
        %get3A_1007 = vector.shape_cast %get3A_1006 : vector<1x16xf32> to vector<16xf32>
        %max3A_1008 = arith.maximumf %get3A_1001, %get3A_1007 : vector<16xf32>
        %max3A_1009 = arith.maximumf %max3A_995, %max3A_1008 : vector<16xf32>
        %mul3A_1010 = arith.mulf %max3A_1009, %get3A_48 : vector<16xf32>
        %add3A_1011 = arith.addf %add3A_984, %mul3A_1010 : vector<16xf32>
        %get3A_1012 = arith.index_cast %mul3A_604 : i32 to index
        %get3A_1013 = arith.constant 240 : index
        %get3A_1014 = tpu.vector_load %arg7[%get3A_1012, %get3A_1013] {strides = array<i32>} : memref<64x256xf32, #tpu.memory_space<vmem>>, vector<1x16xf32>,
        %get3A_1015 = vector.shape_cast %get3A_1014 : vector<1x16xf32> to vector<16xf32>
        %add3A_1016 = arith.constant 1 : i32
        %add3A_1017 = arith.addi %mul3A_604, %add3A_1016 : i32
        %get3A_1018 = arith.index_cast %add3A_1017 : i32 to index
        %get3A_1019 = arith.constant 240 : index
        %get3A_1020 = tpu.vector_load %arg7[%get3A_1018, %get3A_1019] {strides = array<i32>} : memref<64x256xf32, #tpu.memory_space<vmem>>, vector<1x16xf32>,
        %get3A_1021 = vector.shape_cast %get3A_1020 : vector<1x16xf32> to vector<16xf32>
        %max3A_1022 = arith.maximumf %get3A_1015, %get3A_1021 : vector<16xf32>
        %add3A_1023 = arith.constant 2 : i32
        %add3A_1024 = arith.addi %mul3A_604, %add3A_1023 : i32
        %get3A_1025 = arith.index_cast %add3A_1024 : i32 to index
        %get3A_1026 = arith.constant 240 : index
        %get3A_1027 = tpu.vector_load %arg7[%get3A_1025, %get3A_1026] {strides = array<i32>} : memref<64x256xf32, #tpu.memory_space<vmem>>, vector<1x16xf32>,
        %get3A_1028 = vector.shape_cast %get3A_1027 : vector<1x16xf32> to vector<16xf32>
        %add3A_1029 = arith.constant 3 : i32
        %add3A_1030 = arith.addi %mul3A_604, %add3A_1029 : i32
        %get3A_1031 = arith.index_cast %add3A_1030 : i32 to index
        %get3A_1032 = arith.constant 240 : index
        %get3A_1033 = tpu.vector_load %arg7[%get3A_1031, %get3A_1032] {strides = array<i32>} : memref<64x256xf32, #tpu.memory_space<vmem>>, vector<1x16xf32>,
        %get3A_1034 = vector.shape_cast %get3A_1033 : vector<1x16xf32> to vector<16xf32>
        %max3A_1035 = arith.maximumf %get3A_1028, %get3A_1034 : vector<16xf32>
        %max3A_1036 = arith.maximumf %max3A_1022, %max3A_1035 : vector<16xf32>
        %mul3A_1037 = arith.mulf %max3A_1036, %get3A_51 : vector<16xf32>
        %add3A_1038 = arith.addf %add3A_1011, %mul3A_1037 : vector<16xf32>
        %and3A_1039 = arith.constant 15 : i32
        %and3A_1040 = arith.andi %scan3A_602, %and3A_1039 : i32
        %eq3A_1041 = vector.broadcast %and3A_1040 : i32 to vector<16xi32>
        %eq3A_1042 = arith.cmpi eq, %iota3A, %eq3A_1041 : vector<16xi32>
        %xor3A_1043 = arith.constant 1 : i32
        %xor3A_1044 = vector.broadcast %xor3A_1043 : i32 to vector<16xi32>
        %xor3A_1045 = arith.xori %iota3A, %xor3A_1044 : vector<16xi32>
        %lt3A_1046 = arith.constant 0 : i32
        %lt3A_1047 = vector.broadcast %lt3A_1046 : i32 to vector<16xi32>
        %lt3A_1048 = arith.cmpi slt, %xor3A_1045, %lt3A_1047 : vector<16xi32>
        %add3A_1049 = arith.constant 16 : i32
        %add3A_1050 = vector.broadcast %add3A_1049 : i32 to vector<16xi32>
        %add3A_1051 = arith.addi %xor3A_1045, %add3A_1050 : vector<16xi32>
        %select_n3A_1052 = arith.select %lt3A_1048, %add3A_1051, %xor3A_1045 : vector<16xi1>, vector<16xi32>
        %broadcast_in_dim3A_1053 = vector.shape_cast %select_n3A_1052 : vector<16xi32> to vector<16x1xi32>
        %gather3A_1054 = vector.shape_cast %broadcast_in_dim3A_1053 : vector<16x1xi32> to vector<16xi32>
        %gather3A_1055 = tpu.dynamic_gather %add3A_1038[%gather3A_1054] in [0] : vector<16xf32>, vector<16xi32> -> vector<16xf32>
        %add3A_1056 = arith.addf %add3A_1038, %gather3A_1055 : vector<16xf32>
        %xor3A_1057 = arith.constant 2 : i32
        %xor3A_1058 = vector.broadcast %xor3A_1057 : i32 to vector<16xi32>
        %xor3A_1059 = arith.xori %iota3A, %xor3A_1058 : vector<16xi32>
        %lt3A_1060 = arith.constant 0 : i32
        %lt3A_1061 = vector.broadcast %lt3A_1060 : i32 to vector<16xi32>
        %lt3A_1062 = arith.cmpi slt, %xor3A_1059, %lt3A_1061 : vector<16xi32>
        %add3A_1063 = arith.constant 16 : i32
        %add3A_1064 = vector.broadcast %add3A_1063 : i32 to vector<16xi32>
        %add3A_1065 = arith.addi %xor3A_1059, %add3A_1064 : vector<16xi32>
        %select_n3A_1066 = arith.select %lt3A_1062, %add3A_1065, %xor3A_1059 : vector<16xi1>, vector<16xi32>
        %broadcast_in_dim3A_1067 = vector.shape_cast %select_n3A_1066 : vector<16xi32> to vector<16x1xi32>
        %gather3A_1068 = vector.shape_cast %broadcast_in_dim3A_1067 : vector<16x1xi32> to vector<16xi32>
        %gather3A_1069 = tpu.dynamic_gather %add3A_1056[%gather3A_1068] in [0] : vector<16xf32>, vector<16xi32> -> vector<16xf32>
        %add3A_1070 = arith.addf %add3A_1056, %gather3A_1069 : vector<16xf32>
        %xor3A_1071 = arith.constant 4 : i32
        %xor3A_1072 = vector.broadcast %xor3A_1071 : i32 to vector<16xi32>
        %xor3A_1073 = arith.xori %iota3A, %xor3A_1072 : vector<16xi32>
        %lt3A_1074 = arith.constant 0 : i32
        %lt3A_1075 = vector.broadcast %lt3A_1074 : i32 to vector<16xi32>
        %lt3A_1076 = arith.cmpi slt, %xor3A_1073, %lt3A_1075 : vector<16xi32>
        %add3A_1077 = arith.constant 16 : i32
        %add3A_1078 = vector.broadcast %add3A_1077 : i32 to vector<16xi32>
        %add3A_1079 = arith.addi %xor3A_1073, %add3A_1078 : vector<16xi32>
        %select_n3A_1080 = arith.select %lt3A_1076, %add3A_1079, %xor3A_1073 : vector<16xi1>, vector<16xi32>
        %broadcast_in_dim3A_1081 = vector.shape_cast %select_n3A_1080 : vector<16xi32> to vector<16x1xi32>
        %gather3A_1082 = vector.shape_cast %broadcast_in_dim3A_1081 : vector<16x1xi32> to vector<16xi32>
        %gather3A_1083 = tpu.dynamic_gather %add3A_1070[%gather3A_1082] in [0] : vector<16xf32>, vector<16xi32> -> vector<16xf32>
        %add3A_1084 = arith.addf %add3A_1070, %gather3A_1083 : vector<16xf32>
        %xor3A_1085 = arith.constant 8 : i32
        %xor3A_1086 = vector.broadcast %xor3A_1085 : i32 to vector<16xi32>
        %xor3A_1087 = arith.xori %iota3A, %xor3A_1086 : vector<16xi32>
        %lt3A_1088 = arith.constant 0 : i32
        %lt3A_1089 = vector.broadcast %lt3A_1088 : i32 to vector<16xi32>
        %lt3A_1090 = arith.cmpi slt, %xor3A_1087, %lt3A_1089 : vector<16xi32>
        %add3A_1091 = arith.constant 16 : i32
        %add3A_1092 = vector.broadcast %add3A_1091 : i32 to vector<16xi32>
        %add3A_1093 = arith.addi %xor3A_1087, %add3A_1092 : vector<16xi32>
        %select_n3A_1094 = arith.select %lt3A_1090, %add3A_1093, %xor3A_1087 : vector<16xi1>, vector<16xi32>
        %broadcast_in_dim3A_1095 = vector.shape_cast %select_n3A_1094 : vector<16xi32> to vector<16x1xi32>
        %gather3A_1096 = vector.shape_cast %broadcast_in_dim3A_1095 : vector<16x1xi32> to vector<16xi32>
        %gather3A_1097 = tpu.dynamic_gather %add3A_1084[%gather3A_1096] in [0] : vector<16xf32>, vector<16xi32> -> vector<16xf32>
        %add3A_1098 = arith.addf %add3A_1084, %gather3A_1097 : vector<16xf32>
        %select_n3A_1099 = arith.select %eq3A_1042, %add3A_1098, %select_n3A_595 : vector<16xi1>, vector<16xf32>
        %eq3A_1100 = arith.constant 15 : i32
        %eq3A_1101 = arith.cmpi eq, %and3A_1040, %eq3A_1100 : i32
        %convert_element_type3A_1102 = arith.extui %eq3A_1101 : i1 to i32
        %cond3A_1103 = arith.constant 0 : i32
        %cond3A_1104 = arith.cmpi ne, %convert_element_type3A_1102, %cond3A_1103 : i32
        scf.if %cond3A_1104 {
          %mul3A_1105 = arith.constant 16 : i32
          %mul3A_1106 = arith.muli %mul3A_65, %mul3A_1105 : i32
          %add3A_1107 = arith.addi %mul3A_1106, %scan3A_602 : i32
          %sub3A = arith.constant 15 : i32
          %sub3A_1108 = arith.subi %add3A_1107, %sub3A : i32
          %swap3A = arith.index_cast %sub3A_1108 : i32 to index
          %swap3A_1109 = tpu.vector_load %arg9[%swap3A] {strides = array<i32>} : memref<512xf32, #tpu.memory_space<vmem>>, vector<16xf32>,
          %swap3A_1110 = vector.shape_cast %swap3A_1109 : vector<16xf32> to vector<16xf32>
          %swap3A_1111 = vector.shape_cast %select_n3A_1099 : vector<16xf32> to vector<16xf32>
          tpu.vector_store %arg9[%swap3A], %swap3A_1111 {strides = array<i32>} : memref<512xf32, #tpu.memory_space<vmem>>, vector<16xf32>,
        } else {
        }
        scf.yield %select_n3A_1099 : vector<16xf32>
      }
      %scan3A_84 = arith.constant 16 : i32
      %lt3A = arith.constant 15 : i32
      %lt3A_85 = arith.cmpi slt, %scan3A_62, %lt3A : i32
      %convert_element_type3A = arith.extui %lt3A_85 : i1 to i32
      %cond3A = arith.constant 0 : i32
      %cond3A_86 = arith.cmpi ne, %convert_element_type3A, %cond3A : i32
      scf.if %cond3A_86 {
        %add3A_103 = arith.constant 2 : i32
        %add3A_104 = arith.addi %mul3A_65, %add3A_103 : i32
        %mul3A_105 = arith.constant 64 : i32
        %mul3A_106 = arith.muli %add3A_104, %mul3A_105 : i32
        %dma_start3A_107 = tpu.memref_slice %arg6[%mul3A_106] : memref<2048xi32, #tpu.memory_space<vmem>> -> memref<64xi32, #tpu.memory_space<vmem>>
        %dma_start3A_108 = arith.constant 0 : i32
        %dma_start3A_109 = arith.constant 0 : i32
        %dma_start3A_110 = tpu.memref_slice %arg2[%dma_start3A_108, %dma_start3A_109] : memref<16384x256xf32, #tpu.memory_space<hbm>> -> memref<16384x256xf32, #tpu.memory_space<hbm>>
        tpu.enqueue_indirect_dma source(%dma_start3A_110 : memref<16384x256xf32, #tpu.memory_space<hbm>>) target(%arg7 : memref<64x256xf32, #tpu.memory_space<vmem>>) offsets(%dma_start3A_107 : memref<64xi32, #tpu.memory_space<vmem>>) semaphore(%arg11 : memref<!tpu.dma_semaphore, #tpu.memory_space<semaphore_mem>>)
      } else {
      }
      %dma_wait3A_87 = arith.constant 0 : i32
      %dma_wait3A_88 = tpu.memref_slice %arg6[%dma_wait3A_87] : memref<2048xi32, #tpu.memory_space<vmem>> -> memref<64xi32, #tpu.memory_space<vmem>>
      %dma_wait3A_89 = arith.constant 0 : i32
      %dma_wait3A_90 = arith.constant 0 : i32
      %dma_wait3A_91 = tpu.memref_slice %arg2[%dma_wait3A_89, %dma_wait3A_90] : memref<16384x256xf32, #tpu.memory_space<hbm>> -> memref<16384x256xf32, #tpu.memory_space<hbm>>
      tpu.wait_indirect_dma semaphore(%arg12 : memref<!tpu.dma_semaphore, #tpu.memory_space<semaphore_mem>>) src(%dma_wait3A_91 : memref<16384x256xf32, #tpu.memory_space<hbm>>) dst(%arg8 : memref<64x256xf32, #tpu.memory_space<vmem>>)
      %add3A_92 = arith.constant 1 : i32
      %add3A_93 = arith.addi %mul3A_65, %add3A_92 : i32
      %broadcast_in_dim3A_94 = arith.constant 0.000000e+00 : f32
      %broadcast_in_dim3A_95 = vector.broadcast %broadcast_in_dim3A_94 : f32 to vector<16xf32>
      %scan3A_96 = arith.constant 0 : i32
      %scan3A_97 = arith.constant 16 : i32
      %scan3A_98 = arith.addi %scan3A_96, %scan3A_97 : i32
      %scan3A_99 = arith.constant 2 : i32
      %scan3A_100 = scf.for %scan3A_103 = %scan3A_96 to %scan3A_98 step %scan3A_99 iter_args(%scan3A_104 = %broadcast_in_dim3A_95) -> (vector<16xf32>)  : i32 {
        %mul3A_105 = arith.constant 4 : i32
        %mul3A_106 = arith.muli %scan3A_103, %mul3A_105 : i32
        %broadcast_in_dim3A_107 = arith.constant 0.000000e+00 : f32
        %broadcast_in_dim3A_108 = vector.broadcast %broadcast_in_dim3A_107 : f32 to vector<16xf32>
        %get3A_109 = arith.index_cast %mul3A_106 : i32 to index
        %get3A_110 = arith.constant 0 : index
        %get3A_111 = tpu.vector_load %arg8[%get3A_109, %get3A_110] {strides = array<i32>} : memref<64x256xf32, #tpu.memory_space<vmem>>, vector<1x16xf32>,
        %get3A_112 = vector.shape_cast %get3A_111 : vector<1x16xf32> to vector<16xf32>
        %add3A_113 = arith.constant 1 : i32
        %add3A_114 = arith.addi %mul3A_106, %add3A_113 : i32
        %get3A_115 = arith.index_cast %add3A_114 : i32 to index
        %get3A_116 = arith.constant 0 : index
        %get3A_117 = tpu.vector_load %arg8[%get3A_115, %get3A_116] {strides = array<i32>} : memref<64x256xf32, #tpu.memory_space<vmem>>, vector<1x16xf32>,
        %get3A_118 = vector.shape_cast %get3A_117 : vector<1x16xf32> to vector<16xf32>
        %max3A = arith.maximumf %get3A_112, %get3A_118 : vector<16xf32>
        %add3A_119 = arith.constant 2 : i32
        %add3A_120 = arith.addi %mul3A_106, %add3A_119 : i32
        %get3A_121 = arith.index_cast %add3A_120 : i32 to index
        %get3A_122 = arith.constant 0 : index
        %get3A_123 = tpu.vector_load %arg8[%get3A_121, %get3A_122] {strides = array<i32>} : memref<64x256xf32, #tpu.memory_space<vmem>>, vector<1x16xf32>,
        %get3A_124 = vector.shape_cast %get3A_123 : vector<1x16xf32> to vector<16xf32>
        %add3A_125 = arith.constant 3 : i32
        %add3A_126 = arith.addi %mul3A_106, %add3A_125 : i32
        %get3A_127 = arith.index_cast %add3A_126 : i32 to index
        %get3A_128 = arith.constant 0 : index
        %get3A_129 = tpu.vector_load %arg8[%get3A_127, %get3A_128] {strides = array<i32>} : memref<64x256xf32, #tpu.memory_space<vmem>>, vector<1x16xf32>,
        %get3A_130 = vector.shape_cast %get3A_129 : vector<1x16xf32> to vector<16xf32>
        %max3A_131 = arith.maximumf %get3A_124, %get3A_130 : vector<16xf32>
        %max3A_132 = arith.maximumf %max3A, %max3A_131 : vector<16xf32>
        %mul3A_133 = arith.mulf %max3A_132, %get3A_6 : vector<16xf32>
        %add3A_134 = arith.addf %broadcast_in_dim3A_108, %mul3A_133 : vector<16xf32>
        %get3A_135 = arith.index_cast %mul3A_106 : i32 to index
        %get3A_136 = arith.constant 16 : index
        %get3A_137 = tpu.vector_load %arg8[%get3A_135, %get3A_136] {strides = array<i32>} : memref<64x256xf32, #tpu.memory_space<vmem>>, vector<1x16xf32>,
        %get3A_138 = vector.shape_cast %get3A_137 : vector<1x16xf32> to vector<16xf32>
        %add3A_139 = arith.constant 1 : i32
        %add3A_140 = arith.addi %mul3A_106, %add3A_139 : i32
        %get3A_141 = arith.index_cast %add3A_140 : i32 to index
        %get3A_142 = arith.constant 16 : index
        %get3A_143 = tpu.vector_load %arg8[%get3A_141, %get3A_142] {strides = array<i32>} : memref<64x256xf32, #tpu.memory_space<vmem>>, vector<1x16xf32>,
        %get3A_144 = vector.shape_cast %get3A_143 : vector<1x16xf32> to vector<16xf32>
        %max3A_145 = arith.maximumf %get3A_138, %get3A_144 : vector<16xf32>
        %add3A_146 = arith.constant 2 : i32
        %add3A_147 = arith.addi %mul3A_106, %add3A_146 : i32
        %get3A_148 = arith.index_cast %add3A_147 : i32 to index
        %get3A_149 = arith.constant 16 : index
        %get3A_150 = tpu.vector_load %arg8[%get3A_148, %get3A_149] {strides = array<i32>} : memref<64x256xf32, #tpu.memory_space<vmem>>, vector<1x16xf32>,
        %get3A_151 = vector.shape_cast %get3A_150 : vector<1x16xf32> to vector<16xf32>
        %add3A_152 = arith.constant 3 : i32
        %add3A_153 = arith.addi %mul3A_106, %add3A_152 : i32
        %get3A_154 = arith.index_cast %add3A_153 : i32 to index
        %get3A_155 = arith.constant 16 : index
        %get3A_156 = tpu.vector_load %arg8[%get3A_154, %get3A_155] {strides = array<i32>} : memref<64x256xf32, #tpu.memory_space<vmem>>, vector<1x16xf32>,
        %get3A_157 = vector.shape_cast %get3A_156 : vector<1x16xf32> to vector<16xf32>
        %max3A_158 = arith.maximumf %get3A_151, %get3A_157 : vector<16xf32>
        %max3A_159 = arith.maximumf %max3A_145, %max3A_158 : vector<16xf32>
        %mul3A_160 = arith.mulf %max3A_159, %get3A_9 : vector<16xf32>
        %add3A_161 = arith.addf %add3A_134, %mul3A_160 : vector<16xf32>
        %get3A_162 = arith.index_cast %mul3A_106 : i32 to index
        %get3A_163 = arith.constant 32 : index
        %get3A_164 = tpu.vector_load %arg8[%get3A_162, %get3A_163] {strides = array<i32>} : memref<64x256xf32, #tpu.memory_space<vmem>>, vector<1x16xf32>,
        %get3A_165 = vector.shape_cast %get3A_164 : vector<1x16xf32> to vector<16xf32>
        %add3A_166 = arith.constant 1 : i32
        %add3A_167 = arith.addi %mul3A_106, %add3A_166 : i32
        %get3A_168 = arith.index_cast %add3A_167 : i32 to index
        %get3A_169 = arith.constant 32 : index
        %get3A_170 = tpu.vector_load %arg8[%get3A_168, %get3A_169] {strides = array<i32>} : memref<64x256xf32, #tpu.memory_space<vmem>>, vector<1x16xf32>,
        %get3A_171 = vector.shape_cast %get3A_170 : vector<1x16xf32> to vector<16xf32>
        %max3A_172 = arith.maximumf %get3A_165, %get3A_171 : vector<16xf32>
        %add3A_173 = arith.constant 2 : i32
        %add3A_174 = arith.addi %mul3A_106, %add3A_173 : i32
        %get3A_175 = arith.index_cast %add3A_174 : i32 to index
        %get3A_176 = arith.constant 32 : index
        %get3A_177 = tpu.vector_load %arg8[%get3A_175, %get3A_176] {strides = array<i32>} : memref<64x256xf32, #tpu.memory_space<vmem>>, vector<1x16xf32>,
        %get3A_178 = vector.shape_cast %get3A_177 : vector<1x16xf32> to vector<16xf32>
        %add3A_179 = arith.constant 3 : i32
        %add3A_180 = arith.addi %mul3A_106, %add3A_179 : i32
        %get3A_181 = arith.index_cast %add3A_180 : i32 to index
        %get3A_182 = arith.constant 32 : index
        %get3A_183 = tpu.vector_load %arg8[%get3A_181, %get3A_182] {strides = array<i32>} : memref<64x256xf32, #tpu.memory_space<vmem>>, vector<1x16xf32>,
        %get3A_184 = vector.shape_cast %get3A_183 : vector<1x16xf32> to vector<16xf32>
        %max3A_185 = arith.maximumf %get3A_178, %get3A_184 : vector<16xf32>
        %max3A_186 = arith.maximumf %max3A_172, %max3A_185 : vector<16xf32>
        %mul3A_187 = arith.mulf %max3A_186, %get3A_12 : vector<16xf32>
        %add3A_188 = arith.addf %add3A_161, %mul3A_187 : vector<16xf32>
        %get3A_189 = arith.index_cast %mul3A_106 : i32 to index
        %get3A_190 = arith.constant 48 : index
        %get3A_191 = tpu.vector_load %arg8[%get3A_189, %get3A_190] {strides = array<i32>} : memref<64x256xf32, #tpu.memory_space<vmem>>, vector<1x16xf32>,
        %get3A_192 = vector.shape_cast %get3A_191 : vector<1x16xf32> to vector<16xf32>
        %add3A_193 = arith.constant 1 : i32
        %add3A_194 = arith.addi %mul3A_106, %add3A_193 : i32
        %get3A_195 = arith.index_cast %add3A_194 : i32 to index
        %get3A_196 = arith.constant 48 : index
        %get3A_197 = tpu.vector_load %arg8[%get3A_195, %get3A_196] {strides = array<i32>} : memref<64x256xf32, #tpu.memory_space<vmem>>, vector<1x16xf32>,
        %get3A_198 = vector.shape_cast %get3A_197 : vector<1x16xf32> to vector<16xf32>
        %max3A_199 = arith.maximumf %get3A_192, %get3A_198 : vector<16xf32>
        %add3A_200 = arith.constant 2 : i32
        %add3A_201 = arith.addi %mul3A_106, %add3A_200 : i32
        %get3A_202 = arith.index_cast %add3A_201 : i32 to index
        %get3A_203 = arith.constant 48 : index
        %get3A_204 = tpu.vector_load %arg8[%get3A_202, %get3A_203] {strides = array<i32>} : memref<64x256xf32, #tpu.memory_space<vmem>>, vector<1x16xf32>,
        %get3A_205 = vector.shape_cast %get3A_204 : vector<1x16xf32> to vector<16xf32>
        %add3A_206 = arith.constant 3 : i32
        %add3A_207 = arith.addi %mul3A_106, %add3A_206 : i32
        %get3A_208 = arith.index_cast %add3A_207 : i32 to index
        %get3A_209 = arith.constant 48 : index
        %get3A_210 = tpu.vector_load %arg8[%get3A_208, %get3A_209] {strides = array<i32>} : memref<64x256xf32, #tpu.memory_space<vmem>>, vector<1x16xf32>,
        %get3A_211 = vector.shape_cast %get3A_210 : vector<1x16xf32> to vector<16xf32>
        %max3A_212 = arith.maximumf %get3A_205, %get3A_211 : vector<16xf32>
        %max3A_213 = arith.maximumf %max3A_199, %max3A_212 : vector<16xf32>
        %mul3A_214 = arith.mulf %max3A_213, %get3A_15 : vector<16xf32>
        %add3A_215 = arith.addf %add3A_188, %mul3A_214 : vector<16xf32>
        %get3A_216 = arith.index_cast %mul3A_106 : i32 to index
        %get3A_217 = arith.constant 64 : index
        %get3A_218 = tpu.vector_load %arg8[%get3A_216, %get3A_217] {strides = array<i32>} : memref<64x256xf32, #tpu.memory_space<vmem>>, vector<1x16xf32>,
        %get3A_219 = vector.shape_cast %get3A_218 : vector<1x16xf32> to vector<16xf32>
        %add3A_220 = arith.constant 1 : i32
        %add3A_221 = arith.addi %mul3A_106, %add3A_220 : i32
        %get3A_222 = arith.index_cast %add3A_221 : i32 to index
        %get3A_223 = arith.constant 64 : index
        %get3A_224 = tpu.vector_load %arg8[%get3A_222, %get3A_223] {strides = array<i32>} : memref<64x256xf32, #tpu.memory_space<vmem>>, vector<1x16xf32>,
        %get3A_225 = vector.shape_cast %get3A_224 : vector<1x16xf32> to vector<16xf32>
        %max3A_226 = arith.maximumf %get3A_219, %get3A_225 : vector<16xf32>
        %add3A_227 = arith.constant 2 : i32
        %add3A_228 = arith.addi %mul3A_106, %add3A_227 : i32
        %get3A_229 = arith.index_cast %add3A_228 : i32 to index
        %get3A_230 = arith.constant 64 : index
        %get3A_231 = tpu.vector_load %arg8[%get3A_229, %get3A_230] {strides = array<i32>} : memref<64x256xf32, #tpu.memory_space<vmem>>, vector<1x16xf32>,
        %get3A_232 = vector.shape_cast %get3A_231 : vector<1x16xf32> to vector<16xf32>
        %add3A_233 = arith.constant 3 : i32
        %add3A_234 = arith.addi %mul3A_106, %add3A_233 : i32
        %get3A_235 = arith.index_cast %add3A_234 : i32 to index
        %get3A_236 = arith.constant 64 : index
        %get3A_237 = tpu.vector_load %arg8[%get3A_235, %get3A_236] {strides = array<i32>} : memref<64x256xf32, #tpu.memory_space<vmem>>, vector<1x16xf32>,
        %get3A_238 = vector.shape_cast %get3A_237 : vector<1x16xf32> to vector<16xf32>
        %max3A_239 = arith.maximumf %get3A_232, %get3A_238 : vector<16xf32>
        %max3A_240 = arith.maximumf %max3A_226, %max3A_239 : vector<16xf32>
        %mul3A_241 = arith.mulf %max3A_240, %get3A_18 : vector<16xf32>
        %add3A_242 = arith.addf %add3A_215, %mul3A_241 : vector<16xf32>
        %get3A_243 = arith.index_cast %mul3A_106 : i32 to index
        %get3A_244 = arith.constant 80 : index
        %get3A_245 = tpu.vector_load %arg8[%get3A_243, %get3A_244] {strides = array<i32>} : memref<64x256xf32, #tpu.memory_space<vmem>>, vector<1x16xf32>,
        %get3A_246 = vector.shape_cast %get3A_245 : vector<1x16xf32> to vector<16xf32>
        %add3A_247 = arith.constant 1 : i32
        %add3A_248 = arith.addi %mul3A_106, %add3A_247 : i32
        %get3A_249 = arith.index_cast %add3A_248 : i32 to index
        %get3A_250 = arith.constant 80 : index
        %get3A_251 = tpu.vector_load %arg8[%get3A_249, %get3A_250] {strides = array<i32>} : memref<64x256xf32, #tpu.memory_space<vmem>>, vector<1x16xf32>,
        %get3A_252 = vector.shape_cast %get3A_251 : vector<1x16xf32> to vector<16xf32>
        %max3A_253 = arith.maximumf %get3A_246, %get3A_252 : vector<16xf32>
        %add3A_254 = arith.constant 2 : i32
        %add3A_255 = arith.addi %mul3A_106, %add3A_254 : i32
        %get3A_256 = arith.index_cast %add3A_255 : i32 to index
        %get3A_257 = arith.constant 80 : index
        %get3A_258 = tpu.vector_load %arg8[%get3A_256, %get3A_257] {strides = array<i32>} : memref<64x256xf32, #tpu.memory_space<vmem>>, vector<1x16xf32>,
        %get3A_259 = vector.shape_cast %get3A_258 : vector<1x16xf32> to vector<16xf32>
        %add3A_260 = arith.constant 3 : i32
        %add3A_261 = arith.addi %mul3A_106, %add3A_260 : i32
        %get3A_262 = arith.index_cast %add3A_261 : i32 to index
        %get3A_263 = arith.constant 80 : index
        %get3A_264 = tpu.vector_load %arg8[%get3A_262, %get3A_263] {strides = array<i32>} : memref<64x256xf32, #tpu.memory_space<vmem>>, vector<1x16xf32>,
        %get3A_265 = vector.shape_cast %get3A_264 : vector<1x16xf32> to vector<16xf32>
        %max3A_266 = arith.maximumf %get3A_259, %get3A_265 : vector<16xf32>
        %max3A_267 = arith.maximumf %max3A_253, %max3A_266 : vector<16xf32>
        %mul3A_268 = arith.mulf %max3A_267, %get3A_21 : vector<16xf32>
        %add3A_269 = arith.addf %add3A_242, %mul3A_268 : vector<16xf32>
        %get3A_270 = arith.index_cast %mul3A_106 : i32 to index
        %get3A_271 = arith.constant 96 : index
        %get3A_272 = tpu.vector_load %arg8[%get3A_270, %get3A_271] {strides = array<i32>} : memref<64x256xf32, #tpu.memory_space<vmem>>, vector<1x16xf32>,
        %get3A_273 = vector.shape_cast %get3A_272 : vector<1x16xf32> to vector<16xf32>
        %add3A_274 = arith.constant 1 : i32
        %add3A_275 = arith.addi %mul3A_106, %add3A_274 : i32
        %get3A_276 = arith.index_cast %add3A_275 : i32 to index
        %get3A_277 = arith.constant 96 : index
        %get3A_278 = tpu.vector_load %arg8[%get3A_276, %get3A_277] {strides = array<i32>} : memref<64x256xf32, #tpu.memory_space<vmem>>, vector<1x16xf32>,
        %get3A_279 = vector.shape_cast %get3A_278 : vector<1x16xf32> to vector<16xf32>
        %max3A_280 = arith.maximumf %get3A_273, %get3A_279 : vector<16xf32>
        %add3A_281 = arith.constant 2 : i32
        %add3A_282 = arith.addi %mul3A_106, %add3A_281 : i32
        %get3A_283 = arith.index_cast %add3A_282 : i32 to index
        %get3A_284 = arith.constant 96 : index
        %get3A_285 = tpu.vector_load %arg8[%get3A_283, %get3A_284] {strides = array<i32>} : memref<64x256xf32, #tpu.memory_space<vmem>>, vector<1x16xf32>,
        %get3A_286 = vector.shape_cast %get3A_285 : vector<1x16xf32> to vector<16xf32>
        %add3A_287 = arith.constant 3 : i32
        %add3A_288 = arith.addi %mul3A_106, %add3A_287 : i32
        %get3A_289 = arith.index_cast %add3A_288 : i32 to index
        %get3A_290 = arith.constant 96 : index
        %get3A_291 = tpu.vector_load %arg8[%get3A_289, %get3A_290] {strides = array<i32>} : memref<64x256xf32, #tpu.memory_space<vmem>>, vector<1x16xf32>,
        %get3A_292 = vector.shape_cast %get3A_291 : vector<1x16xf32> to vector<16xf32>
        %max3A_293 = arith.maximumf %get3A_286, %get3A_292 : vector<16xf32>
        %max3A_294 = arith.maximumf %max3A_280, %max3A_293 : vector<16xf32>
        %mul3A_295 = arith.mulf %max3A_294, %get3A_24 : vector<16xf32>
        %add3A_296 = arith.addf %add3A_269, %mul3A_295 : vector<16xf32>
        %get3A_297 = arith.index_cast %mul3A_106 : i32 to index
        %get3A_298 = arith.constant 112 : index
        %get3A_299 = tpu.vector_load %arg8[%get3A_297, %get3A_298] {strides = array<i32>} : memref<64x256xf32, #tpu.memory_space<vmem>>, vector<1x16xf32>,
        %get3A_300 = vector.shape_cast %get3A_299 : vector<1x16xf32> to vector<16xf32>
        %add3A_301 = arith.constant 1 : i32
        %add3A_302 = arith.addi %mul3A_106, %add3A_301 : i32
        %get3A_303 = arith.index_cast %add3A_302 : i32 to index
        %get3A_304 = arith.constant 112 : index
        %get3A_305 = tpu.vector_load %arg8[%get3A_303, %get3A_304] {strides = array<i32>} : memref<64x256xf32, #tpu.memory_space<vmem>>, vector<1x16xf32>,
        %get3A_306 = vector.shape_cast %get3A_305 : vector<1x16xf32> to vector<16xf32>
        %max3A_307 = arith.maximumf %get3A_300, %get3A_306 : vector<16xf32>
        %add3A_308 = arith.constant 2 : i32
        %add3A_309 = arith.addi %mul3A_106, %add3A_308 : i32
        %get3A_310 = arith.index_cast %add3A_309 : i32 to index
        %get3A_311 = arith.constant 112 : index
        %get3A_312 = tpu.vector_load %arg8[%get3A_310, %get3A_311] {strides = array<i32>} : memref<64x256xf32, #tpu.memory_space<vmem>>, vector<1x16xf32>,
        %get3A_313 = vector.shape_cast %get3A_312 : vector<1x16xf32> to vector<16xf32>
        %add3A_314 = arith.constant 3 : i32
        %add3A_315 = arith.addi %mul3A_106, %add3A_314 : i32
        %get3A_316 = arith.index_cast %add3A_315 : i32 to index
        %get3A_317 = arith.constant 112 : index
        %get3A_318 = tpu.vector_load %arg8[%get3A_316, %get3A_317] {strides = array<i32>} : memref<64x256xf32, #tpu.memory_space<vmem>>, vector<1x16xf32>,
        %get3A_319 = vector.shape_cast %get3A_318 : vector<1x16xf32> to vector<16xf32>
        %max3A_320 = arith.maximumf %get3A_313, %get3A_319 : vector<16xf32>
        %max3A_321 = arith.maximumf %max3A_307, %max3A_320 : vector<16xf32>
        %mul3A_322 = arith.mulf %max3A_321, %get3A_27 : vector<16xf32>
        %add3A_323 = arith.addf %add3A_296, %mul3A_322 : vector<16xf32>
        %get3A_324 = arith.index_cast %mul3A_106 : i32 to index
        %get3A_325 = arith.constant 128 : index
        %get3A_326 = tpu.vector_load %arg8[%get3A_324, %get3A_325] {strides = array<i32>} : memref<64x256xf32, #tpu.memory_space<vmem>>, vector<1x16xf32>,
        %get3A_327 = vector.shape_cast %get3A_326 : vector<1x16xf32> to vector<16xf32>
        %add3A_328 = arith.constant 1 : i32
        %add3A_329 = arith.addi %mul3A_106, %add3A_328 : i32
        %get3A_330 = arith.index_cast %add3A_329 : i32 to index
        %get3A_331 = arith.constant 128 : index
        %get3A_332 = tpu.vector_load %arg8[%get3A_330, %get3A_331] {strides = array<i32>} : memref<64x256xf32, #tpu.memory_space<vmem>>, vector<1x16xf32>,
        %get3A_333 = vector.shape_cast %get3A_332 : vector<1x16xf32> to vector<16xf32>
        %max3A_334 = arith.maximumf %get3A_327, %get3A_333 : vector<16xf32>
        %add3A_335 = arith.constant 2 : i32
        %add3A_336 = arith.addi %mul3A_106, %add3A_335 : i32
        %get3A_337 = arith.index_cast %add3A_336 : i32 to index
        %get3A_338 = arith.constant 128 : index
        %get3A_339 = tpu.vector_load %arg8[%get3A_337, %get3A_338] {strides = array<i32>} : memref<64x256xf32, #tpu.memory_space<vmem>>, vector<1x16xf32>,
        %get3A_340 = vector.shape_cast %get3A_339 : vector<1x16xf32> to vector<16xf32>
        %add3A_341 = arith.constant 3 : i32
        %add3A_342 = arith.addi %mul3A_106, %add3A_341 : i32
        %get3A_343 = arith.index_cast %add3A_342 : i32 to index
        %get3A_344 = arith.constant 128 : index
        %get3A_345 = tpu.vector_load %arg8[%get3A_343, %get3A_344] {strides = array<i32>} : memref<64x256xf32, #tpu.memory_space<vmem>>, vector<1x16xf32>,
        %get3A_346 = vector.shape_cast %get3A_345 : vector<1x16xf32> to vector<16xf32>
        %max3A_347 = arith.maximumf %get3A_340, %get3A_346 : vector<16xf32>
        %max3A_348 = arith.maximumf %max3A_334, %max3A_347 : vector<16xf32>
        %mul3A_349 = arith.mulf %max3A_348, %get3A_30 : vector<16xf32>
        %add3A_350 = arith.addf %add3A_323, %mul3A_349 : vector<16xf32>
        %get3A_351 = arith.index_cast %mul3A_106 : i32 to index
        %get3A_352 = arith.constant 144 : index
        %get3A_353 = tpu.vector_load %arg8[%get3A_351, %get3A_352] {strides = array<i32>} : memref<64x256xf32, #tpu.memory_space<vmem>>, vector<1x16xf32>,
        %get3A_354 = vector.shape_cast %get3A_353 : vector<1x16xf32> to vector<16xf32>
        %add3A_355 = arith.constant 1 : i32
        %add3A_356 = arith.addi %mul3A_106, %add3A_355 : i32
        %get3A_357 = arith.index_cast %add3A_356 : i32 to index
        %get3A_358 = arith.constant 144 : index
        %get3A_359 = tpu.vector_load %arg8[%get3A_357, %get3A_358] {strides = array<i32>} : memref<64x256xf32, #tpu.memory_space<vmem>>, vector<1x16xf32>,
        %get3A_360 = vector.shape_cast %get3A_359 : vector<1x16xf32> to vector<16xf32>
        %max3A_361 = arith.maximumf %get3A_354, %get3A_360 : vector<16xf32>
        %add3A_362 = arith.constant 2 : i32
        %add3A_363 = arith.addi %mul3A_106, %add3A_362 : i32
        %get3A_364 = arith.index_cast %add3A_363 : i32 to index
        %get3A_365 = arith.constant 144 : index
        %get3A_366 = tpu.vector_load %arg8[%get3A_364, %get3A_365] {strides = array<i32>} : memref<64x256xf32, #tpu.memory_space<vmem>>, vector<1x16xf32>,
        %get3A_367 = vector.shape_cast %get3A_366 : vector<1x16xf32> to vector<16xf32>
        %add3A_368 = arith.constant 3 : i32
        %add3A_369 = arith.addi %mul3A_106, %add3A_368 : i32
        %get3A_370 = arith.index_cast %add3A_369 : i32 to index
        %get3A_371 = arith.constant 144 : index
        %get3A_372 = tpu.vector_load %arg8[%get3A_370, %get3A_371] {strides = array<i32>} : memref<64x256xf32, #tpu.memory_space<vmem>>, vector<1x16xf32>,
        %get3A_373 = vector.shape_cast %get3A_372 : vector<1x16xf32> to vector<16xf32>
        %max3A_374 = arith.maximumf %get3A_367, %get3A_373 : vector<16xf32>
        %max3A_375 = arith.maximumf %max3A_361, %max3A_374 : vector<16xf32>
        %mul3A_376 = arith.mulf %max3A_375, %get3A_33 : vector<16xf32>
        %add3A_377 = arith.addf %add3A_350, %mul3A_376 : vector<16xf32>
        %get3A_378 = arith.index_cast %mul3A_106 : i32 to index
        %get3A_379 = arith.constant 160 : index
        %get3A_380 = tpu.vector_load %arg8[%get3A_378, %get3A_379] {strides = array<i32>} : memref<64x256xf32, #tpu.memory_space<vmem>>, vector<1x16xf32>,
        %get3A_381 = vector.shape_cast %get3A_380 : vector<1x16xf32> to vector<16xf32>
        %add3A_382 = arith.constant 1 : i32
        %add3A_383 = arith.addi %mul3A_106, %add3A_382 : i32
        %get3A_384 = arith.index_cast %add3A_383 : i32 to index
        %get3A_385 = arith.constant 160 : index
        %get3A_386 = tpu.vector_load %arg8[%get3A_384, %get3A_385] {strides = array<i32>} : memref<64x256xf32, #tpu.memory_space<vmem>>, vector<1x16xf32>,
        %get3A_387 = vector.shape_cast %get3A_386 : vector<1x16xf32> to vector<16xf32>
        %max3A_388 = arith.maximumf %get3A_381, %get3A_387 : vector<16xf32>
        %add3A_389 = arith.constant 2 : i32
        %add3A_390 = arith.addi %mul3A_106, %add3A_389 : i32
        %get3A_391 = arith.index_cast %add3A_390 : i32 to index
        %get3A_392 = arith.constant 160 : index
        %get3A_393 = tpu.vector_load %arg8[%get3A_391, %get3A_392] {strides = array<i32>} : memref<64x256xf32, #tpu.memory_space<vmem>>, vector<1x16xf32>,
        %get3A_394 = vector.shape_cast %get3A_393 : vector<1x16xf32> to vector<16xf32>
        %add3A_395 = arith.constant 3 : i32
        %add3A_396 = arith.addi %mul3A_106, %add3A_395 : i32
        %get3A_397 = arith.index_cast %add3A_396 : i32 to index
        %get3A_398 = arith.constant 160 : index
        %get3A_399 = tpu.vector_load %arg8[%get3A_397, %get3A_398] {strides = array<i32>} : memref<64x256xf32, #tpu.memory_space<vmem>>, vector<1x16xf32>,
        %get3A_400 = vector.shape_cast %get3A_399 : vector<1x16xf32> to vector<16xf32>
        %max3A_401 = arith.maximumf %get3A_394, %get3A_400 : vector<16xf32>
        %max3A_402 = arith.maximumf %max3A_388, %max3A_401 : vector<16xf32>
        %mul3A_403 = arith.mulf %max3A_402, %get3A_36 : vector<16xf32>
        %add3A_404 = arith.addf %add3A_377, %mul3A_403 : vector<16xf32>
        %get3A_405 = arith.index_cast %mul3A_106 : i32 to index
        %get3A_406 = arith.constant 176 : index
        %get3A_407 = tpu.vector_load %arg8[%get3A_405, %get3A_406] {strides = array<i32>} : memref<64x256xf32, #tpu.memory_space<vmem>>, vector<1x16xf32>,
        %get3A_408 = vector.shape_cast %get3A_407 : vector<1x16xf32> to vector<16xf32>
        %add3A_409 = arith.constant 1 : i32
        %add3A_410 = arith.addi %mul3A_106, %add3A_409 : i32
        %get3A_411 = arith.index_cast %add3A_410 : i32 to index
        %get3A_412 = arith.constant 176 : index
        %get3A_413 = tpu.vector_load %arg8[%get3A_411, %get3A_412] {strides = array<i32>} : memref<64x256xf32, #tpu.memory_space<vmem>>, vector<1x16xf32>,
        %get3A_414 = vector.shape_cast %get3A_413 : vector<1x16xf32> to vector<16xf32>
        %max3A_415 = arith.maximumf %get3A_408, %get3A_414 : vector<16xf32>
        %add3A_416 = arith.constant 2 : i32
        %add3A_417 = arith.addi %mul3A_106, %add3A_416 : i32
        %get3A_418 = arith.index_cast %add3A_417 : i32 to index
        %get3A_419 = arith.constant 176 : index
        %get3A_420 = tpu.vector_load %arg8[%get3A_418, %get3A_419] {strides = array<i32>} : memref<64x256xf32, #tpu.memory_space<vmem>>, vector<1x16xf32>,
        %get3A_421 = vector.shape_cast %get3A_420 : vector<1x16xf32> to vector<16xf32>
        %add3A_422 = arith.constant 3 : i32
        %add3A_423 = arith.addi %mul3A_106, %add3A_422 : i32
        %get3A_424 = arith.index_cast %add3A_423 : i32 to index
        %get3A_425 = arith.constant 176 : index
        %get3A_426 = tpu.vector_load %arg8[%get3A_424, %get3A_425] {strides = array<i32>} : memref<64x256xf32, #tpu.memory_space<vmem>>, vector<1x16xf32>,
        %get3A_427 = vector.shape_cast %get3A_426 : vector<1x16xf32> to vector<16xf32>
        %max3A_428 = arith.maximumf %get3A_421, %get3A_427 : vector<16xf32>
        %max3A_429 = arith.maximumf %max3A_415, %max3A_428 : vector<16xf32>
        %mul3A_430 = arith.mulf %max3A_429, %get3A_39 : vector<16xf32>
        %add3A_431 = arith.addf %add3A_404, %mul3A_430 : vector<16xf32>
        %get3A_432 = arith.index_cast %mul3A_106 : i32 to index
        %get3A_433 = arith.constant 192 : index
        %get3A_434 = tpu.vector_load %arg8[%get3A_432, %get3A_433] {strides = array<i32>} : memref<64x256xf32, #tpu.memory_space<vmem>>, vector<1x16xf32>,
        %get3A_435 = vector.shape_cast %get3A_434 : vector<1x16xf32> to vector<16xf32>
        %add3A_436 = arith.constant 1 : i32
        %add3A_437 = arith.addi %mul3A_106, %add3A_436 : i32
        %get3A_438 = arith.index_cast %add3A_437 : i32 to index
        %get3A_439 = arith.constant 192 : index
        %get3A_440 = tpu.vector_load %arg8[%get3A_438, %get3A_439] {strides = array<i32>} : memref<64x256xf32, #tpu.memory_space<vmem>>, vector<1x16xf32>,
        %get3A_441 = vector.shape_cast %get3A_440 : vector<1x16xf32> to vector<16xf32>
        %max3A_442 = arith.maximumf %get3A_435, %get3A_441 : vector<16xf32>
        %add3A_443 = arith.constant 2 : i32
        %add3A_444 = arith.addi %mul3A_106, %add3A_443 : i32
        %get3A_445 = arith.index_cast %add3A_444 : i32 to index
        %get3A_446 = arith.constant 192 : index
        %get3A_447 = tpu.vector_load %arg8[%get3A_445, %get3A_446] {strides = array<i32>} : memref<64x256xf32, #tpu.memory_space<vmem>>, vector<1x16xf32>,
        %get3A_448 = vector.shape_cast %get3A_447 : vector<1x16xf32> to vector<16xf32>
        %add3A_449 = arith.constant 3 : i32
        %add3A_450 = arith.addi %mul3A_106, %add3A_449 : i32
        %get3A_451 = arith.index_cast %add3A_450 : i32 to index
        %get3A_452 = arith.constant 192 : index
        %get3A_453 = tpu.vector_load %arg8[%get3A_451, %get3A_452] {strides = array<i32>} : memref<64x256xf32, #tpu.memory_space<vmem>>, vector<1x16xf32>,
        %get3A_454 = vector.shape_cast %get3A_453 : vector<1x16xf32> to vector<16xf32>
        %max3A_455 = arith.maximumf %get3A_448, %get3A_454 : vector<16xf32>
        %max3A_456 = arith.maximumf %max3A_442, %max3A_455 : vector<16xf32>
        %mul3A_457 = arith.mulf %max3A_456, %get3A_42 : vector<16xf32>
        %add3A_458 = arith.addf %add3A_431, %mul3A_457 : vector<16xf32>
        %get3A_459 = arith.index_cast %mul3A_106 : i32 to index
        %get3A_460 = arith.constant 208 : index
        %get3A_461 = tpu.vector_load %arg8[%get3A_459, %get3A_460] {strides = array<i32>} : memref<64x256xf32, #tpu.memory_space<vmem>>, vector<1x16xf32>,
        %get3A_462 = vector.shape_cast %get3A_461 : vector<1x16xf32> to vector<16xf32>
        %add3A_463 = arith.constant 1 : i32
        %add3A_464 = arith.addi %mul3A_106, %add3A_463 : i32
        %get3A_465 = arith.index_cast %add3A_464 : i32 to index
        %get3A_466 = arith.constant 208 : index
        %get3A_467 = tpu.vector_load %arg8[%get3A_465, %get3A_466] {strides = array<i32>} : memref<64x256xf32, #tpu.memory_space<vmem>>, vector<1x16xf32>,
        %get3A_468 = vector.shape_cast %get3A_467 : vector<1x16xf32> to vector<16xf32>
        %max3A_469 = arith.maximumf %get3A_462, %get3A_468 : vector<16xf32>
        %add3A_470 = arith.constant 2 : i32
        %add3A_471 = arith.addi %mul3A_106, %add3A_470 : i32
        %get3A_472 = arith.index_cast %add3A_471 : i32 to index
        %get3A_473 = arith.constant 208 : index
        %get3A_474 = tpu.vector_load %arg8[%get3A_472, %get3A_473] {strides = array<i32>} : memref<64x256xf32, #tpu.memory_space<vmem>>, vector<1x16xf32>,
        %get3A_475 = vector.shape_cast %get3A_474 : vector<1x16xf32> to vector<16xf32>
        %add3A_476 = arith.constant 3 : i32
        %add3A_477 = arith.addi %mul3A_106, %add3A_476 : i32
        %get3A_478 = arith.index_cast %add3A_477 : i32 to index
        %get3A_479 = arith.constant 208 : index
        %get3A_480 = tpu.vector_load %arg8[%get3A_478, %get3A_479] {strides = array<i32>} : memref<64x256xf32, #tpu.memory_space<vmem>>, vector<1x16xf32>,
        %get3A_481 = vector.shape_cast %get3A_480 : vector<1x16xf32> to vector<16xf32>
        %max3A_482 = arith.maximumf %get3A_475, %get3A_481 : vector<16xf32>
        %max3A_483 = arith.maximumf %max3A_469, %max3A_482 : vector<16xf32>
        %mul3A_484 = arith.mulf %max3A_483, %get3A_45 : vector<16xf32>
        %add3A_485 = arith.addf %add3A_458, %mul3A_484 : vector<16xf32>
        %get3A_486 = arith.index_cast %mul3A_106 : i32 to index
        %get3A_487 = arith.constant 224 : index
        %get3A_488 = tpu.vector_load %arg8[%get3A_486, %get3A_487] {strides = array<i32>} : memref<64x256xf32, #tpu.memory_space<vmem>>, vector<1x16xf32>,
        %get3A_489 = vector.shape_cast %get3A_488 : vector<1x16xf32> to vector<16xf32>
        %add3A_490 = arith.constant 1 : i32
        %add3A_491 = arith.addi %mul3A_106, %add3A_490 : i32
        %get3A_492 = arith.index_cast %add3A_491 : i32 to index
        %get3A_493 = arith.constant 224 : index
        %get3A_494 = tpu.vector_load %arg8[%get3A_492, %get3A_493] {strides = array<i32>} : memref<64x256xf32, #tpu.memory_space<vmem>>, vector<1x16xf32>,
        %get3A_495 = vector.shape_cast %get3A_494 : vector<1x16xf32> to vector<16xf32>
        %max3A_496 = arith.maximumf %get3A_489, %get3A_495 : vector<16xf32>
        %add3A_497 = arith.constant 2 : i32
        %add3A_498 = arith.addi %mul3A_106, %add3A_497 : i32
        %get3A_499 = arith.index_cast %add3A_498 : i32 to index
        %get3A_500 = arith.constant 224 : index
        %get3A_501 = tpu.vector_load %arg8[%get3A_499, %get3A_500] {strides = array<i32>} : memref<64x256xf32, #tpu.memory_space<vmem>>, vector<1x16xf32>,
        %get3A_502 = vector.shape_cast %get3A_501 : vector<1x16xf32> to vector<16xf32>
        %add3A_503 = arith.constant 3 : i32
        %add3A_504 = arith.addi %mul3A_106, %add3A_503 : i32
        %get3A_505 = arith.index_cast %add3A_504 : i32 to index
        %get3A_506 = arith.constant 224 : index
        %get3A_507 = tpu.vector_load %arg8[%get3A_505, %get3A_506] {strides = array<i32>} : memref<64x256xf32, #tpu.memory_space<vmem>>, vector<1x16xf32>,
        %get3A_508 = vector.shape_cast %get3A_507 : vector<1x16xf32> to vector<16xf32>
        %max3A_509 = arith.maximumf %get3A_502, %get3A_508 : vector<16xf32>
        %max3A_510 = arith.maximumf %max3A_496, %max3A_509 : vector<16xf32>
        %mul3A_511 = arith.mulf %max3A_510, %get3A_48 : vector<16xf32>
        %add3A_512 = arith.addf %add3A_485, %mul3A_511 : vector<16xf32>
        %get3A_513 = arith.index_cast %mul3A_106 : i32 to index
        %get3A_514 = arith.constant 240 : index
        %get3A_515 = tpu.vector_load %arg8[%get3A_513, %get3A_514] {strides = array<i32>} : memref<64x256xf32, #tpu.memory_space<vmem>>, vector<1x16xf32>,
        %get3A_516 = vector.shape_cast %get3A_515 : vector<1x16xf32> to vector<16xf32>
        %add3A_517 = arith.constant 1 : i32
        %add3A_518 = arith.addi %mul3A_106, %add3A_517 : i32
        %get3A_519 = arith.index_cast %add3A_518 : i32 to index
        %get3A_520 = arith.constant 240 : index
        %get3A_521 = tpu.vector_load %arg8[%get3A_519, %get3A_520] {strides = array<i32>} : memref<64x256xf32, #tpu.memory_space<vmem>>, vector<1x16xf32>,
        %get3A_522 = vector.shape_cast %get3A_521 : vector<1x16xf32> to vector<16xf32>
        %max3A_523 = arith.maximumf %get3A_516, %get3A_522 : vector<16xf32>
        %add3A_524 = arith.constant 2 : i32
        %add3A_525 = arith.addi %mul3A_106, %add3A_524 : i32
        %get3A_526 = arith.index_cast %add3A_525 : i32 to index
        %get3A_527 = arith.constant 240 : index
        %get3A_528 = tpu.vector_load %arg8[%get3A_526, %get3A_527] {strides = array<i32>} : memref<64x256xf32, #tpu.memory_space<vmem>>, vector<1x16xf32>,
        %get3A_529 = vector.shape_cast %get3A_528 : vector<1x16xf32> to vector<16xf32>
        %add3A_530 = arith.constant 3 : i32
        %add3A_531 = arith.addi %mul3A_106, %add3A_530 : i32
        %get3A_532 = arith.index_cast %add3A_531 : i32 to index
        %get3A_533 = arith.constant 240 : index
        %get3A_534 = tpu.vector_load %arg8[%get3A_532, %get3A_533] {strides = array<i32>} : memref<64x256xf32, #tpu.memory_space<vmem>>, vector<1x16xf32>,
        %get3A_535 = vector.shape_cast %get3A_534 : vector<1x16xf32> to vector<16xf32>
        %max3A_536 = arith.maximumf %get3A_529, %get3A_535 : vector<16xf32>
        %max3A_537 = arith.maximumf %max3A_523, %max3A_536 : vector<16xf32>
        %mul3A_538 = arith.mulf %max3A_537, %get3A_51 : vector<16xf32>
        %add3A_539 = arith.addf %add3A_512, %mul3A_538 : vector<16xf32>
        %and3A = arith.constant 15 : i32
        %and3A_540 = arith.andi %scan3A_103, %and3A : i32
        %eq3A = vector.broadcast %and3A_540 : i32 to vector<16xi32>
        %eq3A_541 = arith.cmpi eq, %iota3A, %eq3A : vector<16xi32>
        %xor3A = arith.constant 1 : i32
        %xor3A_542 = vector.broadcast %xor3A : i32 to vector<16xi32>
        %xor3A_543 = arith.xori %iota3A, %xor3A_542 : vector<16xi32>
        %lt3A_544 = arith.constant 0 : i32
        %lt3A_545 = vector.broadcast %lt3A_544 : i32 to vector<16xi32>
        %lt3A_546 = arith.cmpi slt, %xor3A_543, %lt3A_545 : vector<16xi32>
        %add3A_547 = arith.constant 16 : i32
        %add3A_548 = vector.broadcast %add3A_547 : i32 to vector<16xi32>
        %add3A_549 = arith.addi %xor3A_543, %add3A_548 : vector<16xi32>
        %select_n3A = arith.select %lt3A_546, %add3A_549, %xor3A_543 : vector<16xi1>, vector<16xi32>
        %broadcast_in_dim3A_550 = vector.shape_cast %select_n3A : vector<16xi32> to vector<16x1xi32>
        %gather3A = vector.shape_cast %broadcast_in_dim3A_550 : vector<16x1xi32> to vector<16xi32>
        %gather3A_551 = tpu.dynamic_gather %add3A_539[%gather3A] in [0] : vector<16xf32>, vector<16xi32> -> vector<16xf32>
        %add3A_552 = arith.addf %add3A_539, %gather3A_551 : vector<16xf32>
        %xor3A_553 = arith.constant 2 : i32
        %xor3A_554 = vector.broadcast %xor3A_553 : i32 to vector<16xi32>
        %xor3A_555 = arith.xori %iota3A, %xor3A_554 : vector<16xi32>
        %lt3A_556 = arith.constant 0 : i32
        %lt3A_557 = vector.broadcast %lt3A_556 : i32 to vector<16xi32>
        %lt3A_558 = arith.cmpi slt, %xor3A_555, %lt3A_557 : vector<16xi32>
        %add3A_559 = arith.constant 16 : i32
        %add3A_560 = vector.broadcast %add3A_559 : i32 to vector<16xi32>
        %add3A_561 = arith.addi %xor3A_555, %add3A_560 : vector<16xi32>
        %select_n3A_562 = arith.select %lt3A_558, %add3A_561, %xor3A_555 : vector<16xi1>, vector<16xi32>
        %broadcast_in_dim3A_563 = vector.shape_cast %select_n3A_562 : vector<16xi32> to vector<16x1xi32>
        %gather3A_564 = vector.shape_cast %broadcast_in_dim3A_563 : vector<16x1xi32> to vector<16xi32>
        %gather3A_565 = tpu.dynamic_gather %add3A_552[%gather3A_564] in [0] : vector<16xf32>, vector<16xi32> -> vector<16xf32>
        %add3A_566 = arith.addf %add3A_552, %gather3A_565 : vector<16xf32>
        %xor3A_567 = arith.constant 4 : i32
        %xor3A_568 = vector.broadcast %xor3A_567 : i32 to vector<16xi32>
        %xor3A_569 = arith.xori %iota3A, %xor3A_568 : vector<16xi32>
        %lt3A_570 = arith.constant 0 : i32
        %lt3A_571 = vector.broadcast %lt3A_570 : i32 to vector<16xi32>
        %lt3A_572 = arith.cmpi slt, %xor3A_569, %lt3A_571 : vector<16xi32>
        %add3A_573 = arith.constant 16 : i32
        %add3A_574 = vector.broadcast %add3A_573 : i32 to vector<16xi32>
        %add3A_575 = arith.addi %xor3A_569, %add3A_574 : vector<16xi32>
        %select_n3A_576 = arith.select %lt3A_572, %add3A_575, %xor3A_569 : vector<16xi1>, vector<16xi32>
        %broadcast_in_dim3A_577 = vector.shape_cast %select_n3A_576 : vector<16xi32> to vector<16x1xi32>
        %gather3A_578 = vector.shape_cast %broadcast_in_dim3A_577 : vector<16x1xi32> to vector<16xi32>
        %gather3A_579 = tpu.dynamic_gather %add3A_566[%gather3A_578] in [0] : vector<16xf32>, vector<16xi32> -> vector<16xf32>
        %add3A_580 = arith.addf %add3A_566, %gather3A_579 : vector<16xf32>
        %xor3A_581 = arith.constant 8 : i32
        %xor3A_582 = vector.broadcast %xor3A_581 : i32 to vector<16xi32>
        %xor3A_583 = arith.xori %iota3A, %xor3A_582 : vector<16xi32>
        %lt3A_584 = arith.constant 0 : i32
        %lt3A_585 = vector.broadcast %lt3A_584 : i32 to vector<16xi32>
        %lt3A_586 = arith.cmpi slt, %xor3A_583, %lt3A_585 : vector<16xi32>
        %add3A_587 = arith.constant 16 : i32
        %add3A_588 = vector.broadcast %add3A_587 : i32 to vector<16xi32>
        %add3A_589 = arith.addi %xor3A_583, %add3A_588 : vector<16xi32>
        %select_n3A_590 = arith.select %lt3A_586, %add3A_589, %xor3A_583 : vector<16xi1>, vector<16xi32>
        %broadcast_in_dim3A_591 = vector.shape_cast %select_n3A_590 : vector<16xi32> to vector<16x1xi32>
        %gather3A_592 = vector.shape_cast %broadcast_in_dim3A_591 : vector<16x1xi32> to vector<16xi32>
        %gather3A_593 = tpu.dynamic_gather %add3A_580[%gather3A_592] in [0] : vector<16xf32>, vector<16xi32> -> vector<16xf32>
        %add3A_594 = arith.addf %add3A_580, %gather3A_593 : vector<16xf32>
        %select_n3A_595 = arith.select %eq3A_541, %add3A_594, %scan3A_104 : vector<16xi1>, vector<16xf32>
        %eq3A_596 = arith.constant 15 : i32
        %eq3A_597 = arith.cmpi eq, %and3A_540, %eq3A_596 : i32
        %convert_element_type3A_598 = arith.extui %eq3A_597 : i1 to i32
        %cond3A_599 = arith.constant 0 : i32
        %cond3A_600 = arith.cmpi ne, %convert_element_type3A_598, %cond3A_599 : i32
        scf.if %cond3A_600 {
          %mul3A_1105 = arith.constant 16 : i32
          %mul3A_1106 = arith.muli %add3A_93, %mul3A_1105 : i32
          %add3A_1107 = arith.addi %mul3A_1106, %scan3A_103 : i32
          %sub3A = arith.constant 15 : i32
          %sub3A_1108 = arith.subi %add3A_1107, %sub3A : i32
          %swap3A = arith.index_cast %sub3A_1108 : i32 to index
          %swap3A_1109 = tpu.vector_load %arg9[%swap3A] {strides = array<i32>} : memref<512xf32, #tpu.memory_space<vmem>>, vector<16xf32>,
          %swap3A_1110 = vector.shape_cast %swap3A_1109 : vector<16xf32> to vector<16xf32>
          %swap3A_1111 = vector.shape_cast %select_n3A_595 : vector<16xf32> to vector<16xf32>
          tpu.vector_store %arg9[%swap3A], %swap3A_1111 {strides = array<i32>} : memref<512xf32, #tpu.memory_space<vmem>>, vector<16xf32>,
        } else {
        }
        %scan3A_601 = arith.constant 1 : i32
        %scan3A_602 = arith.addi %scan3A_103, %scan3A_601 : i32
        %mul3A_603 = arith.constant 4 : i32
        %mul3A_604 = arith.muli %scan3A_602, %mul3A_603 : i32
        %broadcast_in_dim3A_605 = arith.constant 0.000000e+00 : f32
        %broadcast_in_dim3A_606 = vector.broadcast %broadcast_in_dim3A_605 : f32 to vector<16xf32>
        %get3A_607 = arith.index_cast %mul3A_604 : i32 to index
        %get3A_608 = arith.constant 0 : index
        %get3A_609 = tpu.vector_load %arg8[%get3A_607, %get3A_608] {strides = array<i32>} : memref<64x256xf32, #tpu.memory_space<vmem>>, vector<1x16xf32>,
        %get3A_610 = vector.shape_cast %get3A_609 : vector<1x16xf32> to vector<16xf32>
        %add3A_611 = arith.constant 1 : i32
        %add3A_612 = arith.addi %mul3A_604, %add3A_611 : i32
        %get3A_613 = arith.index_cast %add3A_612 : i32 to index
        %get3A_614 = arith.constant 0 : index
        %get3A_615 = tpu.vector_load %arg8[%get3A_613, %get3A_614] {strides = array<i32>} : memref<64x256xf32, #tpu.memory_space<vmem>>, vector<1x16xf32>,
        %get3A_616 = vector.shape_cast %get3A_615 : vector<1x16xf32> to vector<16xf32>
        %max3A_617 = arith.maximumf %get3A_610, %get3A_616 : vector<16xf32>
        %add3A_618 = arith.constant 2 : i32
        %add3A_619 = arith.addi %mul3A_604, %add3A_618 : i32
        %get3A_620 = arith.index_cast %add3A_619 : i32 to index
        %get3A_621 = arith.constant 0 : index
        %get3A_622 = tpu.vector_load %arg8[%get3A_620, %get3A_621] {strides = array<i32>} : memref<64x256xf32, #tpu.memory_space<vmem>>, vector<1x16xf32>,
        %get3A_623 = vector.shape_cast %get3A_622 : vector<1x16xf32> to vector<16xf32>
        %add3A_624 = arith.constant 3 : i32
        %add3A_625 = arith.addi %mul3A_604, %add3A_624 : i32
        %get3A_626 = arith.index_cast %add3A_625 : i32 to index
        %get3A_627 = arith.constant 0 : index
        %get3A_628 = tpu.vector_load %arg8[%get3A_626, %get3A_627] {strides = array<i32>} : memref<64x256xf32, #tpu.memory_space<vmem>>, vector<1x16xf32>,
        %get3A_629 = vector.shape_cast %get3A_628 : vector<1x16xf32> to vector<16xf32>
        %max3A_630 = arith.maximumf %get3A_623, %get3A_629 : vector<16xf32>
        %max3A_631 = arith.maximumf %max3A_617, %max3A_630 : vector<16xf32>
        %mul3A_632 = arith.mulf %max3A_631, %get3A_6 : vector<16xf32>
        %add3A_633 = arith.addf %broadcast_in_dim3A_606, %mul3A_632 : vector<16xf32>
        %get3A_634 = arith.index_cast %mul3A_604 : i32 to index
        %get3A_635 = arith.constant 16 : index
        %get3A_636 = tpu.vector_load %arg8[%get3A_634, %get3A_635] {strides = array<i32>} : memref<64x256xf32, #tpu.memory_space<vmem>>, vector<1x16xf32>,
        %get3A_637 = vector.shape_cast %get3A_636 : vector<1x16xf32> to vector<16xf32>
        %add3A_638 = arith.constant 1 : i32
        %add3A_639 = arith.addi %mul3A_604, %add3A_638 : i32
        %get3A_640 = arith.index_cast %add3A_639 : i32 to index
        %get3A_641 = arith.constant 16 : index
        %get3A_642 = tpu.vector_load %arg8[%get3A_640, %get3A_641] {strides = array<i32>} : memref<64x256xf32, #tpu.memory_space<vmem>>, vector<1x16xf32>,
        %get3A_643 = vector.shape_cast %get3A_642 : vector<1x16xf32> to vector<16xf32>
        %max3A_644 = arith.maximumf %get3A_637, %get3A_643 : vector<16xf32>
        %add3A_645 = arith.constant 2 : i32
        %add3A_646 = arith.addi %mul3A_604, %add3A_645 : i32
        %get3A_647 = arith.index_cast %add3A_646 : i32 to index
        %get3A_648 = arith.constant 16 : index
        %get3A_649 = tpu.vector_load %arg8[%get3A_647, %get3A_648] {strides = array<i32>} : memref<64x256xf32, #tpu.memory_space<vmem>>, vector<1x16xf32>,
        %get3A_650 = vector.shape_cast %get3A_649 : vector<1x16xf32> to vector<16xf32>
        %add3A_651 = arith.constant 3 : i32
        %add3A_652 = arith.addi %mul3A_604, %add3A_651 : i32
        %get3A_653 = arith.index_cast %add3A_652 : i32 to index
        %get3A_654 = arith.constant 16 : index
        %get3A_655 = tpu.vector_load %arg8[%get3A_653, %get3A_654] {strides = array<i32>} : memref<64x256xf32, #tpu.memory_space<vmem>>, vector<1x16xf32>,
        %get3A_656 = vector.shape_cast %get3A_655 : vector<1x16xf32> to vector<16xf32>
        %max3A_657 = arith.maximumf %get3A_650, %get3A_656 : vector<16xf32>
        %max3A_658 = arith.maximumf %max3A_644, %max3A_657 : vector<16xf32>
        %mul3A_659 = arith.mulf %max3A_658, %get3A_9 : vector<16xf32>
        %add3A_660 = arith.addf %add3A_633, %mul3A_659 : vector<16xf32>
        %get3A_661 = arith.index_cast %mul3A_604 : i32 to index
        %get3A_662 = arith.constant 32 : index
        %get3A_663 = tpu.vector_load %arg8[%get3A_661, %get3A_662] {strides = array<i32>} : memref<64x256xf32, #tpu.memory_space<vmem>>, vector<1x16xf32>,
        %get3A_664 = vector.shape_cast %get3A_663 : vector<1x16xf32> to vector<16xf32>
        %add3A_665 = arith.constant 1 : i32
        %add3A_666 = arith.addi %mul3A_604, %add3A_665 : i32
        %get3A_667 = arith.index_cast %add3A_666 : i32 to index
        %get3A_668 = arith.constant 32 : index
        %get3A_669 = tpu.vector_load %arg8[%get3A_667, %get3A_668] {strides = array<i32>} : memref<64x256xf32, #tpu.memory_space<vmem>>, vector<1x16xf32>,
        %get3A_670 = vector.shape_cast %get3A_669 : vector<1x16xf32> to vector<16xf32>
        %max3A_671 = arith.maximumf %get3A_664, %get3A_670 : vector<16xf32>
        %add3A_672 = arith.constant 2 : i32
        %add3A_673 = arith.addi %mul3A_604, %add3A_672 : i32
        %get3A_674 = arith.index_cast %add3A_673 : i32 to index
        %get3A_675 = arith.constant 32 : index
        %get3A_676 = tpu.vector_load %arg8[%get3A_674, %get3A_675] {strides = array<i32>} : memref<64x256xf32, #tpu.memory_space<vmem>>, vector<1x16xf32>,
        %get3A_677 = vector.shape_cast %get3A_676 : vector<1x16xf32> to vector<16xf32>
        %add3A_678 = arith.constant 3 : i32
        %add3A_679 = arith.addi %mul3A_604, %add3A_678 : i32
        %get3A_680 = arith.index_cast %add3A_679 : i32 to index
        %get3A_681 = arith.constant 32 : index
        %get3A_682 = tpu.vector_load %arg8[%get3A_680, %get3A_681] {strides = array<i32>} : memref<64x256xf32, #tpu.memory_space<vmem>>, vector<1x16xf32>,
        %get3A_683 = vector.shape_cast %get3A_682 : vector<1x16xf32> to vector<16xf32>
        %max3A_684 = arith.maximumf %get3A_677, %get3A_683 : vector<16xf32>
        %max3A_685 = arith.maximumf %max3A_671, %max3A_684 : vector<16xf32>
        %mul3A_686 = arith.mulf %max3A_685, %get3A_12 : vector<16xf32>
        %add3A_687 = arith.addf %add3A_660, %mul3A_686 : vector<16xf32>
        %get3A_688 = arith.index_cast %mul3A_604 : i32 to index
        %get3A_689 = arith.constant 48 : index
        %get3A_690 = tpu.vector_load %arg8[%get3A_688, %get3A_689] {strides = array<i32>} : memref<64x256xf32, #tpu.memory_space<vmem>>, vector<1x16xf32>,
        %get3A_691 = vector.shape_cast %get3A_690 : vector<1x16xf32> to vector<16xf32>
        %add3A_692 = arith.constant 1 : i32
        %add3A_693 = arith.addi %mul3A_604, %add3A_692 : i32
        %get3A_694 = arith.index_cast %add3A_693 : i32 to index
        %get3A_695 = arith.constant 48 : index
        %get3A_696 = tpu.vector_load %arg8[%get3A_694, %get3A_695] {strides = array<i32>} : memref<64x256xf32, #tpu.memory_space<vmem>>, vector<1x16xf32>,
        %get3A_697 = vector.shape_cast %get3A_696 : vector<1x16xf32> to vector<16xf32>
        %max3A_698 = arith.maximumf %get3A_691, %get3A_697 : vector<16xf32>
        %add3A_699 = arith.constant 2 : i32
        %add3A_700 = arith.addi %mul3A_604, %add3A_699 : i32
        %get3A_701 = arith.index_cast %add3A_700 : i32 to index
        %get3A_702 = arith.constant 48 : index
        %get3A_703 = tpu.vector_load %arg8[%get3A_701, %get3A_702] {strides = array<i32>} : memref<64x256xf32, #tpu.memory_space<vmem>>, vector<1x16xf32>,
        %get3A_704 = vector.shape_cast %get3A_703 : vector<1x16xf32> to vector<16xf32>
        %add3A_705 = arith.constant 3 : i32
        %add3A_706 = arith.addi %mul3A_604, %add3A_705 : i32
        %get3A_707 = arith.index_cast %add3A_706 : i32 to index
        %get3A_708 = arith.constant 48 : index
        %get3A_709 = tpu.vector_load %arg8[%get3A_707, %get3A_708] {strides = array<i32>} : memref<64x256xf32, #tpu.memory_space<vmem>>, vector<1x16xf32>,
        %get3A_710 = vector.shape_cast %get3A_709 : vector<1x16xf32> to vector<16xf32>
        %max3A_711 = arith.maximumf %get3A_704, %get3A_710 : vector<16xf32>
        %max3A_712 = arith.maximumf %max3A_698, %max3A_711 : vector<16xf32>
        %mul3A_713 = arith.mulf %max3A_712, %get3A_15 : vector<16xf32>
        %add3A_714 = arith.addf %add3A_687, %mul3A_713 : vector<16xf32>
        %get3A_715 = arith.index_cast %mul3A_604 : i32 to index
        %get3A_716 = arith.constant 64 : index
        %get3A_717 = tpu.vector_load %arg8[%get3A_715, %get3A_716] {strides = array<i32>} : memref<64x256xf32, #tpu.memory_space<vmem>>, vector<1x16xf32>,
        %get3A_718 = vector.shape_cast %get3A_717 : vector<1x16xf32> to vector<16xf32>
        %add3A_719 = arith.constant 1 : i32
        %add3A_720 = arith.addi %mul3A_604, %add3A_719 : i32
        %get3A_721 = arith.index_cast %add3A_720 : i32 to index
        %get3A_722 = arith.constant 64 : index
        %get3A_723 = tpu.vector_load %arg8[%get3A_721, %get3A_722] {strides = array<i32>} : memref<64x256xf32, #tpu.memory_space<vmem>>, vector<1x16xf32>,
        %get3A_724 = vector.shape_cast %get3A_723 : vector<1x16xf32> to vector<16xf32>
        %max3A_725 = arith.maximumf %get3A_718, %get3A_724 : vector<16xf32>
        %add3A_726 = arith.constant 2 : i32
        %add3A_727 = arith.addi %mul3A_604, %add3A_726 : i32
        %get3A_728 = arith.index_cast %add3A_727 : i32 to index
        %get3A_729 = arith.constant 64 : index
        %get3A_730 = tpu.vector_load %arg8[%get3A_728, %get3A_729] {strides = array<i32>} : memref<64x256xf32, #tpu.memory_space<vmem>>, vector<1x16xf32>,
        %get3A_731 = vector.shape_cast %get3A_730 : vector<1x16xf32> to vector<16xf32>
        %add3A_732 = arith.constant 3 : i32
        %add3A_733 = arith.addi %mul3A_604, %add3A_732 : i32
        %get3A_734 = arith.index_cast %add3A_733 : i32 to index
        %get3A_735 = arith.constant 64 : index
        %get3A_736 = tpu.vector_load %arg8[%get3A_734, %get3A_735] {strides = array<i32>} : memref<64x256xf32, #tpu.memory_space<vmem>>, vector<1x16xf32>,
        %get3A_737 = vector.shape_cast %get3A_736 : vector<1x16xf32> to vector<16xf32>
        %max3A_738 = arith.maximumf %get3A_731, %get3A_737 : vector<16xf32>
        %max3A_739 = arith.maximumf %max3A_725, %max3A_738 : vector<16xf32>
        %mul3A_740 = arith.mulf %max3A_739, %get3A_18 : vector<16xf32>
        %add3A_741 = arith.addf %add3A_714, %mul3A_740 : vector<16xf32>
        %get3A_742 = arith.index_cast %mul3A_604 : i32 to index
        %get3A_743 = arith.constant 80 : index
        %get3A_744 = tpu.vector_load %arg8[%get3A_742, %get3A_743] {strides = array<i32>} : memref<64x256xf32, #tpu.memory_space<vmem>>, vector<1x16xf32>,
        %get3A_745 = vector.shape_cast %get3A_744 : vector<1x16xf32> to vector<16xf32>
        %add3A_746 = arith.constant 1 : i32
        %add3A_747 = arith.addi %mul3A_604, %add3A_746 : i32
        %get3A_748 = arith.index_cast %add3A_747 : i32 to index
        %get3A_749 = arith.constant 80 : index
        %get3A_750 = tpu.vector_load %arg8[%get3A_748, %get3A_749] {strides = array<i32>} : memref<64x256xf32, #tpu.memory_space<vmem>>, vector<1x16xf32>,
        %get3A_751 = vector.shape_cast %get3A_750 : vector<1x16xf32> to vector<16xf32>
        %max3A_752 = arith.maximumf %get3A_745, %get3A_751 : vector<16xf32>
        %add3A_753 = arith.constant 2 : i32
        %add3A_754 = arith.addi %mul3A_604, %add3A_753 : i32
        %get3A_755 = arith.index_cast %add3A_754 : i32 to index
        %get3A_756 = arith.constant 80 : index
        %get3A_757 = tpu.vector_load %arg8[%get3A_755, %get3A_756] {strides = array<i32>} : memref<64x256xf32, #tpu.memory_space<vmem>>, vector<1x16xf32>,
        %get3A_758 = vector.shape_cast %get3A_757 : vector<1x16xf32> to vector<16xf32>
        %add3A_759 = arith.constant 3 : i32
        %add3A_760 = arith.addi %mul3A_604, %add3A_759 : i32
        %get3A_761 = arith.index_cast %add3A_760 : i32 to index
        %get3A_762 = arith.constant 80 : index
        %get3A_763 = tpu.vector_load %arg8[%get3A_761, %get3A_762] {strides = array<i32>} : memref<64x256xf32, #tpu.memory_space<vmem>>, vector<1x16xf32>,
        %get3A_764 = vector.shape_cast %get3A_763 : vector<1x16xf32> to vector<16xf32>
        %max3A_765 = arith.maximumf %get3A_758, %get3A_764 : vector<16xf32>
        %max3A_766 = arith.maximumf %max3A_752, %max3A_765 : vector<16xf32>
        %mul3A_767 = arith.mulf %max3A_766, %get3A_21 : vector<16xf32>
        %add3A_768 = arith.addf %add3A_741, %mul3A_767 : vector<16xf32>
        %get3A_769 = arith.index_cast %mul3A_604 : i32 to index
        %get3A_770 = arith.constant 96 : index
        %get3A_771 = tpu.vector_load %arg8[%get3A_769, %get3A_770] {strides = array<i32>} : memref<64x256xf32, #tpu.memory_space<vmem>>, vector<1x16xf32>,
        %get3A_772 = vector.shape_cast %get3A_771 : vector<1x16xf32> to vector<16xf32>
        %add3A_773 = arith.constant 1 : i32
        %add3A_774 = arith.addi %mul3A_604, %add3A_773 : i32
        %get3A_775 = arith.index_cast %add3A_774 : i32 to index
        %get3A_776 = arith.constant 96 : index
        %get3A_777 = tpu.vector_load %arg8[%get3A_775, %get3A_776] {strides = array<i32>} : memref<64x256xf32, #tpu.memory_space<vmem>>, vector<1x16xf32>,
        %get3A_778 = vector.shape_cast %get3A_777 : vector<1x16xf32> to vector<16xf32>
        %max3A_779 = arith.maximumf %get3A_772, %get3A_778 : vector<16xf32>
        %add3A_780 = arith.constant 2 : i32
        %add3A_781 = arith.addi %mul3A_604, %add3A_780 : i32
        %get3A_782 = arith.index_cast %add3A_781 : i32 to index
        %get3A_783 = arith.constant 96 : index
        %get3A_784 = tpu.vector_load %arg8[%get3A_782, %get3A_783] {strides = array<i32>} : memref<64x256xf32, #tpu.memory_space<vmem>>, vector<1x16xf32>,
        %get3A_785 = vector.shape_cast %get3A_784 : vector<1x16xf32> to vector<16xf32>
        %add3A_786 = arith.constant 3 : i32
        %add3A_787 = arith.addi %mul3A_604, %add3A_786 : i32
        %get3A_788 = arith.index_cast %add3A_787 : i32 to index
        %get3A_789 = arith.constant 96 : index
        %get3A_790 = tpu.vector_load %arg8[%get3A_788, %get3A_789] {strides = array<i32>} : memref<64x256xf32, #tpu.memory_space<vmem>>, vector<1x16xf32>,
        %get3A_791 = vector.shape_cast %get3A_790 : vector<1x16xf32> to vector<16xf32>
        %max3A_792 = arith.maximumf %get3A_785, %get3A_791 : vector<16xf32>
        %max3A_793 = arith.maximumf %max3A_779, %max3A_792 : vector<16xf32>
        %mul3A_794 = arith.mulf %max3A_793, %get3A_24 : vector<16xf32>
        %add3A_795 = arith.addf %add3A_768, %mul3A_794 : vector<16xf32>
        %get3A_796 = arith.index_cast %mul3A_604 : i32 to index
        %get3A_797 = arith.constant 112 : index
        %get3A_798 = tpu.vector_load %arg8[%get3A_796, %get3A_797] {strides = array<i32>} : memref<64x256xf32, #tpu.memory_space<vmem>>, vector<1x16xf32>,
        %get3A_799 = vector.shape_cast %get3A_798 : vector<1x16xf32> to vector<16xf32>
        %add3A_800 = arith.constant 1 : i32
        %add3A_801 = arith.addi %mul3A_604, %add3A_800 : i32
        %get3A_802 = arith.index_cast %add3A_801 : i32 to index
        %get3A_803 = arith.constant 112 : index
        %get3A_804 = tpu.vector_load %arg8[%get3A_802, %get3A_803] {strides = array<i32>} : memref<64x256xf32, #tpu.memory_space<vmem>>, vector<1x16xf32>,
        %get3A_805 = vector.shape_cast %get3A_804 : vector<1x16xf32> to vector<16xf32>
        %max3A_806 = arith.maximumf %get3A_799, %get3A_805 : vector<16xf32>
        %add3A_807 = arith.constant 2 : i32
        %add3A_808 = arith.addi %mul3A_604, %add3A_807 : i32
        %get3A_809 = arith.index_cast %add3A_808 : i32 to index
        %get3A_810 = arith.constant 112 : index
        %get3A_811 = tpu.vector_load %arg8[%get3A_809, %get3A_810] {strides = array<i32>} : memref<64x256xf32, #tpu.memory_space<vmem>>, vector<1x16xf32>,
        %get3A_812 = vector.shape_cast %get3A_811 : vector<1x16xf32> to vector<16xf32>
        %add3A_813 = arith.constant 3 : i32
        %add3A_814 = arith.addi %mul3A_604, %add3A_813 : i32
        %get3A_815 = arith.index_cast %add3A_814 : i32 to index
        %get3A_816 = arith.constant 112 : index
        %get3A_817 = tpu.vector_load %arg8[%get3A_815, %get3A_816] {strides = array<i32>} : memref<64x256xf32, #tpu.memory_space<vmem>>, vector<1x16xf32>,
        %get3A_818 = vector.shape_cast %get3A_817 : vector<1x16xf32> to vector<16xf32>
        %max3A_819 = arith.maximumf %get3A_812, %get3A_818 : vector<16xf32>
        %max3A_820 = arith.maximumf %max3A_806, %max3A_819 : vector<16xf32>
        %mul3A_821 = arith.mulf %max3A_820, %get3A_27 : vector<16xf32>
        %add3A_822 = arith.addf %add3A_795, %mul3A_821 : vector<16xf32>
        %get3A_823 = arith.index_cast %mul3A_604 : i32 to index
        %get3A_824 = arith.constant 128 : index
        %get3A_825 = tpu.vector_load %arg8[%get3A_823, %get3A_824] {strides = array<i32>} : memref<64x256xf32, #tpu.memory_space<vmem>>, vector<1x16xf32>,
        %get3A_826 = vector.shape_cast %get3A_825 : vector<1x16xf32> to vector<16xf32>
        %add3A_827 = arith.constant 1 : i32
        %add3A_828 = arith.addi %mul3A_604, %add3A_827 : i32
        %get3A_829 = arith.index_cast %add3A_828 : i32 to index
        %get3A_830 = arith.constant 128 : index
        %get3A_831 = tpu.vector_load %arg8[%get3A_829, %get3A_830] {strides = array<i32>} : memref<64x256xf32, #tpu.memory_space<vmem>>, vector<1x16xf32>,
        %get3A_832 = vector.shape_cast %get3A_831 : vector<1x16xf32> to vector<16xf32>
        %max3A_833 = arith.maximumf %get3A_826, %get3A_832 : vector<16xf32>
        %add3A_834 = arith.constant 2 : i32
        %add3A_835 = arith.addi %mul3A_604, %add3A_834 : i32
        %get3A_836 = arith.index_cast %add3A_835 : i32 to index
        %get3A_837 = arith.constant 128 : index
        %get3A_838 = tpu.vector_load %arg8[%get3A_836, %get3A_837] {strides = array<i32>} : memref<64x256xf32, #tpu.memory_space<vmem>>, vector<1x16xf32>,
        %get3A_839 = vector.shape_cast %get3A_838 : vector<1x16xf32> to vector<16xf32>
        %add3A_840 = arith.constant 3 : i32
        %add3A_841 = arith.addi %mul3A_604, %add3A_840 : i32
        %get3A_842 = arith.index_cast %add3A_841 : i32 to index
        %get3A_843 = arith.constant 128 : index
        %get3A_844 = tpu.vector_load %arg8[%get3A_842, %get3A_843] {strides = array<i32>} : memref<64x256xf32, #tpu.memory_space<vmem>>, vector<1x16xf32>,
        %get3A_845 = vector.shape_cast %get3A_844 : vector<1x16xf32> to vector<16xf32>
        %max3A_846 = arith.maximumf %get3A_839, %get3A_845 : vector<16xf32>
        %max3A_847 = arith.maximumf %max3A_833, %max3A_846 : vector<16xf32>
        %mul3A_848 = arith.mulf %max3A_847, %get3A_30 : vector<16xf32>
        %add3A_849 = arith.addf %add3A_822, %mul3A_848 : vector<16xf32>
        %get3A_850 = arith.index_cast %mul3A_604 : i32 to index
        %get3A_851 = arith.constant 144 : index
        %get3A_852 = tpu.vector_load %arg8[%get3A_850, %get3A_851] {strides = array<i32>} : memref<64x256xf32, #tpu.memory_space<vmem>>, vector<1x16xf32>,
        %get3A_853 = vector.shape_cast %get3A_852 : vector<1x16xf32> to vector<16xf32>
        %add3A_854 = arith.constant 1 : i32
        %add3A_855 = arith.addi %mul3A_604, %add3A_854 : i32
        %get3A_856 = arith.index_cast %add3A_855 : i32 to index
        %get3A_857 = arith.constant 144 : index
        %get3A_858 = tpu.vector_load %arg8[%get3A_856, %get3A_857] {strides = array<i32>} : memref<64x256xf32, #tpu.memory_space<vmem>>, vector<1x16xf32>,
        %get3A_859 = vector.shape_cast %get3A_858 : vector<1x16xf32> to vector<16xf32>
        %max3A_860 = arith.maximumf %get3A_853, %get3A_859 : vector<16xf32>
        %add3A_861 = arith.constant 2 : i32
        %add3A_862 = arith.addi %mul3A_604, %add3A_861 : i32
        %get3A_863 = arith.index_cast %add3A_862 : i32 to index
        %get3A_864 = arith.constant 144 : index
        %get3A_865 = tpu.vector_load %arg8[%get3A_863, %get3A_864] {strides = array<i32>} : memref<64x256xf32, #tpu.memory_space<vmem>>, vector<1x16xf32>,
        %get3A_866 = vector.shape_cast %get3A_865 : vector<1x16xf32> to vector<16xf32>
        %add3A_867 = arith.constant 3 : i32
        %add3A_868 = arith.addi %mul3A_604, %add3A_867 : i32
        %get3A_869 = arith.index_cast %add3A_868 : i32 to index
        %get3A_870 = arith.constant 144 : index
        %get3A_871 = tpu.vector_load %arg8[%get3A_869, %get3A_870] {strides = array<i32>} : memref<64x256xf32, #tpu.memory_space<vmem>>, vector<1x16xf32>,
        %get3A_872 = vector.shape_cast %get3A_871 : vector<1x16xf32> to vector<16xf32>
        %max3A_873 = arith.maximumf %get3A_866, %get3A_872 : vector<16xf32>
        %max3A_874 = arith.maximumf %max3A_860, %max3A_873 : vector<16xf32>
        %mul3A_875 = arith.mulf %max3A_874, %get3A_33 : vector<16xf32>
        %add3A_876 = arith.addf %add3A_849, %mul3A_875 : vector<16xf32>
        %get3A_877 = arith.index_cast %mul3A_604 : i32 to index
        %get3A_878 = arith.constant 160 : index
        %get3A_879 = tpu.vector_load %arg8[%get3A_877, %get3A_878] {strides = array<i32>} : memref<64x256xf32, #tpu.memory_space<vmem>>, vector<1x16xf32>,
        %get3A_880 = vector.shape_cast %get3A_879 : vector<1x16xf32> to vector<16xf32>
        %add3A_881 = arith.constant 1 : i32
        %add3A_882 = arith.addi %mul3A_604, %add3A_881 : i32
        %get3A_883 = arith.index_cast %add3A_882 : i32 to index
        %get3A_884 = arith.constant 160 : index
        %get3A_885 = tpu.vector_load %arg8[%get3A_883, %get3A_884] {strides = array<i32>} : memref<64x256xf32, #tpu.memory_space<vmem>>, vector<1x16xf32>,
        %get3A_886 = vector.shape_cast %get3A_885 : vector<1x16xf32> to vector<16xf32>
        %max3A_887 = arith.maximumf %get3A_880, %get3A_886 : vector<16xf32>
        %add3A_888 = arith.constant 2 : i32
        %add3A_889 = arith.addi %mul3A_604, %add3A_888 : i32
        %get3A_890 = arith.index_cast %add3A_889 : i32 to index
        %get3A_891 = arith.constant 160 : index
        %get3A_892 = tpu.vector_load %arg8[%get3A_890, %get3A_891] {strides = array<i32>} : memref<64x256xf32, #tpu.memory_space<vmem>>, vector<1x16xf32>,
        %get3A_893 = vector.shape_cast %get3A_892 : vector<1x16xf32> to vector<16xf32>
        %add3A_894 = arith.constant 3 : i32
        %add3A_895 = arith.addi %mul3A_604, %add3A_894 : i32
        %get3A_896 = arith.index_cast %add3A_895 : i32 to index
        %get3A_897 = arith.constant 160 : index
        %get3A_898 = tpu.vector_load %arg8[%get3A_896, %get3A_897] {strides = array<i32>} : memref<64x256xf32, #tpu.memory_space<vmem>>, vector<1x16xf32>,
        %get3A_899 = vector.shape_cast %get3A_898 : vector<1x16xf32> to vector<16xf32>
        %max3A_900 = arith.maximumf %get3A_893, %get3A_899 : vector<16xf32>
        %max3A_901 = arith.maximumf %max3A_887, %max3A_900 : vector<16xf32>
        %mul3A_902 = arith.mulf %max3A_901, %get3A_36 : vector<16xf32>
        %add3A_903 = arith.addf %add3A_876, %mul3A_902 : vector<16xf32>
        %get3A_904 = arith.index_cast %mul3A_604 : i32 to index
        %get3A_905 = arith.constant 176 : index
        %get3A_906 = tpu.vector_load %arg8[%get3A_904, %get3A_905] {strides = array<i32>} : memref<64x256xf32, #tpu.memory_space<vmem>>, vector<1x16xf32>,
        %get3A_907 = vector.shape_cast %get3A_906 : vector<1x16xf32> to vector<16xf32>
        %add3A_908 = arith.constant 1 : i32
        %add3A_909 = arith.addi %mul3A_604, %add3A_908 : i32
        %get3A_910 = arith.index_cast %add3A_909 : i32 to index
        %get3A_911 = arith.constant 176 : index
        %get3A_912 = tpu.vector_load %arg8[%get3A_910, %get3A_911] {strides = array<i32>} : memref<64x256xf32, #tpu.memory_space<vmem>>, vector<1x16xf32>,
        %get3A_913 = vector.shape_cast %get3A_912 : vector<1x16xf32> to vector<16xf32>
        %max3A_914 = arith.maximumf %get3A_907, %get3A_913 : vector<16xf32>
        %add3A_915 = arith.constant 2 : i32
        %add3A_916 = arith.addi %mul3A_604, %add3A_915 : i32
        %get3A_917 = arith.index_cast %add3A_916 : i32 to index
        %get3A_918 = arith.constant 176 : index
        %get3A_919 = tpu.vector_load %arg8[%get3A_917, %get3A_918] {strides = array<i32>} : memref<64x256xf32, #tpu.memory_space<vmem>>, vector<1x16xf32>,
        %get3A_920 = vector.shape_cast %get3A_919 : vector<1x16xf32> to vector<16xf32>
        %add3A_921 = arith.constant 3 : i32
        %add3A_922 = arith.addi %mul3A_604, %add3A_921 : i32
        %get3A_923 = arith.index_cast %add3A_922 : i32 to index
        %get3A_924 = arith.constant 176 : index
        %get3A_925 = tpu.vector_load %arg8[%get3A_923, %get3A_924] {strides = array<i32>} : memref<64x256xf32, #tpu.memory_space<vmem>>, vector<1x16xf32>,
        %get3A_926 = vector.shape_cast %get3A_925 : vector<1x16xf32> to vector<16xf32>
        %max3A_927 = arith.maximumf %get3A_920, %get3A_926 : vector<16xf32>
        %max3A_928 = arith.maximumf %max3A_914, %max3A_927 : vector<16xf32>
        %mul3A_929 = arith.mulf %max3A_928, %get3A_39 : vector<16xf32>
        %add3A_930 = arith.addf %add3A_903, %mul3A_929 : vector<16xf32>
        %get3A_931 = arith.index_cast %mul3A_604 : i32 to index
        %get3A_932 = arith.constant 192 : index
        %get3A_933 = tpu.vector_load %arg8[%get3A_931, %get3A_932] {strides = array<i32>} : memref<64x256xf32, #tpu.memory_space<vmem>>, vector<1x16xf32>,
        %get3A_934 = vector.shape_cast %get3A_933 : vector<1x16xf32> to vector<16xf32>
        %add3A_935 = arith.constant 1 : i32
        %add3A_936 = arith.addi %mul3A_604, %add3A_935 : i32
        %get3A_937 = arith.index_cast %add3A_936 : i32 to index
        %get3A_938 = arith.constant 192 : index
        %get3A_939 = tpu.vector_load %arg8[%get3A_937, %get3A_938] {strides = array<i32>} : memref<64x256xf32, #tpu.memory_space<vmem>>, vector<1x16xf32>,
        %get3A_940 = vector.shape_cast %get3A_939 : vector<1x16xf32> to vector<16xf32>
        %max3A_941 = arith.maximumf %get3A_934, %get3A_940 : vector<16xf32>
        %add3A_942 = arith.constant 2 : i32
        %add3A_943 = arith.addi %mul3A_604, %add3A_942 : i32
        %get3A_944 = arith.index_cast %add3A_943 : i32 to index
        %get3A_945 = arith.constant 192 : index
        %get3A_946 = tpu.vector_load %arg8[%get3A_944, %get3A_945] {strides = array<i32>} : memref<64x256xf32, #tpu.memory_space<vmem>>, vector<1x16xf32>,
        %get3A_947 = vector.shape_cast %get3A_946 : vector<1x16xf32> to vector<16xf32>
        %add3A_948 = arith.constant 3 : i32
        %add3A_949 = arith.addi %mul3A_604, %add3A_948 : i32
        %get3A_950 = arith.index_cast %add3A_949 : i32 to index
        %get3A_951 = arith.constant 192 : index
        %get3A_952 = tpu.vector_load %arg8[%get3A_950, %get3A_951] {strides = array<i32>} : memref<64x256xf32, #tpu.memory_space<vmem>>, vector<1x16xf32>,
        %get3A_953 = vector.shape_cast %get3A_952 : vector<1x16xf32> to vector<16xf32>
        %max3A_954 = arith.maximumf %get3A_947, %get3A_953 : vector<16xf32>
        %max3A_955 = arith.maximumf %max3A_941, %max3A_954 : vector<16xf32>
        %mul3A_956 = arith.mulf %max3A_955, %get3A_42 : vector<16xf32>
        %add3A_957 = arith.addf %add3A_930, %mul3A_956 : vector<16xf32>
        %get3A_958 = arith.index_cast %mul3A_604 : i32 to index
        %get3A_959 = arith.constant 208 : index
        %get3A_960 = tpu.vector_load %arg8[%get3A_958, %get3A_959] {strides = array<i32>} : memref<64x256xf32, #tpu.memory_space<vmem>>, vector<1x16xf32>,
        %get3A_961 = vector.shape_cast %get3A_960 : vector<1x16xf32> to vector<16xf32>
        %add3A_962 = arith.constant 1 : i32
        %add3A_963 = arith.addi %mul3A_604, %add3A_962 : i32
        %get3A_964 = arith.index_cast %add3A_963 : i32 to index
        %get3A_965 = arith.constant 208 : index
        %get3A_966 = tpu.vector_load %arg8[%get3A_964, %get3A_965] {strides = array<i32>} : memref<64x256xf32, #tpu.memory_space<vmem>>, vector<1x16xf32>,
        %get3A_967 = vector.shape_cast %get3A_966 : vector<1x16xf32> to vector<16xf32>
        %max3A_968 = arith.maximumf %get3A_961, %get3A_967 : vector<16xf32>
        %add3A_969 = arith.constant 2 : i32
        %add3A_970 = arith.addi %mul3A_604, %add3A_969 : i32
        %get3A_971 = arith.index_cast %add3A_970 : i32 to index
        %get3A_972 = arith.constant 208 : index
        %get3A_973 = tpu.vector_load %arg8[%get3A_971, %get3A_972] {strides = array<i32>} : memref<64x256xf32, #tpu.memory_space<vmem>>, vector<1x16xf32>,
        %get3A_974 = vector.shape_cast %get3A_973 : vector<1x16xf32> to vector<16xf32>
        %add3A_975 = arith.constant 3 : i32
        %add3A_976 = arith.addi %mul3A_604, %add3A_975 : i32
        %get3A_977 = arith.index_cast %add3A_976 : i32 to index
        %get3A_978 = arith.constant 208 : index
        %get3A_979 = tpu.vector_load %arg8[%get3A_977, %get3A_978] {strides = array<i32>} : memref<64x256xf32, #tpu.memory_space<vmem>>, vector<1x16xf32>,
        %get3A_980 = vector.shape_cast %get3A_979 : vector<1x16xf32> to vector<16xf32>
        %max3A_981 = arith.maximumf %get3A_974, %get3A_980 : vector<16xf32>
        %max3A_982 = arith.maximumf %max3A_968, %max3A_981 : vector<16xf32>
        %mul3A_983 = arith.mulf %max3A_982, %get3A_45 : vector<16xf32>
        %add3A_984 = arith.addf %add3A_957, %mul3A_983 : vector<16xf32>
        %get3A_985 = arith.index_cast %mul3A_604 : i32 to index
        %get3A_986 = arith.constant 224 : index
        %get3A_987 = tpu.vector_load %arg8[%get3A_985, %get3A_986] {strides = array<i32>} : memref<64x256xf32, #tpu.memory_space<vmem>>, vector<1x16xf32>,
        %get3A_988 = vector.shape_cast %get3A_987 : vector<1x16xf32> to vector<16xf32>
        %add3A_989 = arith.constant 1 : i32
        %add3A_990 = arith.addi %mul3A_604, %add3A_989 : i32
        %get3A_991 = arith.index_cast %add3A_990 : i32 to index
        %get3A_992 = arith.constant 224 : index
        %get3A_993 = tpu.vector_load %arg8[%get3A_991, %get3A_992] {strides = array<i32>} : memref<64x256xf32, #tpu.memory_space<vmem>>, vector<1x16xf32>,
        %get3A_994 = vector.shape_cast %get3A_993 : vector<1x16xf32> to vector<16xf32>
        %max3A_995 = arith.maximumf %get3A_988, %get3A_994 : vector<16xf32>
        %add3A_996 = arith.constant 2 : i32
        %add3A_997 = arith.addi %mul3A_604, %add3A_996 : i32
        %get3A_998 = arith.index_cast %add3A_997 : i32 to index
        %get3A_999 = arith.constant 224 : index
        %get3A_1000 = tpu.vector_load %arg8[%get3A_998, %get3A_999] {strides = array<i32>} : memref<64x256xf32, #tpu.memory_space<vmem>>, vector<1x16xf32>,
        %get3A_1001 = vector.shape_cast %get3A_1000 : vector<1x16xf32> to vector<16xf32>
        %add3A_1002 = arith.constant 3 : i32
        %add3A_1003 = arith.addi %mul3A_604, %add3A_1002 : i32
        %get3A_1004 = arith.index_cast %add3A_1003 : i32 to index
        %get3A_1005 = arith.constant 224 : index
        %get3A_1006 = tpu.vector_load %arg8[%get3A_1004, %get3A_1005] {strides = array<i32>} : memref<64x256xf32, #tpu.memory_space<vmem>>, vector<1x16xf32>,
        %get3A_1007 = vector.shape_cast %get3A_1006 : vector<1x16xf32> to vector<16xf32>
        %max3A_1008 = arith.maximumf %get3A_1001, %get3A_1007 : vector<16xf32>
        %max3A_1009 = arith.maximumf %max3A_995, %max3A_1008 : vector<16xf32>
        %mul3A_1010 = arith.mulf %max3A_1009, %get3A_48 : vector<16xf32>
        %add3A_1011 = arith.addf %add3A_984, %mul3A_1010 : vector<16xf32>
        %get3A_1012 = arith.index_cast %mul3A_604 : i32 to index
        %get3A_1013 = arith.constant 240 : index
        %get3A_1014 = tpu.vector_load %arg8[%get3A_1012, %get3A_1013] {strides = array<i32>} : memref<64x256xf32, #tpu.memory_space<vmem>>, vector<1x16xf32>,
        %get3A_1015 = vector.shape_cast %get3A_1014 : vector<1x16xf32> to vector<16xf32>
        %add3A_1016 = arith.constant 1 : i32
        %add3A_1017 = arith.addi %mul3A_604, %add3A_1016 : i32
        %get3A_1018 = arith.index_cast %add3A_1017 : i32 to index
        %get3A_1019 = arith.constant 240 : index
        %get3A_1020 = tpu.vector_load %arg8[%get3A_1018, %get3A_1019] {strides = array<i32>} : memref<64x256xf32, #tpu.memory_space<vmem>>, vector<1x16xf32>,
        %get3A_1021 = vector.shape_cast %get3A_1020 : vector<1x16xf32> to vector<16xf32>
        %max3A_1022 = arith.maximumf %get3A_1015, %get3A_1021 : vector<16xf32>
        %add3A_1023 = arith.constant 2 : i32
        %add3A_1024 = arith.addi %mul3A_604, %add3A_1023 : i32
        %get3A_1025 = arith.index_cast %add3A_1024 : i32 to index
        %get3A_1026 = arith.constant 240 : index
        %get3A_1027 = tpu.vector_load %arg8[%get3A_1025, %get3A_1026] {strides = array<i32>} : memref<64x256xf32, #tpu.memory_space<vmem>>, vector<1x16xf32>,
        %get3A_1028 = vector.shape_cast %get3A_1027 : vector<1x16xf32> to vector<16xf32>
        %add3A_1029 = arith.constant 3 : i32
        %add3A_1030 = arith.addi %mul3A_604, %add3A_1029 : i32
        %get3A_1031 = arith.index_cast %add3A_1030 : i32 to index
        %get3A_1032 = arith.constant 240 : index
        %get3A_1033 = tpu.vector_load %arg8[%get3A_1031, %get3A_1032] {strides = array<i32>} : memref<64x256xf32, #tpu.memory_space<vmem>>, vector<1x16xf32>,
        %get3A_1034 = vector.shape_cast %get3A_1033 : vector<1x16xf32> to vector<16xf32>
        %max3A_1035 = arith.maximumf %get3A_1028, %get3A_1034 : vector<16xf32>
        %max3A_1036 = arith.maximumf %max3A_1022, %max3A_1035 : vector<16xf32>
        %mul3A_1037 = arith.mulf %max3A_1036, %get3A_51 : vector<16xf32>
        %add3A_1038 = arith.addf %add3A_1011, %mul3A_1037 : vector<16xf32>
        %and3A_1039 = arith.constant 15 : i32
        %and3A_1040 = arith.andi %scan3A_602, %and3A_1039 : i32
        %eq3A_1041 = vector.broadcast %and3A_1040 : i32 to vector<16xi32>
        %eq3A_1042 = arith.cmpi eq, %iota3A, %eq3A_1041 : vector<16xi32>
        %xor3A_1043 = arith.constant 1 : i32
        %xor3A_1044 = vector.broadcast %xor3A_1043 : i32 to vector<16xi32>
        %xor3A_1045 = arith.xori %iota3A, %xor3A_1044 : vector<16xi32>
        %lt3A_1046 = arith.constant 0 : i32
        %lt3A_1047 = vector.broadcast %lt3A_1046 : i32 to vector<16xi32>
        %lt3A_1048 = arith.cmpi slt, %xor3A_1045, %lt3A_1047 : vector<16xi32>
        %add3A_1049 = arith.constant 16 : i32
        %add3A_1050 = vector.broadcast %add3A_1049 : i32 to vector<16xi32>
        %add3A_1051 = arith.addi %xor3A_1045, %add3A_1050 : vector<16xi32>
        %select_n3A_1052 = arith.select %lt3A_1048, %add3A_1051, %xor3A_1045 : vector<16xi1>, vector<16xi32>
        %broadcast_in_dim3A_1053 = vector.shape_cast %select_n3A_1052 : vector<16xi32> to vector<16x1xi32>
        %gather3A_1054 = vector.shape_cast %broadcast_in_dim3A_1053 : vector<16x1xi32> to vector<16xi32>
        %gather3A_1055 = tpu.dynamic_gather %add3A_1038[%gather3A_1054] in [0] : vector<16xf32>, vector<16xi32> -> vector<16xf32>
        %add3A_1056 = arith.addf %add3A_1038, %gather3A_1055 : vector<16xf32>
        %xor3A_1057 = arith.constant 2 : i32
        %xor3A_1058 = vector.broadcast %xor3A_1057 : i32 to vector<16xi32>
        %xor3A_1059 = arith.xori %iota3A, %xor3A_1058 : vector<16xi32>
        %lt3A_1060 = arith.constant 0 : i32
        %lt3A_1061 = vector.broadcast %lt3A_1060 : i32 to vector<16xi32>
        %lt3A_1062 = arith.cmpi slt, %xor3A_1059, %lt3A_1061 : vector<16xi32>
        %add3A_1063 = arith.constant 16 : i32
        %add3A_1064 = vector.broadcast %add3A_1063 : i32 to vector<16xi32>
        %add3A_1065 = arith.addi %xor3A_1059, %add3A_1064 : vector<16xi32>
        %select_n3A_1066 = arith.select %lt3A_1062, %add3A_1065, %xor3A_1059 : vector<16xi1>, vector<16xi32>
        %broadcast_in_dim3A_1067 = vector.shape_cast %select_n3A_1066 : vector<16xi32> to vector<16x1xi32>
        %gather3A_1068 = vector.shape_cast %broadcast_in_dim3A_1067 : vector<16x1xi32> to vector<16xi32>
        %gather3A_1069 = tpu.dynamic_gather %add3A_1056[%gather3A_1068] in [0] : vector<16xf32>, vector<16xi32> -> vector<16xf32>
        %add3A_1070 = arith.addf %add3A_1056, %gather3A_1069 : vector<16xf32>
        %xor3A_1071 = arith.constant 4 : i32
        %xor3A_1072 = vector.broadcast %xor3A_1071 : i32 to vector<16xi32>
        %xor3A_1073 = arith.xori %iota3A, %xor3A_1072 : vector<16xi32>
        %lt3A_1074 = arith.constant 0 : i32
        %lt3A_1075 = vector.broadcast %lt3A_1074 : i32 to vector<16xi32>
        %lt3A_1076 = arith.cmpi slt, %xor3A_1073, %lt3A_1075 : vector<16xi32>
        %add3A_1077 = arith.constant 16 : i32
        %add3A_1078 = vector.broadcast %add3A_1077 : i32 to vector<16xi32>
        %add3A_1079 = arith.addi %xor3A_1073, %add3A_1078 : vector<16xi32>
        %select_n3A_1080 = arith.select %lt3A_1076, %add3A_1079, %xor3A_1073 : vector<16xi1>, vector<16xi32>
        %broadcast_in_dim3A_1081 = vector.shape_cast %select_n3A_1080 : vector<16xi32> to vector<16x1xi32>
        %gather3A_1082 = vector.shape_cast %broadcast_in_dim3A_1081 : vector<16x1xi32> to vector<16xi32>
        %gather3A_1083 = tpu.dynamic_gather %add3A_1070[%gather3A_1082] in [0] : vector<16xf32>, vector<16xi32> -> vector<16xf32>
        %add3A_1084 = arith.addf %add3A_1070, %gather3A_1083 : vector<16xf32>
        %xor3A_1085 = arith.constant 8 : i32
        %xor3A_1086 = vector.broadcast %xor3A_1085 : i32 to vector<16xi32>
        %xor3A_1087 = arith.xori %iota3A, %xor3A_1086 : vector<16xi32>
        %lt3A_1088 = arith.constant 0 : i32
        %lt3A_1089 = vector.broadcast %lt3A_1088 : i32 to vector<16xi32>
        %lt3A_1090 = arith.cmpi slt, %xor3A_1087, %lt3A_1089 : vector<16xi32>
        %add3A_1091 = arith.constant 16 : i32
        %add3A_1092 = vector.broadcast %add3A_1091 : i32 to vector<16xi32>
        %add3A_1093 = arith.addi %xor3A_1087, %add3A_1092 : vector<16xi32>
        %select_n3A_1094 = arith.select %lt3A_1090, %add3A_1093, %xor3A_1087 : vector<16xi1>, vector<16xi32>
        %broadcast_in_dim3A_1095 = vector.shape_cast %select_n3A_1094 : vector<16xi32> to vector<16x1xi32>
        %gather3A_1096 = vector.shape_cast %broadcast_in_dim3A_1095 : vector<16x1xi32> to vector<16xi32>
        %gather3A_1097 = tpu.dynamic_gather %add3A_1084[%gather3A_1096] in [0] : vector<16xf32>, vector<16xi32> -> vector<16xf32>
        %add3A_1098 = arith.addf %add3A_1084, %gather3A_1097 : vector<16xf32>
        %select_n3A_1099 = arith.select %eq3A_1042, %add3A_1098, %select_n3A_595 : vector<16xi1>, vector<16xf32>
        %eq3A_1100 = arith.constant 15 : i32
        %eq3A_1101 = arith.cmpi eq, %and3A_1040, %eq3A_1100 : i32
        %convert_element_type3A_1102 = arith.extui %eq3A_1101 : i1 to i32
        %cond3A_1103 = arith.constant 0 : i32
        %cond3A_1104 = arith.cmpi ne, %convert_element_type3A_1102, %cond3A_1103 : i32
        scf.if %cond3A_1104 {
          %mul3A_1105 = arith.constant 16 : i32
          %mul3A_1106 = arith.muli %add3A_93, %mul3A_1105 : i32
          %add3A_1107 = arith.addi %mul3A_1106, %scan3A_602 : i32
          %sub3A = arith.constant 15 : i32
          %sub3A_1108 = arith.subi %add3A_1107, %sub3A : i32
          %swap3A = arith.index_cast %sub3A_1108 : i32 to index
          %swap3A_1109 = tpu.vector_load %arg9[%swap3A] {strides = array<i32>} : memref<512xf32, #tpu.memory_space<vmem>>, vector<16xf32>,
          %swap3A_1110 = vector.shape_cast %swap3A_1109 : vector<16xf32> to vector<16xf32>
          %swap3A_1111 = vector.shape_cast %select_n3A_1099 : vector<16xf32> to vector<16xf32>
          tpu.vector_store %arg9[%swap3A], %swap3A_1111 {strides = array<i32>} : memref<512xf32, #tpu.memory_space<vmem>>, vector<16xf32>,
        } else {
        }
        scf.yield %select_n3A_1099 : vector<16xf32>
      }
      %scan3A_101 = arith.constant 16 : i32
      %scan3A_102 = arith.constant 0 : i32
      scf.yield %scan3A_102 : i32
    }
    %scan3A_61 = arith.constant 16 : i32
    "tpu.region"() ({
      %run_scoped3A = tpu.sem_alloc : memref<!tpu.dma_semaphore, #tpu.memory_space<semaphore_mem>>
      %dma_start3A_62 = tpu.memref_slice %arg5[%mul3A_2] : memref<16384xf32, #tpu.memory_space<hbm>> -> memref<512xf32, #tpu.memory_space<hbm>>
      %dma_start3A_63 = tpu.memref_slice %arg5[%mul3A_2] : memref<16384xf32, #tpu.memory_space<hbm>> -> memref<512xf32, #tpu.memory_space<hbm>>
      tpu.enqueue_dma source(%arg9 : memref<512xf32, #tpu.memory_space<vmem>>) target(%dma_start3A_63 : memref<512xf32, #tpu.memory_space<hbm>>) target_semaphore(%run_scoped3A : memref<!tpu.dma_semaphore, #tpu.memory_space<semaphore_mem>>)
      %dma_wait3A = tpu.memref_slice %arg5[%mul3A_2] : memref<16384xf32, #tpu.memory_space<hbm>> -> memref<512xf32, #tpu.memory_space<hbm>>
      %dma_wait3A_64 = tpu.memref_slice %arg5[%mul3A_2] : memref<16384xf32, #tpu.memory_space<hbm>> -> memref<512xf32, #tpu.memory_space<hbm>>
      tpu.wait_dma2 semaphore(%run_scoped3A : memref<!tpu.dma_semaphore, #tpu.memory_space<semaphore_mem>>) src(%arg9 : memref<512xf32, #tpu.memory_space<vmem>>) dst(%dma_wait3A_64 : memref<512xf32, #tpu.memory_space<hbm>>)
      tpu.yield
    }) : () -> ()
    return
  }
}

module attributes {stable_mosaic.version = 14 : i64} {
  func.func @_tc_body(%arg0: i32, %arg1: memref<1x2048x256xf32, #tpu.memory_space<vmem>>, %arg2: memref<256x256xf32, #tpu.memory_space<vmem>>, %arg3: memref<1x256xf32, #tpu.memory_space<vmem>>, %arg4: memref<1x1x8192xi32, #tpu.memory_space<vmem>>, %arg5: memref<2048x256xf32, #tpu.memory_space<vmem>>, %arg6: memref<1x1x8192xi32, #tpu.memory_space<vmem>>) attributes {dimension_semantics = [#tpu.dimension_semantics<arbitrary>], iteration_bounds = array<i64: 8>, scalar_prefetch = 0 : i64, scratch_operands = 0 : i64, tpu.core_type = #tpu.core_type<tc>, window_params = [{transform_indices = @transform_0, window_bounds = array<i64: 1, 2048, 256>}, {pipeline_mode = #tpu.pipeline_mode<synchronous>, transform_indices = @transform_1, window_bounds = array<i64: 256, 256>}, {pipeline_mode = #tpu.pipeline_mode<synchronous>, transform_indices = @transform_2, window_bounds = array<i64: 1, 256>}, {transform_indices = @transform_3, window_bounds = array<i64: 1, 1, 8192>}, {transform_indices = @transform_4, window_bounds = array<i64: 2048, 256>}, {transform_indices = @transform_5, window_bounds = array<i64: 1, 1, 8192>}]} {
    %get3A = arith.constant 0 : index
    %get3A_0 = arith.constant 0 : index
    %get3A_1 = arith.constant 0 : index
    %get3A_2 = vector.load %arg1[%get3A, %get3A_0, %get3A_1] : memref<1x2048x256xf32, #tpu.memory_space<vmem>>, vector<1x2048x256xf32>
    %get3A_3 = vector.shape_cast %get3A_2 : vector<1x2048x256xf32> to vector<2048x256xf32>
    %get3A_4 = arith.constant 0 : index
    %get3A_5 = arith.constant 0 : index
    %get3A_6 = vector.load %arg2[%get3A_4, %get3A_5] : memref<256x256xf32, #tpu.memory_space<vmem>>, vector<256x256xf32>
    %dot_general3A = arith.constant dense<0.000000e+00> : vector<2048x256xf32>
    %dot_general3A_7 = tpu.matmul %get3A_3, %get3A_6, %dot_general3A {dimension_numbers = #tpu.dot_dimension_numbers<[1], [1], [0], [0], [0, 0, 1, 0], [], []>, transpose_lhs_hint = false} : vector<2048x256xf32>, vector<256x256xf32>, vector<2048x256xf32> -> vector<2048x256xf32>
    %get3A_8 = arith.constant 0 : index
    %get3A_9 = arith.constant 0 : index
    %get3A_10 = vector.load %arg3[%get3A_8, %get3A_9] : memref<1x256xf32, #tpu.memory_space<vmem>>, vector<1x256xf32>
    %add3A = vector.broadcast %get3A_10 : vector<1x256xf32> to vector<2048x256xf32>
    %add3A_11 = arith.addf %dot_general3A_7, %add3A : vector<2048x256xf32>
    %tanh3A = math.tanh %add3A_11 : vector<2048x256xf32>
    %swap3A = arith.constant 0 : index
    %swap3A_12 = arith.constant 0 : index
    %swap3A_13 = vector.load %arg5[%swap3A, %swap3A_12] : memref<2048x256xf32, #tpu.memory_space<vmem>>, vector<2048x256xf32>
    tpu.vector_store %arg5[%swap3A, %swap3A_12], %tanh3A {strides = array<i32>} : memref<2048x256xf32, #tpu.memory_space<vmem>>, vector<2048x256xf32>,
    %get3A_14 = arith.constant 0 : index
    %get3A_15 = arith.constant 0 : index
    %get3A_16 = arith.constant 0 : index
    %get3A_17 = vector.load %arg4[%get3A_14, %get3A_15, %get3A_16] : memref<1x1x8192xi32, #tpu.memory_space<vmem>>, vector<1x1x8192xi32>
    %get3A_18 = vector.shape_cast %get3A_17 : vector<1x1x8192xi32> to vector<8192xi32>
    %mul3A = arith.constant 2048 : i32
    %mul3A_19 = arith.muli %arg0, %mul3A : i32
    %add3A_20 = vector.broadcast %mul3A_19 : i32 to vector<8192xi32>
    %add3A_21 = arith.addi %get3A_18, %add3A_20 : vector<8192xi32>
    %swap3A_22 = arith.constant 0 : index
    %swap3A_23 = arith.constant 0 : index
    %swap3A_24 = arith.constant 0 : index
    %swap3A_25 = vector.load %arg6[%swap3A_22, %swap3A_23, %swap3A_24] : memref<1x1x8192xi32, #tpu.memory_space<vmem>>, vector<1x1x8192xi32>
    %swap3A_26 = vector.shape_cast %swap3A_25 : vector<1x1x8192xi32> to vector<8192xi32>
    %swap3A_27 = vector.shape_cast %add3A_21 : vector<8192xi32> to vector<1x1x8192xi32>
    tpu.vector_store %arg6[%swap3A_22, %swap3A_23, %swap3A_24], %swap3A_27 {strides = array<i32>} : memref<1x1x8192xi32, #tpu.memory_space<vmem>>, vector<1x1x8192xi32>,
    return
  }
  func.func @transform_0(%arg0: i32) -> (i32, i32, i32) {
    %c0_i32 = arith.constant 0 : i32
    %c0_i32_0 = arith.constant 0 : i32
    %c0_i32_1 = arith.constant 0 : i32
    return %arg0, %c0_i32, %c0_i32_0 : i32, i32, i32
  }
  func.func @transform_1(%arg0: i32) -> (i32, i32) {
    %c0_i32 = arith.constant 0 : i32
    %c0_i32_0 = arith.constant 0 : i32
    %c0_i32_1 = arith.constant 0 : i32
    return %c0_i32, %c0_i32_0 : i32, i32
  }
  func.func @transform_2(%arg0: i32) -> (i32, i32) {
    %c0_i32 = arith.constant 0 : i32
    %c0_i32_0 = arith.constant 0 : i32
    %c0_i32_1 = arith.constant 0 : i32
    return %c0_i32, %c0_i32_0 : i32, i32
  }
  func.func @transform_3(%arg0: i32) -> (i32, i32, i32) {
    %c0_i32 = arith.constant 0 : i32
    %c0_i32_0 = arith.constant 0 : i32
    %c0_i32_1 = arith.constant 0 : i32
    return %arg0, %c0_i32, %c0_i32_0 : i32, i32, i32
  }
  func.func @transform_4(%arg0: i32) -> (i32, i32) {
    %c0_i32 = arith.constant 0 : i32
    %c0_i32_0 = arith.constant 0 : i32
    return %arg0, %c0_i32 : i32, i32
  }
  func.func @transform_5(%arg0: i32) -> (i32, i32, i32) {
    %c0_i32 = arith.constant 0 : i32
    %c0_i32_0 = arith.constant 0 : i32
    %c0_i32_1 = arith.constant 0 : i32
    return %arg0, %c0_i32, %c0_i32_0 : i32, i32, i32
  }
}

</mosaic_0001>

<sc_bundles>
// kernel: kernel.4.cloned.1.call-start
scs
__scs_entry_jumppad:
0x0: {  	(pc) =	sbr.rel $0x88, $3  }
0x1: {  	(tag) =	ssettag $0x0;
	lr =	simm.s32 $0x1  }
0x2: {  	[smem:$0x3F9B] =	sst lr;
	_ =	strace $0xD0000000  }
0x3: {  	_ = 	snop  }
0x4: {  	_ = 	snop  }
0x5: {  	_ = 	snop  }
0x6: {  	_ = 	snop  }
0x7: {  	_ = 	snop  }
__scs_overlays_trampoline_lowered:
0x8: {  	[smem:$0x3FAA] =	sst s0  }
0x9: {  	[smem:$0x3FAB] =	sst s1  }
0xa: {  	[smem:$0x3FAC] =	sst s2  }
0xb: {  	[smem:$0x3FAD] =	sst s3  }
0xc: {  	[smem:$0x3FAE] =	sst s4  }
0xd: {  	[smem:$0x3FAF] =	sst s5  }
0xe: {  	[smem:$0x3FB0] =	sst s6  }
0xf: {  	[smem:$0x3FB1] =	sst s7  }
0x10: {  	[smem:$0x3FB2] =	sst s8  }
0x11: {  	[smem:$0x3FB3] =	sst s9;
	s0 =	simm.s32 @!p0 $0x0  }
0x12: {  	s1 =	sld [smem:$0x3F99];
	s0 =	simm.s32 @p0 $0x1  }
0x13: {  	[smem:$0x3FB4] =	sst s0;
	s0 =	simm.s32 @!p1 $0x0  }
0x14: {  	s2 =	sld [smem:$0x3F98];
	s0 =	simm.s32 @p1 $0x1  }
0x15: {  	[smem:$0x3FB5] =	sst s0;
	s0 =	simm.s32 @!p2 $0x0  }
0x16: {  	s3 =	sld [smem:$0x3FDB];
	s0 =	simm.s32 @p2 $0x1  }
0x17: {  	s4 =	simm.s32 $0x1BF5;
	[smem:$0x3FB7] =	sst s0  }
0x18: {  	s0 =	sld [smem:$0x3F9A];
	_ =	swait.ge [sflag:s4], $0x0  }
0x19: {  	s7 =	sld [smem:$0x3F9B]  }
0x1a: {  	s8 =	sadd.s32 $0xFFFFE003, lr  }
0x1b: {  	s9 =	sadd.s32 $0xFFFFFEF7, lr;
	s5 =	simm.s32 $0xFFFFFFFF;
	p2 =	slt.u32 s8, $0xFFFFF086  }
0x1c: {  	p1 =	slt.u32 s9, $0xF7A;
	s5 =	simm.s32 @!p2 $0x0  }
0x1d: {  	s5 =	simm.s32 @p1 $0x1;
	p0 =	seq.s32 s7, s2  }
0x1e: {  	s7 =	smul.u32 @!p0 $0xF7A, s2;
	p2 =	seq.s32 @!p0 s5, $0x0  }
0x1f: {  	s9 =	smul.u32 $0xF7A, s1;
	s8 =	simm.s32 @!p0 $0x1BF5;
	p2 =	por !p2, p0  }
0x20: {  	[sflag:s8] =	ssyncset.s32 @!p0 $0xFFFFF086;
	s6 =	sadd.s32 @!p0 s3, s7;
	s7 =	simm.s32 @!p0 $0x108  }
0x21: {  	s3 =	sadd.s32 s3, s9;
	s6 =	sadd.s32 @!p0 $0x88, s6;
	s7 =	simm.s32 @p2 $0x1082  }
0x22: {  	[simem:s7], [sflag:s8] =	dma.local @!p0 [hbm:s6], $0xF7A  }
0x23: {  	s9 =	sor.u32 $0xD0000000, s2;
	s6 =	simm.s32 $0x108;
	_ =	swait.ge @!p0 [sflag:s8], $0x0  }
0x24: {  	s3 =	sadd.s32 $0x88, s3;
	s6 =	simm.s32 @!p1 $0x1082;
	[sflag:s4] =	ssyncset.s32 $0xFFFFF086  }
0x25: {  	[simem:s6], [sflag:s4] =	dma.local [hbm:s3], $0xF7A  }
0x26: {  	[smem:$0x3F9B] =	sst s1;
	(tag) =	ssettag s2;
	_ =	strace s9  }
0x27: {  	s1 =	sld [smem:$0x3FAB]  }
0x28: {  	s2 =	sld [smem:$0x3FAC]  }
0x29: {  	s4 =	sld [smem:$0x3FAE]  }
0x2a: {  	p0 =	seq.s32 s5, $0x0;
	s5 =	sld [smem:$0x3FAF]  }
0x2b: {  	s6 =	sld [smem:$0x3FB0]  }
0x2c: {  	s7 =	sld [smem:$0x3FB1]  }
0x2d: {  	s3 =	simm.s32 $0x108;
	s8 =	sld [smem:$0x3FB2]  }
0x2e: {  	s3 =	simm.s32 @!p0 $0x1082;
	s9 =	sld [smem:$0x3FB3]  }
0x2f: {  	lr =	sadd.s32 s0, s3;
	s0 =	sld [smem:$0x3FAA]  }
0x30: {  	s3 =	sld [smem:$0x3FAD]  }
0x31: {  	[smem:$0x3FB6] =	sst s10  }
0x32: {  	s10 =	sld [smem:$0x3FB4];
	_ =	sdelay $0x3  }
0x33: {  	p0 =	seq.s32 s10, $0x1;
	s10 =	sld [smem:$0x3FB6];
	_ =	sdelay $0x3  }
0x34: {  	[smem:$0x3FB6] =	sst s10  }
0x35: {  	s10 =	sld [smem:$0x3FB5];
	_ =	sdelay $0x3  }
0x36: {  	p1 =	seq.s32 s10, $0x1;
	s10 =	sld [smem:$0x3FB6];
	_ =	sdelay $0x3  }
0x37: {  	[smem:$0x3FB6] =	sst s10  }
0x38: {  	s10 =	sld [smem:$0x3FB7]  }
0x39: {  	_ = 	snop;
	(pc) =	sbr.ind lr, $3  }
0x3a: {  	_ = 	snop  }
0x3b: {  	_ = 	snop  }
0x3c: {  	p2 =	seq.s32 s10, $0x1;
	s10 =	sld [smem:$0x3FB6]  }
0x3d: {  	_ =	shalt  }
0x3e: {  	_ =	shalt  }
0x3f: {  	_ =	shalt  }
0x40: {  	_ =	shalt  }
0x41: {  	_ =	shalt  }
0x42: {  	_ =	shalt  }
0x43: {  	_ =	shalt  }
0x44: {  	_ =	shalt  }
0x45: {  	_ =	shalt  }
0x46: {  	_ =	shalt  }
0x47: {  	_ =	shalt  }
0x48: {  	_ =	shalt  }
0x49: {  	_ =	shalt  }
0x4a: {  	_ =	shalt  }
0x4b: {  	_ =	shalt  }
0x4c: {  	_ =	shalt  }
0x4d: {  	_ =	shalt  }
0x4e: {  	_ =	shalt  }
0x4f: {  	_ =	shalt  }
0x50: {  	_ =	shalt  }
0x51: {  	_ =	shalt  }
0x52: {  	_ =	shalt  }
0x53: {  	_ =	shalt  }
0x54: {  	_ =	shalt  }
0x55: {  	_ =	shalt  }
0x56: {  	_ =	shalt  }
0x57: {  	_ =	shalt  }
0x58: {  	_ =	shalt  }
0x59: {  	_ =	shalt  }
0x5a: {  	_ =	shalt  }
0x5b: {  	_ =	shalt  }
0x5c: {  	_ =	shalt  }
0x5d: {  	_ =	shalt  }
0x5e: {  	_ =	shalt  }
0x5f: {  	_ =	shalt  }
0x60: {  	_ =	shalt  }
0x61: {  	_ =	shalt  }
0x62: {  	_ =	shalt  }
0x63: {  	_ =	shalt  }
0x64: {  	_ =	shalt  }
0x65: {  	_ =	shalt  }
0x66: {  	_ =	shalt  }
0x67: {  	_ =	shalt  }
0x68: {  	_ =	shalt  }
0x69: {  	_ =	shalt  }
0x6a: {  	_ =	shalt  }
0x6b: {  	_ =	shalt  }
0x6c: {  	_ =	shalt  }
0x6d: {  	_ =	shalt  }
0x6e: {  	_ =	shalt  }
0x6f: {  	_ =	shalt  }
0x70: {  	_ =	shalt  }
0x71: {  	_ =	shalt  }
0x72: {  	_ =	shalt  }
0x73: {  	_ =	shalt  }
0x74: {  	_ =	shalt  }
0x75: {  	_ =	shalt  }
0x76: {  	_ =	shalt  }
0x77: {  	_ =	shalt  }
0x78: {  	_ =	shalt  }
0x79: {  	_ =	shalt  }
0x7a: {  	_ =	shalt  }
0x7b: {  	_ =	shalt  }
0x7c: {  	_ =	shalt  }
0x7d: {  	_ =	shalt  }
0x7e: {  	_ =	shalt  }
0x7f: {  	_ =	shalt  }
0x80: {  	_ =	shalt  }
0x81: {  	_ =	shalt  }
0x82: {  	_ =	shalt  }
0x83: {  	_ =	shalt  }
0x84: {  	_ =	shalt  }
0x85: {  	_ =	shalt  }
0x86: {  	_ =	shalt  }
0x87: {  	_ =	shalt  }
.Lfunc_end0:
.L_simem_size_0:
called_computation_lowered:
.L_overlay_start_0:
0x88: {  	s2 =	sld [smem:$0x3FD9]  }
0x89: {  	s3 =	sld [smem:$0x3FFE];
	_ =	sdelay $0x1  }
0x8a: {  	s1 =	srdreg.scid  }
0x8b: {  	s0 =	sand.u32 $0x1, s1  }
0x8c: {  	s17 =	sshll.u32 s0, $0xA;
	s2 =	sadd.s32 s3, s2  }
0x8d: {  	s2 =	sadd.s32 s2, s17  }
0x8e: {  	[smem:$0x3FC2] =	sst s2  }
0x8f: {  	_ = 	snop  }
0x90: {  	s2 =	sld [smem:$0x3FC5]  }
0x91: {  	s18 =	sld [smem:$0x3FD0];
	(tm) =	ssettm $0x1  }
0x92: {  	s4 =	sld [smem:$0x3FFB];
	_ =	sdelay $0x3  }
0x93: {  	_ =	strace s4  }
0x94: {  	s4 =	sld [smem:$0x3FFC];
	_ =	sdelay $0x3  }
0x95: {  	_ =	strace s4  }
0x96: {  	s4 =	sld [smem:$0x3FFD];
	_ =	sdelay $0x3  }
0x97: {  	_ =	strace s4  }
0x98: {  	_ =	strace $0x8FFFFFFF  }
0x99: {  	s19 =	sld [smem:$0x3FDB];
	_ =	sdelay $0x1  }
0x9a: {  	s5 =	simm.s32 $_scs_section_size  }
0x9b: {  	s6 =	simm.s32 $_size__tile_overlayer_lowered;
	s7 =	simm.s32 $_tile_overlayer_lowered  }
0x9c: {  	s22 =	simm.s32 $0x1BFF;
	s21 =	sshll.u32 s7, $0x1;
	s4 =	sadd.s32 s5, s19  }
0x9d: {  	s8 =	simm.s32 $0x0;
	s20 =	sshll.u32 s6, $0x1;
	s6 =	sadd.s32 s21, s4  }
0x9e: {  	[timem:s8], [sflag:s22] =	dma.local [hbm:s6], s20  }
0x9f: {  	_ =	swait.ge [sflag:s22], s20  }
0xa0: {  	s5 =	ssub.s32 $0x0, s20;
	[sflag:s22] =	ssyncset.done $0x0  }
0xa1: {  	[sflag:s22] =	ssyncadd.s32 s5;
	_ =	sdelay $0x1  }
0xa2: {  	s23 =	simm.s32 $0x1B8B  }
0xa3: {  	_ =	swait.ge [sflag:s23], $0x1  }
0xa4: {  	[sflag:s23] =	ssyncset.done $0x0  }
0xa5: {  	s25 =	simm.s32 $0x1B8E;
	s24 =	sld [smem:$0x3FFE];
	[sflag:s23] =	ssyncadd.s32 $0xFFFFFFFF  }
0xa6: {  	s26 =	simm.s32 $execute0_lowered;
	[smem:$0x3FD2] =	sst s25  }
0xa7: {  	s6 =	sshll.u32 s26, $0x1;
	_ =	strace $0x80000046;
	[dreg:$0x1] =	wrdreg $0xFFFFFFFF  }
0xa8: {  	s28 =	simm.s32 $_size_execute0_lowered;
	s4 =	sadd.s32 s4, s6;
	[dreg:$0x0] =	wrdreg $0x0  }
0xa9: {  	s6 =	sshll.u32 s28, $0x1;
	[dreg:$0x2] =	wrdreg s4  }
0xaa: {  	[dreg:$0x3] =	wrdreg s6  }
0xab: {  	[dreg:$0x4] =	wrdreg $0xC0  }
0xac: {  	_ =	task [dreg:s8], $0x5FFFF  }
0xad: {  	[dreg:$0x1] =	wrdreg $0xFFFFFFFF  }
0xae: {  	[dreg:$0x0] =	wrdreg $0x60  }
0xaf: {  	[dreg:$0x2] =	wrdreg s24  }
0xb0: {  	[dreg:$0x3] =	wrdreg s2  }
0xb1: {  	[dreg:$0x4] =	wrdreg s18  }
0xb2: {  	[dreg:$0x5] =	wrdreg $0x9  }
0xb3: {  	_ =	task.clear_ibuf [dreg:s8], $0x6FFFF;
	_ =	strace $0x90000046  }
0xb4: {  	s29 =	simm.s32 $0x9;
	_ =	strace $0x80000048  }
0xb5: {  	_ =	swait.ge [sflag:s29], $0x1  }
0xb6: {  	[sflag:s29] =	ssyncadd.s32 $0xFFFFFFFF  }
0xb7: {  	_ =	strace $0x90000048  }
0xb8: {  	_ =	sfence  }
0xb9: {  	s30 =	sld [smem:$0x0];
	_ =	sdelay $0x2  }
0xba: {  	s31 =	sshll.u32 s1, $0xD;
	s1 =	sshrl.u32 s1, $0x2  }
0xbb: {  	s3 =	sand.u32 $0x4000, s31;
	s1 =	sadd.s32 s1, s30  }
0xbc: {  	s0 =	sor.u32 s3, s0;
	s1 =	sshll.u32 s1, $0x11  }
0xbd: {  	s0 =	sor.u32 s1, s0  }
0xbe: {  	s0 =	sadd.s32 $0x8F2B, s0  }
0xbf: {  	[sflag:s0] =	ssyncadd.remote.s32 $0x1  }
0xc0: {  	_ =	sfence.sel $0xFFFF  }
0xc1: {  	[dreg:$0x0] =	wrdreg $0xFFFFFFFF;
	(pc) =	sbr.abs _section_cstart, $3  }
0xc2: {  	[dreg:$0x1] =	wrdreg $0xFFFFFFFF  }
0xc3: {  	_ =	task.clear_ibuf [dreg:s8], $0x2FFFF;
	_ =	strace $0x9FFFFFFF  }
0xc4: {  	(tm) =	ssettm $0x7FFFFFFF  }
0xc5: {  	_ =	shalt  }
tec
execute0_lowered:
.L_overlay_start_1:
0x0: {  	(tag) =	ssettag $0x1  }
0x1: {  	v0 =	vimm.s32 $0xEFCDAB89  }
0x2: {  	s0 =	rddreg [dreg:$0x0];
	v1 =	vimm.s32 $0x67452301;
	v49 =	vimm.s32 $0xDCFE98BA;
	v4 =	vimm.s32 $0x54761032  }
0x3: {  	s1 =	rddreg [dreg:$0x2];
	v50 =	vlaneseq.u32;
	v53 =	vimm.s32 $0xBA98FEDC;
	v54 =	vimm.s32 $0x32107654  }
0x4: {  	s2 =	srdreg.scid;
	s4 =	stileid.u32;
	v7 =	vimm.s32 $0xFEDCBA98;
	v55 =	vimm.s32 $0x76543210;
	v0 =	vunpack.c.l.s4.s8 v0  }
0x5: {  	s3 =	simm.s32 $0x0;
	s9 =	simm.s32 $0x3;
	s12 =	simm.s32 $0x1800;
	v1 =	vunpack.c.l.s4.s8 v1;
	v3 =	vunpack.c.l.s4.s8 v49;
	v4 =	vunpack.c.l.s4.s8 v4  }
0x6: {  	s13 =	simm.s32 $0x2000;
	s14 =	simm.s32 $0x2800;
	s15 =	simm.s32 $0x3000;
	v5 =	vshrl.u32 v50, $0x3;
	v7 =	vunpack.c.l.s4.s8 v7;
	v9 =	vunpack.c.l.s4.s8 v55  }
0x7: {  	s16 =	simm.s32 $0x3800;
	s17 =	simm.s32 $0x4000;
	s18 =	simm.s32 $0x4800;
	v56 =	vand.u32 $0x7, v50;
	v57 =	vmul.u32 $0x8, v5;
	v2 =	vunpack.c.0.s8.s32 v0  }
0x8: {  	s19 =	simm.s32 $0x5000;
	s20 =	simm.s32 $0x5800;
	s21 =	simm.s32 $0x6000;
	v1 =	vunpack.c.0.s8.s32 v1;
	v51 =	vunpack.c.0.s8.s32 v3;
	v52 =	vunpack.c.0.s8.s32 v4  }
0x9: {  	s22 =	simm.s32 $0x6800;
	s23 =	simm.s32 $0x7000;
	[smem:$0x7FF] =	sst s3;
	v3 =	vunpack.c.l.s4.s8 v53;
	v4 =	vunpack.c.l.s4.s8 v54;
	v58 =	vunpack.c.0.s8.s32 v7  }
0xa: {  	s24 =	simm.s32 $0x7800;
	s25 =	simm.s32 $0x8000;
	_ =	strace $0x80000047;
	[tilespmem:$0x1FF90] =	vst v56;
	v9 =	vunpack.c.0.s8.s32 v9;
	v0 =	vor.u32 $0x8, v50;
	v6 =	vcombine.low v1, v2  }
0xb: {  	s28 =	simm.s32 $0x2;
	s29 =	simm.s32 $0x8800;
	s30 =	simm.s32 $0x0;
	[tilespmem:$0x1FFA0] =	vst v57;
	v8 =	vcombine.low v52, v51;
	v3 =	vunpack.c.0.s8.s32 v3;
	v4 =	vunpack.c.0.s8.s32 v4  }
.Ltmp0:
0xc: {  	s2 =	sand.u32 $0x1, s2;
	s4 =	sshll.u32 s4, $0x1;
	[tilespmem:$0x1FFB0] =	vst v0;
	v10 =	vand.u32 $0xF, v58;
	v60 =	vand.u32 $0xF, v6;
	(pc) =	sbr.rel .LBB2_1-.Ltmp0, $4  }
0xd: {  	s6 =	sor.u32 s2, s4;
	s2 =	ssub.s32 $0x2, s2;
	s4 =	sadd.s32 $0xE00, s0;
	v63 =	vcombine.low v10, v9;
	v59 =	vcombine.low v4, v3;
	v61 =	vand.u32 $0xF, v8;
	[tilespmem:$0x1FFC0] =	vst v60  }
0xe: {  	s5 =	sshll.u32 s6, $0x8;
	s26 =	sshrl.u32 s2, $0x1;
	s31 =	sshll.u32 s6, $0x6;
	[tilespmem:$0x1FFD0] =	vst v61  }
0xf: {  	s0 =	sadd.s32 s5, s0;
	s2 =	ssub.s32 s2, s26;
	s6 =	sadd.s32 s1, s31;
	[tilespmem:$0x1FFF0] =	vst v63;
	v62 =	vand.u32 $0xF, v59  }
0x10: {  	vm0 =	vmmov $0xffff;
	s26 =	simm.s32 $0x1;
	s5 =	sadd.s32 $0x80E00, s0;
	s7 =	smax.u32 s2, $0x1;
	[tilespmem:$0x1FFE0] =	vst v62  }
.LBB2_11:
0x11: {  	s30 =	sadd.s32 $0x1, s30  }
0x12: {  	p0 =	sne.s32 s30, s7  }
.Ltmp1:
0x13: {  	_ = 	snop;
	(pc) =	sbr.rel @!p0 .LBB2_12-.Ltmp1, $4  }
0x14: {  	[hbm4b:s6+s3] =	stream.linear.scatter [tilespmem:s29], [sflag:$0x3], $0x200, $0x38;
	[tilespmem:$0x8B00] =	vst v63  }
0x15: {  	_ =	swait.ge [sflag:s9], $0x200  }
0x16: {  	[sflag:s9] =	ssyncset.done $0x0  }
0x17: {  	[sflag:s9] =	ssyncadd.s32 $0xFFFFFE00  }
.LBB2_1:
0x18: {  	s0 =	rddreg [dreg:$0x1];
	s1 =	simm.s32 $0x8A00  }
0x19: {  	[tilespmem:s1], [sflag:$0x3] =	stream.linear.gather [hbm4b:s0+s3], $0x100, $0x38;
	[tilespmem:$0x8B00] =	vst v63  }
0x1a: {  	_ =	swait.ge [sflag:s9], $0x100  }
0x1b: {  	[sflag:s9] =	ssyncset.done $0x0  }
0x1c: {  	[sflag:s9] =	ssyncadd.s32 $0xFFFFFF00  }
0x1d: {  	[tilespmem:s3], [sflag:$0x3] =	stream.linear.gather [hbm4b:s5+s3], $0x800, $0x38;
	[tilespmem:$0x8B00] =	vst v63  }
0x1e: {  	_ =	swait.ge [sflag:s9], $0x800  }
0x1f: {  	v55 =	vld [tilespmem:$0x1FF90]  }
0x20: {  	[sflag:s9] =	ssyncset.done $0x0;
	v57 =	vld [tilespmem:$0x1FFA0]  }
0x21: {  	v2 =	vld [tilespmem:$0x1FFB0];
	[sflag:s9] =	ssyncadd.s32 $0xFFFFF800  }
0x22: {  	v0 =	vld [tilespmem:$0x8A00]  }
0x23: {  	v16 =	vld [tilespmem:$0x0]  }
0x24: {  	v46 =	vld [tilespmem:$0x8A10]  }
0x25: {  	v47 =	vld [tilespmem:$0x8A20]  }
0x26: {  	v48 =	vld [tilespmem:$0x8A30]  }
0x27: {  	v49 =	vld [tilespmem:$0x8A40]  }
0x28: {  	v50 =	vld [tilespmem:$0x8A50];
	v17 =	vshll.u32 v16, $0x1  }
0x29: {  	v51 =	vld [tilespmem:$0x8A60];
	v18 =	vand.u32 $0x7, v16;
	v17 =	vand.u32 $0xFFFFFFF0, v17  }
0x2a: {  	v52 =	vld [tilespmem:$0x8A70];
	v20 =	vor.u32 v18, v17  }
0x2b: {  	v53 =	vld [tilespmem:$0x8A80];
	v21 =	vperm.xlane v20, v55  }
0x2c: {  	v54 =	vld [tilespmem:$0x8A90]  }
0x2d: {  	v1 =	vld [tilespmem:$0x8AA0];
	v22 =	vperm.xlane v20, v2;
	v24 =	vadd.s32 v57, v21  }
0x2e: {  	v56 =	vld [tilespmem:$0x8AB0]  }
0x2f: {  	v3 =	vld [tilespmem:$0x8AC0];
	v25 =	vadd.s32 v57, v22  }
0x30: {  	v58 =	vld [tilespmem:$0x8AD0]  }
0x31: {  	s11 =	simm.s32 $0x800;
	v59 =	vld [tilespmem:$0x8AE0]  }
0x32: {  	v60 =	vld [tilespmem:$0x8AF0];
	[tilespmem:s11], [sflag:$0x1] =	stream.indirect_vreg.gather [hbm4b:s4+s3], $0x80, v24, vm0, $0xb8  }
0x33: {  	s31 =	simm.s32 $0x1000  }
0x34: {  	[tilespmem:s31], [sflag:$0x1] =	stream.indirect_vreg.gather [hbm4b:s4+s3], $0x80, v25, vm0, $0xb8;
	[tilespmem:$0x8B00] =	vst v63  }
0x35: {  	v24 =	vld [tilespmem:$0x10];
	_ =	sdelay $0x4  }
0x36: {  	v61 =	vshll.u32 v24, $0x1  }
0x37: {  	v24 =	vand.u32 $0x7, v24;
	v25 =	vand.u32 $0xFFFFFFF0, v61  }
0x38: {  	v24 =	vor.u32 v24, v25  }
0x39: {  	v25 =	vperm.xlane v24, v55;
	_ =	sdelay $0x1  }
0x3a: {  	v24 =	vperm.xlane v24, v2;
	v25 =	vadd.s32 v57, v25;
	_ =	sdelay $0x1  }
0x3b: {  	v24 =	vadd.s32 v57, v24;
	_ =	sdelay $0x2  }
0x3c: {  	[tilespmem:s12], [sflag:$0x1] =	stream.indirect_vreg.gather [hbm4b:s4+s3], $0x80, v25, vm0, $0xb8;
	[tilespmem:$0x8B00] =	vst v63  }
0x3d: {  	_ = 	snop  }
0x3e: {  	[tilespmem:s13], [sflag:$0x1] =	stream.indirect_vreg.gather [hbm4b:s4+s3], $0x80, v24, vm0, $0xb8;
	[tilespmem:$0x8B00] =	vst v63  }
0x3f: {  	v24 =	vld [tilespmem:$0x20];
	_ =	sdelay $0x4  }
0x40: {  	v62 =	vshll.u32 v24, $0x1  }
0x41: {  	v24 =	vand.u32 $0x7, v24;
	v25 =	vand.u32 $0xFFFFFFF0, v62  }
0x42: {  	v24 =	vor.u32 v24, v25  }
0x43: {  	v25 =	vperm.xlane v24, v55;
	_ =	sdelay $0x1  }
0x44: {  	v24 =	vperm.xlane v24, v2;
	v25 =	vadd.s32 v57, v25;
	_ =	sdelay $0x1  }
0x45: {  	v24 =	vadd.s32 v57, v24;
	_ =	sdelay $0x2  }
0x46: {  	[tilespmem:s14], [sflag:$0x1] =	stream.indirect_vreg.gather [hbm4b:s4+s3], $0x80, v25, vm0, $0xb8;
	[tilespmem:$0x8B00] =	vst v63  }
0x47: {  	_ = 	snop  }
0x48: {  	[tilespmem:s15], [sflag:$0x1] =	stream.indirect_vreg.gather [hbm4b:s4+s3], $0x80, v24, vm0, $0xb8;
	[tilespmem:$0x8B00] =	vst v63  }
0x49: {  	[tilespmem:$0x1FE90] =	vst v0;
	v24 =	vld [tilespmem:$0x30]  }
0x4a: {  	[tilespmem:$0x1FEA0] =	vst v46  }
0x4b: {  	[tilespmem:$0x1FEB0] =	vst v47  }
0x4c: {  	[tilespmem:$0x1FEC0] =	vst v48  }
0x4d: {  	[tilespmem:$0x1FED0] =	vst v49  }
0x4e: {  	[tilespmem:$0x1FEE0] =	vst v50;
	v63 =	vshll.u32 v24, $0x1  }
0x4f: {  	[tilespmem:$0x1FEF0] =	vst v51;
	v24 =	vand.u32 $0x7, v24;
	v25 =	vand.u32 $0xFFFFFFF0, v63  }
0x50: {  	[tilespmem:$0x1FF00] =	vst v52;
	v24 =	vor.u32 v24, v25  }
0x51: {  	[tilespmem:$0x1FF10] =	vst v53;
	v25 =	vperm.xlane v24, v55  }
0x52: {  	[tilespmem:$0x1FF20] =	vst v54  }
0x53: {  	[tilespmem:$0x1FF30] =	vst v1;
	v24 =	vperm.xlane v24, v2;
	v25 =	vadd.s32 v57, v25  }
0x54: {  	[tilespmem:$0x1FF40] =	vst v56  }
0x55: {  	[tilespmem:$0x1FF50] =	vst v3;
	v24 =	vadd.s32 v57, v24  }
.Ltmp2:
0x56: {  	[tilespmem:$0x1FF60] =	vst v58;
	(pc) =	sbr.rel .LBB2_2-.Ltmp2, $4  }
0x57: {  	[tilespmem:$0x1FF70] =	vst v59  }
0x58: {  	[tilespmem:s16], [sflag:$0x1] =	stream.indirect_vreg.gather [hbm4b:s4+s3], $0x80, v25, vm0, $0xb8;
	[tilespmem:$0x8B00] =	vst v63  }
0x59: {  	s8 =	simm.s32 $0x87F2;
	s2 =	simm.s32 $0x0;
	s0 =	simm.s32 $0x8802;
	[tilespmem:$0x1FF80] =	vst v60  }
0x5a: {  	[tilespmem:s17], [sflag:$0x1] =	stream.indirect_vreg.gather [hbm4b:s4+s3], $0x80, v24, vm0, $0xb8;
	[tilespmem:$0x8B00] =	vst v63  }
.LBB2_8:
0x5b: {  	[tilespmem:s31+$0x0] =	vst v41  }
.LBB2_10:
0x5c: {  	s2 =	sadd.s32 $0x1, s2  }
0x5d: {  	p0 =	sne.s32 s2, $0x10  }
.Ltmp3:
0x5e: {  	_ = 	snop;
	(pc) =	sbr.rel @!p0 .LBB2_11-.Ltmp3, $2  }
0x5f: {  	_ =	sdelay $0x2  }
0x60: {  	s8 =	sadd.s32 $0x20, s8;
	s0 =	sadd.s32 $0x20, s0  }
.LBB2_2:
0x61: {  	s1 =	sshll.u32 s2, $0x7  }
0x62: {  	s1 =	sor.u32 $0x40, s1  }
0x63: {  	s10 =	sand.u32 $0x3FFFFFC0, s1  }
0x64: {  	v24 =	vld [tilespmem:s10+$0x0];
	_ =	sdelay $0x2  }
0x65: {  	v0 =	vld [tilespmem:$0x1FF90]  }
0x66: {  	v1 =	vld [tilespmem:$0x1FFA0]  }
0x67: {  	v2 =	vld [tilespmem:$0x1FFB0];
	v25 =	vshll.u32 v24, $0x1  }
0x68: {  	v24 =	vand.u32 $0x7, v24;
	v25 =	vand.u32 $0xFFFFFFF0, v25  }
0x69: {  	v24 =	vor.u32 v24, v25  }
0x6a: {  	v25 =	vperm.xlane v24, v0;
	_ =	sdelay $0x1  }
0x6b: {  	v24 =	vperm.xlane v24, v2;
	v25 =	vadd.s32 v1, v25;
	_ =	sdelay $0x1  }
0x6c: {  	v24 =	vadd.s32 v1, v24;
	_ =	sdelay $0x1  }
0x6d: {  	s1 =	simm.s32 $0x0  }
0x6e: {  	[tilespmem:s18], [sflag:$0x2] =	stream.indirect_vreg.gather [hbm4b:s4+s1], $0x80, v25, vm0, $0xb8;
	[tilespmem:$0x8B00] =	vst v63  }
0x6f: {  	_ = 	snop  }
0x70: {  	[tilespmem:s19], [sflag:$0x2] =	stream.indirect_vreg.gather [hbm4b:s4+s1], $0x80, v24, vm0, $0xb8;
	[tilespmem:$0x8B00] =	vst v63  }
0x71: {  	v24 =	vld [tilespmem:s10+$0x10];
	_ =	sdelay $0x4  }
0x72: {  	v61 =	vshll.u32 v24, $0x1  }
0x73: {  	v24 =	vand.u32 $0x7, v24;
	v25 =	vand.u32 $0xFFFFFFF0, v61  }
0x74: {  	v24 =	vor.u32 v24, v25  }
0x75: {  	v25 =	vperm.xlane v24, v0;
	_ =	sdelay $0x1  }
0x76: {  	v24 =	vperm.xlane v24, v2;
	v25 =	vadd.s32 v1, v25;
	_ =	sdelay $0x1  }
0x77: {  	v24 =	vadd.s32 v1, v24;
	_ =	sdelay $0x2  }
0x78: {  	[tilespmem:s20], [sflag:$0x2] =	stream.indirect_vreg.gather [hbm4b:s4+s1], $0x80, v25, vm0, $0xb8;
	[tilespmem:$0x8B00] =	vst v63  }
0x79: {  	_ = 	snop  }
0x7a: {  	[tilespmem:s21], [sflag:$0x2] =	stream.indirect_vreg.gather [hbm4b:s4+s1], $0x80, v24, vm0, $0xb8;
	[tilespmem:$0x8B00] =	vst v63  }
0x7b: {  	v24 =	vld [tilespmem:s10+$0x20];
	_ =	sdelay $0x4  }
0x7c: {  	v62 =	vshll.u32 v24, $0x1  }
0x7d: {  	v24 =	vand.u32 $0x7, v24;
	v25 =	vand.u32 $0xFFFFFFF0, v62  }
0x7e: {  	v24 =	vor.u32 v24, v25  }
0x7f: {  	v25 =	vperm.xlane v24, v0;
	_ =	sdelay $0x1  }
0x80: {  	v24 =	vperm.xlane v24, v2;
	v25 =	vadd.s32 v1, v25;
	_ =	sdelay $0x1  }
0x81: {  	v24 =	vadd.s32 v1, v24;
	_ =	sdelay $0x2  }
0x82: {  	[tilespmem:s22], [sflag:$0x2] =	stream.indirect_vreg.gather [hbm4b:s4+s1], $0x80, v25, vm0, $0xb8;
	[tilespmem:$0x8B00] =	vst v63  }
0x83: {  	_ = 	snop  }
0x84: {  	[tilespmem:s23], [sflag:$0x2] =	stream.indirect_vreg.gather [hbm4b:s4+s1], $0x80, v24, vm0, $0xb8;
	[tilespmem:$0x8B00] =	vst v63  }
0x85: {  	v24 =	vld [tilespmem:s10+$0x30];
	_ =	sdelay $0x4  }
0x86: {  	v63 =	vshll.u32 v24, $0x1  }
0x87: {  	v24 =	vand.u32 $0x7, v24;
	v25 =	vand.u32 $0xFFFFFFF0, v63  }
0x88: {  	v24 =	vor.u32 v24, v25  }
0x89: {  	v25 =	vperm.xlane v24, v0;
	_ =	sdelay $0x1  }
0x8a: {  	v24 =	vperm.xlane v24, v2;
	v25 =	vadd.s32 v1, v25;
	_ =	sdelay $0x1  }
0x8b: {  	v24 =	vadd.s32 v1, v24;
	_ =	sdelay $0x2  }
0x8c: {  	[tilespmem:s24], [sflag:$0x2] =	stream.indirect_vreg.gather [hbm4b:s4+s1], $0x80, v25, vm0, $0xb8;
	[tilespmem:$0x8B00] =	vst v63  }
0x8d: {  	_ = 	snop  }
0x8e: {  	[tilespmem:s25], [sflag:$0x2] =	stream.indirect_vreg.gather [hbm4b:s4+s1], $0x80, v24, vm0, $0xb8;
	[tilespmem:$0x8B00] =	vst v63  }
0x8f: {  	_ =	swait.ge [sflag:s26], $0x4000  }
0x90: {  	[sflag:s26] =	ssyncset.done $0x0  }
0x91: {  	v39 =	vimm.f32 $0.0e+00;
	s31 =	smov.u32 s8;
	s10 =	simm.s32 $0xC00;
	[sflag:s26] =	ssyncadd.s32 $0xFFFFC000  }
.LBB2_3:
0x92: {  	v48 =	vld [tilespmem:s10+$0xFFFFFC00]  }
0x93: {  	v49 =	vld [tilespmem:s10+$0xFFFFFC80]  }
0x94: {  	v50 =	vld [tilespmem:s10+$0xFFFFFD00]  }
0x95: {  	v51 =	vld [tilespmem:s10+$0xFFFFFD80]  }
0x96: {  	v52 =	vld [tilespmem:s10+$0xFFFFFC10]  }
0x97: {  	v53 =	vld [tilespmem:s10+$0xFFFFFC90]  }
0x98: {  	v54 =	vld [tilespmem:s10+$0xFFFFFD10]  }
0x99: {  	v55 =	vld [tilespmem:s10+$0xFFFFFD90]  }
0x9a: {  	v56 =	vld [tilespmem:s10+$0xFFFFFC20]  }
0x9b: {  	v57 =	vld [tilespmem:s10+$0xFFFFFCA0]  }
0x9c: {  	v58 =	vld [tilespmem:s10+$0xFFFFFD20]  }
0x9d: {  	v59 =	vld [tilespmem:s10+$0xFFFFFDA0]  }
0x9e: {  	v60 =	vld [tilespmem:s10+$0xFFFFFC30]  }
0x9f: {  	v61 =	vld [tilespmem:s10+$0xFFFFFCB0]  }
0xa0: {  	v62 =	vld [tilespmem:s10+$0xFFFFFD30]  }
0xa1: {  	v63 =	vld [tilespmem:s10+$0xFFFFFDB0]  }
0xa2: {  	v1 =	vld [tilespmem:s10+$0xFFFFFC40]  }
0xa3: {  	v3 =	vld [tilespmem:s10+$0xFFFFFCC0]  }
0xa4: {  	v2 =	vld [tilespmem:s10+$0xFFFFFD40]  }
0xa5: {  	v0 =	vld [tilespmem:s10+$0xFFFFFDC0]  }
0xa6: {  	v4 =	vld [tilespmem:s10+$0xFFFFFC50]  }
0xa7: {  	v5 =	vld [tilespmem:s10+$0xFFFFFCD0]  }
0xa8: {  	v6 =	vld [tilespmem:s10+$0xFFFFFD50]  }
0xa9: {  	v7 =	vld [tilespmem:s10+$0xFFFFFDD0]  }
0xaa: {  	v8 =	vld [tilespmem:s10+$0xFFFFFC60]  }
0xab: {  	v9 =	vld [tilespmem:s10+$0xFFFFFCE0]  }
0xac: {  	v10 =	vld [tilespmem:s10+$0xFFFFFD60]  }
0xad: {  	v11 =	vld [tilespmem:s10+$0xFFFFFDE0]  }
0xae: {  	v12 =	vld [tilespmem:s10+$0xFFFFFC70]  }
0xaf: {  	v13 =	vld [tilespmem:s10+$0xFFFFFCF0]  }
0xb0: {  	v14 =	vld [tilespmem:s10+$0xFFFFFD70]  }
0xb1: {  	v15 =	vld [tilespmem:s10+$0xFFFFFDF0]  }
0xb2: {  	v16 =	vld [tilespmem:s10+$0x0]  }
0xb3: {  	v17 =	vld [tilespmem:s10+$0x80]  }
0xb4: {  	v18 =	vld [tilespmem:s10+$0x100]  }
0xb5: {  	v19 =	vld [tilespmem:s10+$0x180]  }
0xb6: {  	v20 =	vld [tilespmem:s10+$0x10]  }
0xb7: {  	v21 =	vld [tilespmem:s10+$0x90]  }
0xb8: {  	v22 =	vld [tilespmem:s10+$0x110]  }
0xb9: {  	v23 =	vld [tilespmem:s10+$0x190]  }
0xba: {  	v46 =	vld [tilespmem:s10+$0x20]  }
0xbb: {  	v24 =	vld [tilespmem:s10+$0xA0]  }
0xbc: {  	v45 =	vld [tilespmem:s10+$0x120]  }
0xbd: {  	v47 =	vld [tilespmem:s10+$0x1A0]  }
0xbe: {  	v42 =	vld [tilespmem:s10+$0x30]  }
0xbf: {  	v44 =	vld [tilespmem:s10+$0xB0]  }
0xc0: {  	v41 =	vld [tilespmem:s10+$0x130]  }
0xc1: {  	v43 =	vld [tilespmem:s10+$0x1B0]  }
0xc2: {  	v25 =	vld [tilespmem:s10+$0x40]  }
0xc3: {  	v40 =	vld [tilespmem:s10+$0xC0]  }
0xc4: {  	v35 =	vld [tilespmem:s10+$0x140]  }
0xc5: {  	v36 =	vld [tilespmem:s10+$0x1C0]  }
0xc6: {  	v37 =	vld [tilespmem:s10+$0x50]  }
0xc7: {  	v38 =	vld [tilespmem:s10+$0xD0]  }
0xc8: {  	v28 =	vld [tilespmem:s10+$0x150]  }
0xc9: {  	v29 =	vld [tilespmem:s10+$0x1D0]  }
0xca: {  	v30 =	vld [tilespmem:s10+$0x60]  }
0xcb: {  	v31 =	vld [tilespmem:s10+$0xE0]  }
0xcc: {  	v32 =	vld [tilespmem:s10+$0x160]  }
0xcd: {  	v33 =	vld [tilespmem:s10+$0x1E0]  }
0xce: {  	v34 =	vld [tilespmem:s10+$0x70]  }
0xcf: {  	v26 =	vld [tilespmem:s10+$0xFFFFFE80]  }
0xd0: {  	v27 =	vld [tilespmem:s10+$0xFFFFFF00]  }
0xd1: {  	[tilespmem:$0x1FDB0] =	vst v35;
	v35 =	vld [tilespmem:s10+$0xF0]  }
0xd2: {  	[tilespmem:$0x1FDC0] =	vst v36;
	v36 =	vld [tilespmem:s10+$0x170]  }
0xd3: {  	[tilespmem:$0x1FDD0] =	vst v37;
	v37 =	vld [tilespmem:s10+$0x1F0]  }
0xd4: {  	[tilespmem:$0x1FDA0] =	vst v25;
	v25 =	vld [tilespmem:s10+$0xFFFFFE00]  }
0xd5: {  	[tilespmem:$0x1FDF0] =	vst v28;
	v28 =	vld [tilespmem:s10+$0xFFFFFF80]  }
0xd6: {  	[tilespmem:$0x1FE00] =	vst v29;
	v29 =	vld [tilespmem:s10+$0xFFFFFE10]  }
0xd7: {  	[tilespmem:$0x1FE10] =	vst v30;
	v30 =	vld [tilespmem:s10+$0xFFFFFE90]  }
0xd8: {  	[tilespmem:$0x1FE20] =	vst v31;
	v31 =	vld [tilespmem:s10+$0xFFFFFF10]  }
0xd9: {  	[tilespmem:$0x1FE30] =	vst v32;
	v32 =	vld [tilespmem:s10+$0xFFFFFF90]  }
0xda: {  	[tilespmem:$0x1FE40] =	vst v33;
	v33 =	vld [tilespmem:s10+$0xFFFFFE20]  }
0xdb: {  	[tilespmem:$0x1FE50] =	vst v34;
	v34 =	vld [tilespmem:s10+$0xFFFFFEA0]  }
0xdc: {  	[tilespmem:$0x1FDE0] =	vst v38;
	v38 =	vmax.f32 v50, v51;
	v50 =	vld [tilespmem:s10+$0xFFFFFFA0]  }
0xdd: {  	v48 =	vmax.f32 v48, v49;
	v49 =	vld [tilespmem:s10+$0xFFFFFE30]  }
0xde: {  	v51 =	vmax.f32 v52, v53;
	v53 =	vld [tilespmem:s10+$0xFFFFFEB0]  }
0xdf: {  	v52 =	vmax.f32 v54, v55;
	v54 =	vld [tilespmem:s10+$0xFFFFFF30]  }
0xe0: {  	v55 =	vmax.f32 v58, v59;
	v59 =	vld [tilespmem:s10+$0xFFFFFF40]  }
0xe1: {  	v58 =	vld [tilespmem:$0x1FEC0]  }
0xe2: {  	v1 =	vmax.f32 v1, v3;
	v3 =	vld [tilespmem:s10+$0xFFFFFE50]  }
0xe3: {  	v63 =	vmax.f32 v62, v63;
	v62 =	vmax.f32 v6, v7;
	v6 =	vld [tilespmem:s10+$0xFFFFFFD0]  }
0xe4: {  	v4 =	vmax.f32 v4, v5;
	v5 =	vmax.f32 v8, v9;
	v8 =	vld [tilespmem:s10+$0xFFFFFEE0]  }
0xe5: {  	v7 =	vmax.f32 v10, v11;
	v11 =	vld [tilespmem:s10+$0xFFFFFE70]  }
0xe6: {  	v9 =	vld [tilespmem:s10+$0xFFFFFEF0]  }
0xe7: {  	v13 =	vmax.f32 v12, v13;
	v12 =	vld [tilespmem:s10+$0x200]  }
0xe8: {  	v51 =	vmax.f32 v51, v52;
	v52 =	vmax.f32 v56, v57;
	v56 =	vld [tilespmem:s10+$0xFFFFFFB0]  }
0xe9: {  	v48 =	vmax.f32 v48, v38;
	v38 =	vld [tilespmem:$0x1FEB0]  }
0xea: {  	v0 =	vmax.f32 v2, v0;
	v57 =	vld [tilespmem:s10+$0xFFFFFFC0]  }
0xeb: {  	v0 =	vmax.f32 v1, v0;
	v1 =	vld [tilespmem:s10+$0xFFFFFED0]  }
0xec: {  	v14 =	vmax.f32 v14, v15;
	v5 =	vmax.f32 v5, v7;
	v7 =	vld [tilespmem:s10+$0xFFFFFF60]  }
0xed: {  	v16 =	vmax.f32 v16, v17;
	v17 =	vmax.f32 v18, v19;
	v15 =	vmax.f32 v13, v14;
	v13 =	vld [tilespmem:s10+$0xFFFFFF70]  }
0xee: {  	v10 =	vmax.f32 v16, v17;
	v17 =	vld [tilespmem:s10+$0x280]  }
0xef: {  	v16 =	vld [tilespmem:s10+$0x300]  }
0xf0: {  	v52 =	vmax.f32 v52, v55;
	v55 =	vld [tilespmem:s10+$0xFFFFFE40]  }
0xf1: {  	[tilespmem:$0x1FE60] =	vst v35;
	v35 =	vld [tilespmem:s10+$0xFFFFFF20]  }
0xf2: {  	v61 =	vmax.f32 v60, v61;
	[tilespmem:$0x1FE70] =	vst v36;
	v36 =	vld [tilespmem:$0x1FE90]  }
0xf3: {  	v60 =	vmax.f32 v61, v63;
	[tilespmem:$0x1FE80] =	vst v37;
	v37 =	vld [tilespmem:$0x1FEA0]  }
0xf4: {  	v61 =	vmul.f32 v60, v58;
	v60 =	vld [tilespmem:$0x1FEE0]  }
0xf5: {  	v19 =	vmax.f32 v27, v28;
	v27 =	vld [tilespmem:$0x1FF10]  }
0xf6: {  	v29 =	vmax.f32 v29, v30;
	v30 =	vmax.f32 v31, v32;
	v31 =	vmax.f32 v20, v21;
	v21 =	vld [tilespmem:s10+$0x210]  }
0xf7: {  	v32 =	vmax.f32 v22, v23;
	v23 =	vld [tilespmem:s10+$0x310]  }
0xf8: {  	v22 =	vld [tilespmem:s10+$0x390]  }
0xf9: {  	v18 =	vmax.f32 v25, v26;
	v34 =	vmax.f32 v33, v34;
	v33 =	vmax.f32 v41, v43;
	v43 =	vld [tilespmem:s10+$0x240]  }
0xfa: {  	v28 =	vmax.f32 v18, v19;
	v19 =	vld [tilespmem:s10+$0x380]  }
0xfb: {  	v18 =	vld [tilespmem:s10+$0x290]  }
0xfc: {  	v14 =	vmax.f32 v29, v30;
	v29 =	vld [tilespmem:$0x1FF30]  }
0xfd: {  	v30 =	vld [tilespmem:s10+$0x3A0]  }
0xfe: {  	v26 =	vmul.f32 v10, v27;
	v10 =	vmul.f32 v28, v36;
	v28 =	vld [tilespmem:$0x1FF20]  }
0xff: {  	v51 =	vmul.f32 v51, v37;
	v35 =	vmax.f32 v35, v50;
	v50 =	vmax.f32 v46, v24;
	v24 =	vld [tilespmem:s10+$0x320]  }
0x100: {  	v14 =	vmul.f32 v14, v37;
	v37 =	vmax.f32 v49, v53;
	v53 =	vmax.f32 v45, v47;
	v45 =	vld [tilespmem:s10+$0x2C0]  }
0x101: {  	v46 =	vld [tilespmem:$0x1FDB0]  }
0x102: {  	v47 =	vld [tilespmem:$0x1FDC0]  }
0x103: {  	v48 =	vmul.f32 v48, v36;
	v36 =	vmax.f32 v34, v35;
	v34 =	vld [tilespmem:s10+$0x2B0]  }
0x104: {  	v49 =	vmax.f32 v54, v56;
	v35 =	vld [tilespmem:s10+$0x330]  }
0x105: {  	v20 =	vmax.f32 v37, v49;
	v49 =	vld [tilespmem:s10+$0x340]  }
0x106: {  	v48 =	vadd.f32 $0.0e+00, v48;
	v54 =	vmul.f32 v20, v58;
	v20 =	vld [tilespmem:s10+$0x220]  }
0x107: {  	v10 =	vadd.f32 $0.0e+00, v10;
	v58 =	vmax.f32 v59, v57;
	v57 =	vmax.f32 v23, v22;
	v22 =	vld [tilespmem:s10+$0x3D0]  }
0x108: {  	v48 =	vadd.f32 v51, v48;
	v51 =	vmul.f32 v52, v38;
	v52 =	vld [tilespmem:s10+$0xFFFFFEC0]  }
0x109: {  	v10 =	vadd.f32 v14, v10;
	v14 =	vmul.f32 v36, v38;
	v36 =	vld [tilespmem:$0x1FF40]  }
0x10a: {  	v38 =	vld [tilespmem:s10+$0x3B0]  }
0x10b: {  	v41 =	vmax.f32 v11, v9;
	v11 =	vmax.f32 v46, v47;
	v46 =	vld [tilespmem:$0x1FE60]  }
0x10c: {  	v47 =	vld [tilespmem:$0x1FE70]  }
0x10d: {  	v48 =	vadd.f32 v51, v48;
	v51 =	vld [tilespmem:$0x1FED0]  }
0x10e: {  	v10 =	vadd.f32 v14, v10;
	v14 =	vmax.f32 v24, v30;
	v24 =	vld [tilespmem:s10+$0x260]  }
0x10f: {  	v30 =	vld [tilespmem:s10+$0x360]  }
0x110: {  	v2 =	vadd.f32 v61, v48;
	v48 =	vld [tilespmem:s10+$0xFFFFFF50]  }
0x111: {  	v61 =	vld [tilespmem:$0x1FEF0]  }
0x112: {  	v56 =	vmax.f32 v55, v52;
	v52 =	vld [tilespmem:s10+$0x3C0];
	v0 =	vmul.f32 v0, v51  }
0x113: {  	v55 =	vld [tilespmem:s10+$0x250]  }
0x114: {  	v0 =	vadd.f32 v0, v2;
	v2 =	vmax.f32 v4, v62;
	v62 =	vld [tilespmem:$0x1FF00]  }
0x115: {  	v1 =	vmax.f32 v3, v1;
	v4 =	vld [tilespmem:s10+$0xFFFFFE60]  }
0x116: {  	v63 =	vmul.f32 v5, v61;
	v5 =	vld [tilespmem:s10+$0xFFFFFFE0];
	v6 =	vmax.f32 v48, v6;
	v2 =	vmul.f32 v2, v60  }
0x117: {  	v59 =	vmax.f32 v56, v58;
	v58 =	vld [tilespmem:s10+$0x2D0];
	v1 =	vmax.f32 v1, v6  }
0x118: {  	v1 =	vmul.f32 v1, v60;
	v60 =	vld [tilespmem:$0x1FDE0];
	v0 =	vadd.f32 v2, v0  }
0x119: {  	v2 =	vmul.f32 v15, v62;
	v15 =	vld [tilespmem:s10+$0xFFFFFFF0]  }
0x11a: {  	v0 =	vadd.f32 v63, v0;
	v63 =	vmul.f32 v59, v51;
	v59 =	vld [tilespmem:$0x1FDD0]  }
0x11b: {  	v4 =	vmax.f32 v4, v8;
	v5 =	vmax.f32 v7, v5;
	v8 =	vmax.f32 v43, v45;
	v45 =	vld [tilespmem:$0x1FE50]  }
0x11c: {  	v37 =	vmax.f32 v4, v5;
	v4 =	vmax.f32 v35, v38;
	v35 =	vld [tilespmem:$0x1FE20]  }
0x11d: {  	v10 =	vadd.f32 v54, v10;
	v38 =	vld [tilespmem:$0x1FE40]  }
0x11e: {  	v0 =	vadd.f32 v2, v0;
	v2 =	vmax.f32 v31, v32;
	v32 =	vld [tilespmem:s10+$0x230]  }
0x11f: {  	v56 =	vmax.f32 v21, v18;
	v31 =	vmax.f32 v42, v44;
	v3 =	vadd.f32 v63, v10;
	v44 =	vld [tilespmem:$0x1FDA0]  }
0x120: {  	v51 =	vmax.f32 v16, v19;
	v63 =	vld [tilespmem:$0x1FE00];
	v2 =	vmul.f32 v2, v28;
	v0 =	vadd.f32 v26, v0  }
0x121: {  	v26 =	vld [tilespmem:s10+$0x2A0];
	v1 =	vadd.f32 v1, v3;
	v3 =	vmul.f32 v37, v61;
	v42 =	vmax.f32 v13, v15  }
0x122: {  	v61 =	vld [tilespmem:s10+$0x350];
	v0 =	vadd.f32 v2, v0;
	v2 =	vmax.f32 v50, v53;
	v5 =	vmax.f32 v41, v42  }
0x123: {  	v37 =	vld [tilespmem:$0x1FE30];
	v1 =	vadd.f32 v3, v1;
	v50 =	vmax.f32 v12, v17;
	v2 =	vmul.f32 v2, v29  }
0x124: {  	v53 =	vld [tilespmem:$0x1FF50];
	v12 =	vmax.f32 v56, v57;
	v42 =	vmax.f32 v55, v58;
	v48 =	vmul.f32 v5, v62  }
0x125: {  	v41 =	vld [tilespmem:s10+$0x370];
	v54 =	vmax.f32 v50, v51;
	v0 =	vadd.f32 v2, v0;
	v2 =	vmax.f32 v31, v33  }
0x126: {  	v62 =	vld [tilespmem:$0x1FDF0];
	v21 =	vmul.f32 v12, v28;
	v6 =	vmax.f32 v32, v34;
	v2 =	vmul.f32 v2, v36  }
0x127: {  	v28 =	vld [tilespmem:$0x1FF60];
	v5 =	vmax.f32 v49, v52;
	v3 =	vmul.f32 v54, v27;
	v4 =	vmax.f32 v6, v4  }
0x128: {  	v34 =	vld [tilespmem:$0x1FE10];
	v1 =	vadd.f32 v48, v1;
	v0 =	vadd.f32 v2, v0;
	v2 =	vmax.f32 v44, v40  }
0x129: {  	v52 =	vld [tilespmem:$0x1FF70];
	v23 =	vmax.f32 v20, v26;
	v32 =	vmul.f32 v4, v36;
	v2 =	vmax.f32 v2, v11  }
0x12a: {  	v27 =	vld [tilespmem:s10+$0x2E0];
	v26 =	vmax.f32 v23, v14;
	v1 =	vadd.f32 v3, v1;
	v2 =	vmul.f32 v2, v53  }
0x12b: {  	v31 =	vld [tilespmem:s10+$0x3E0];
	v13 =	vmax.f32 v37, v38;
	v3 =	vmul.f32 v26, v29;
	v17 =	vmax.f32 v62, v63  }
0x12c: {  	v48 =	vld [tilespmem:$0x1FE80];
	v1 =	vadd.f32 v21, v1;
	v0 =	vadd.f32 v2, v0;
	v2 =	vmax.f32 v59, v60  }
0x12d: {  	v33 =	vld [tilespmem:s10+$0x270];
	v43 =	vmax.f32 v61, v22;
	v4 =	vmax.f32 v34, v35;
	v2 =	vmax.f32 v2, v17  }
0x12e: {  	v36 =	vld [tilespmem:s10+$0x2F0];
	v40 =	vmax.f32 v8, v5;
	v1 =	vadd.f32 v3, v1;
	v2 =	vmul.f32 v2, v28  }
0x12f: {  	v44 =	vld [tilespmem:s10+$0x3F0];
	v8 =	vmax.f32 v42, v43;
	v4 =	vmax.f32 v4, v13;
	v13 =	vmax.f32 v45, v46  }
0x130: {  	v1 =	vadd.f32 v32, v1;
	v0 =	vadd.f32 v2, v0;
	v2 =	vmul.f32 v40, v53;
	v53 =	vld [tilespmem:$0x1FF80]  }
0x131: {  	v49 =	vmul.f32 v8, v28;
	v10 =	vmax.f32 v24, v27;
	v11 =	vmax.f32 v47, v48  }
0x132: {  	v6 =	vmax.f32 v30, v31;
	v4 =	vmul.f32 v4, v52;
	v1 =	vadd.f32 v2, v1  }
0x133: {  	v50 =	vmax.f32 v13, v11;
	v51 =	vmax.f32 v10, v6;
	v3 =	vmax.f32 v33, v36  }
0x134: {  	v56 =	vld [tilespmem:$0x1FFC0];
	v5 =	vmax.f32 v41, v44;
	v2 =	vmul.f32 v51, v52;
	v1 =	vadd.f32 v49, v1  }
0x135: {  	v3 =	vmax.f32 v3, v5;
	v0 =	vadd.f32 v4, v0;
	v54 =	vmul.f32 v50, v53  }
0x136: {  	v55 =	vmul.f32 v3, v53;
	v1 =	vadd.f32 v2, v1  }
0x137: {  	v0 =	vadd.f32 v54, v0  }
0x138: {  	v58 =	vld [tilespmem:$0x1FFD0];
	v1 =	vadd.f32 v55, v1  }
0x139: {  	v57 =	vperm.xlane v0, v56  }
0x13a: {  	v3 =	vperm.xlane v1, v56  }
0x13b: {  	v0 =	vadd.f32 v0, v57  }
0x13c: {  	v59 =	vld [tilespmem:$0x1FFE0];
	v1 =	vadd.f32 v1, v3  }
0x13d: {  	v2 =	vperm.xlane v0, v58  }
0x13e: {  	v3 =	vperm.xlane v1, v58  }
0x13f: {  	v0 =	vadd.f32 v0, v2  }
0x140: {  	v60 =	vld [tilespmem:$0x1FFF0];
	v1 =	vadd.f32 v1, v3  }
0x141: {  	v2 =	vperm.xlane v0, v59  }
0x142: {  	v3 =	vperm.xlane v1, v59  }
0x143: {  	v0 =	vadd.f32 v0, v2  }
0x144: {  	v1 =	vadd.f32 v1, v3  }
0x145: {  	p0 =	sne.s32 s1, $0xE;
	v2 =	vperm.xlane v0, v60  }
.Ltmp4:
0x146: {  	v3 =	vperm.xlane v1, v60;
	(pc) =	sbr.rel @!p0 .LBB2_4-.Ltmp4, $4  }
0x147: {  	s11 =	sadd.s32 $0x1, s1;
	v61 =	vmov s1;
	v62 =	vlaneseq.u32;
	v0 =	vadd.f32 v0, v2  }
0x148: {  	v63 =	vmov s11;
	vm1 =	veq.s32 v61, v62;
	v1 =	vadd.f32 v1, v3  }
0x149: {  	v0 =	vsel vm1, v0, v39;
	vm1 =	veq.s32 v63, v62  }
0x14a: {  	v39 =	vsel vm1, v1, v0  }
0x14b: {  	p0 =	slt.u32 s1, $0xE  }
.Ltmp5:
0x14c: {  	_ = 	snop;
	(pc) =	sbr.rel @p0 .LBB2_3-.Ltmp5, $4  }
.Ltmp6:
0x14d: {  	_ = 	snop;
	(pc) =	sbr.rel @!p0 .LBB2_6-.Ltmp6, $4  }
0x14e: {  	_ = 	snop  }
0x14f: {  	_ = 	snop  }
0x150: {  	s31 =	sadd.s32 $0x2, s31;
	s10 =	sadd.s32 $0x800, s10;
	s1 =	sadd.s32 $0x2, s1  }
0x151: {  	_ = 	snop  }
.LBB2_4:
0x152: {  	[tilespmem:s31+$0x0] =	vst v39  }
.LBB2_6:
0x153: {  	p0 =	seq.s32 s2, $0xF  }
0x154: {  	s1 =	sshll.u32 @!p0 s2, $0x7  }
0x155: {  	s1 =	sand.u32 @!p0 $0x3FFFFF80, s1  }
0x156: {  	v0 =	vld @!p0 [tilespmem:s1+$0x80];
	_ =	sdelay $0x4  }
0x157: {  	v1 =	vshll.u32 @!p0 v0, $0x1  }
0x158: {  	v2 =	vlaneseq.u32 @!p0;
	v0 =	vand.u32 @!p0 $0x7, v0;
	v1 =	vand.u32 @!p0 $0xFFFFFFF0, v1  }
0x159: {  	v3 =	vshrl.u32 @!p0 v2, $0x3;
	v0 =	vor.u32 @!p0 v0, v1;
	v1 =	vand.u32 @!p0 $0x7, v2  }
0x15a: {  	v3 =	vmul.u32 @!p0 $0x8, v3;
	v4 =	vperm.xlane @!p0 v0, v1  }
0x15b: {  	v2 =	vor.u32 @!p0 $0x8, v2  }
0x15c: {  	v0 =	vperm.xlane @!p0 v0, v2;
	v4 =	vadd.s32 @!p0 v3, v4;
	_ =	sdelay $0x1  }
0x15d: {  	v0 =	vadd.s32 @!p0 v3, v0;
	_ =	sdelay $0x1  }
0x15e: {  	vm1 =	vmmov @!p0 $0xffff;
	s10 =	simm.s32 @!p0 $0x0;
	s11 =	simm.s32 @!p0 $0x800  }
0x15f: {  	[tilespmem:s11], [sflag:$0x1] =	stream.indirect_vreg.gather @!p0 [hbm4b:s4+s10], $0x80, v4, vm1, $0xb8;
	[tilespmem:$0x8B00] =	vst v63  }
0x160: {  	s11 =	simm.s32 @!p0 $0x1000  }
0x161: {  	[tilespmem:s11], [sflag:$0x1] =	stream.indirect_vreg.gather @!p0 [hbm4b:s4+s10], $0x80, v0, vm1, $0xb8;
	[tilespmem:$0x8B00] =	vst v63  }
0x162: {  	v0 =	vld @!p0 [tilespmem:s1+$0x90];
	_ =	sdelay $0x4  }
0x163: {  	v4 =	vshll.u32 @!p0 v0, $0x1  }
0x164: {  	v0 =	vand.u32 @!p0 $0x7, v0;
	v4 =	vand.u32 @!p0 $0xFFFFFFF0, v4  }
0x165: {  	v0 =	vor.u32 @!p0 v0, v4  }
0x166: {  	v4 =	vperm.xlane @!p0 v0, v1;
	_ =	sdelay $0x1  }
0x167: {  	v0 =	vperm.xlane @!p0 v0, v2;
	v4 =	vadd.s32 @!p0 v3, v4;
	_ =	sdelay $0x1  }
0x168: {  	v0 =	vadd.s32 @!p0 v3, v0;
	_ =	sdelay $0x1  }
0x169: {  	s11 =	simm.s32 @!p0 $0x1800  }
0x16a: {  	[tilespmem:s11], [sflag:$0x1] =	stream.indirect_vreg.gather @!p0 [hbm4b:s4+s10], $0x80, v4, vm1, $0xb8;
	[tilespmem:$0x8B00] =	vst v63  }
0x16b: {  	s11 =	simm.s32 @!p0 $0x2000  }
0x16c: {  	[tilespmem:s11], [sflag:$0x1] =	stream.indirect_vreg.gather @!p0 [hbm4b:s4+s10], $0x80, v0, vm1, $0xb8;
	[tilespmem:$0x8B00] =	vst v63  }
0x16d: {  	v0 =	vld @!p0 [tilespmem:s1+$0xA0];
	_ =	sdelay $0x4  }
0x16e: {  	v4 =	vshll.u32 @!p0 v0, $0x1  }
0x16f: {  	v0 =	vand.u32 @!p0 $0x7, v0;
	v4 =	vand.u32 @!p0 $0xFFFFFFF0, v4  }
0x170: {  	v0 =	vor.u32 @!p0 v0, v4  }
0x171: {  	v4 =	vperm.xlane @!p0 v0, v1;
	_ =	sdelay $0x1  }
0x172: {  	v0 =	vperm.xlane @!p0 v0, v2;
	v4 =	vadd.s32 @!p0 v3, v4;
	_ =	sdelay $0x1  }
0x173: {  	v0 =	vadd.s32 @!p0 v3, v0;
	_ =	sdelay $0x1  }
0x174: {  	s11 =	simm.s32 @!p0 $0x2800  }
0x175: {  	[tilespmem:s11], [sflag:$0x1] =	stream.indirect_vreg.gather @!p0 [hbm4b:s4+s10], $0x80, v4, vm1, $0xb8;
	[tilespmem:$0x8B00] =	vst v63  }
0x176: {  	s11 =	simm.s32 @!p0 $0x3000  }
0x177: {  	[tilespmem:s11], [sflag:$0x1] =	stream.indirect_vreg.gather @!p0 [hbm4b:s4+s10], $0x80, v0, vm1, $0xb8;
	[tilespmem:$0x8B00] =	vst v63  }
0x178: {  	v0 =	vld @!p0 [tilespmem:s1+$0xB0];
	_ =	sdelay $0x4  }
0x179: {  	v4 =	vshll.u32 @!p0 v0, $0x1  }
0x17a: {  	v0 =	vand.u32 @!p0 $0x7, v0;
	v4 =	vand.u32 @!p0 $0xFFFFFFF0, v4  }
0x17b: {  	v0 =	vor.u32 @!p0 v0, v4  }
0x17c: {  	v1 =	vperm.xlane @!p0 v0, v1;
	_ =	sdelay $0x1  }
0x17d: {  	v0 =	vperm.xlane @!p0 v0, v2;
	v1 =	vadd.s32 @!p0 v3, v1;
	_ =	sdelay $0x1  }
0x17e: {  	v0 =	vadd.s32 @!p0 v3, v0;
	_ =	sdelay $0x1  }
0x17f: {  	s1 =	simm.s32 @!p0 $0x3800  }
0x180: {  	[tilespmem:s1], [sflag:$0x1] =	stream.indirect_vreg.gather @!p0 [hbm4b:s4+s10], $0x80, v1, vm1, $0xb8;
	[tilespmem:$0x8B00] =	vst v63  }
0x181: {  	s1 =	simm.s32 @!p0 $0x4000  }
0x182: {  	[tilespmem:s1], [sflag:$0x1] =	stream.indirect_vreg.gather @!p0 [hbm4b:s4+s10], $0x80, v0, vm1, $0xb8;
	[tilespmem:$0x8B00] =	vst v63  }
0x183: {  	_ =	swait.ge [sflag:s28], $0x4000  }
0x184: {  	s31 =	smov.u32 s0;
	[sflag:s28] =	ssyncset.done $0x0  }
0x185: {  	v41 =	vimm.f32 $0.0e+00;
	s1 =	simm.s32 $0x0;
	s10 =	simm.s32 $0x4C00;
	[sflag:s28] =	ssyncadd.s32 $0xFFFFC000  }
.LBB2_7:
0x186: {  	v0 =	vld [tilespmem:s10+$0xFFFFFC00]  }
0x187: {  	v1 =	vld [tilespmem:s10+$0xFFFFFC80]  }
0x188: {  	v2 =	vld [tilespmem:s10+$0xFFFFFD00]  }
0x189: {  	v3 =	vld [tilespmem:s10+$0xFFFFFD80]  }
0x18a: {  	v4 =	vld [tilespmem:s10+$0xFFFFFC10]  }
0x18b: {  	v5 =	vld [tilespmem:s10+$0xFFFFFC90]  }
0x18c: {  	v6 =	vld [tilespmem:s10+$0xFFFFFD10]  }
0x18d: {  	v7 =	vld [tilespmem:s10+$0xFFFFFD90]  }
0x18e: {  	v8 =	vld [tilespmem:s10+$0xFFFFFC20]  }
0x18f: {  	v9 =	vld [tilespmem:s10+$0xFFFFFCA0]  }
0x190: {  	v10 =	vld [tilespmem:s10+$0xFFFFFD20]  }
0x191: {  	v11 =	vld [tilespmem:s10+$0xFFFFFDA0]  }
0x192: {  	v12 =	vld [tilespmem:s10+$0xFFFFFC30]  }
0x193: {  	v13 =	vld [tilespmem:s10+$0xFFFFFCB0]  }
0x194: {  	v14 =	vld [tilespmem:s10+$0xFFFFFD30]  }
0x195: {  	v15 =	vld [tilespmem:s10+$0xFFFFFDB0]  }
0x196: {  	v16 =	vld [tilespmem:s10+$0xFFFFFC40]  }
0x197: {  	v17 =	vld [tilespmem:s10+$0xFFFFFCC0]  }
0x198: {  	v18 =	vld [tilespmem:s10+$0xFFFFFD40]  }
0x199: {  	v19 =	vld [tilespmem:s10+$0xFFFFFDC0]  }
0x19a: {  	v20 =	vld [tilespmem:s10+$0xFFFFFC50]  }
0x19b: {  	v21 =	vld [tilespmem:s10+$0xFFFFFCD0]  }
0x19c: {  	v22 =	vld [tilespmem:s10+$0xFFFFFD50]  }
0x19d: {  	v23 =	vld [tilespmem:s10+$0xFFFFFDD0]  }
0x19e: {  	v48 =	vld [tilespmem:s10+$0xFFFFFC60]  }
0x19f: {  	v49 =	vld [tilespmem:s10+$0xFFFFFCE0]  }
0x1a0: {  	v50 =	vld [tilespmem:s10+$0xFFFFFD60]  }
0x1a1: {  	v51 =	vld [tilespmem:s10+$0xFFFFFDE0]  }
0x1a2: {  	v52 =	vld [tilespmem:s10+$0xFFFFFC70]  }
0x1a3: {  	v53 =	vld [tilespmem:s10+$0xFFFFFCF0]  }
0x1a4: {  	v54 =	vld [tilespmem:s10+$0xFFFFFD70]  }
0x1a5: {  	v55 =	vld [tilespmem:s10+$0xFFFFFDF0]  }
0x1a6: {  	v56 =	vld [tilespmem:s10+$0x0]  }
0x1a7: {  	v57 =	vld [tilespmem:s10+$0x80]  }
0x1a8: {  	v58 =	vld [tilespmem:s10+$0x100]  }
0x1a9: {  	v59 =	vld [tilespmem:s10+$0x180]  }
0x1aa: {  	v60 =	vld [tilespmem:s10+$0x10]  }
0x1ab: {  	v61 =	vld [tilespmem:s10+$0x90]  }
0x1ac: {  	v62 =	vld [tilespmem:s10+$0x110]  }
0x1ad: {  	v63 =	vld [tilespmem:s10+$0x190]  }
0x1ae: {  	v46 =	vld [tilespmem:s10+$0x20]  }
0x1af: {  	v24 =	vld [tilespmem:s10+$0xA0]  }
0x1b0: {  	v45 =	vld [tilespmem:s10+$0x120]  }
0x1b1: {  	v47 =	vld [tilespmem:s10+$0x1A0]  }
0x1b2: {  	v42 =	vld [tilespmem:s10+$0x30]  }
0x1b3: {  	v44 =	vld [tilespmem:s10+$0xB0]  }
0x1b4: {  	v25 =	vld [tilespmem:s10+$0x130]  }
0x1b5: {  	v43 =	vld [tilespmem:s10+$0x1B0]  }
0x1b6: {  	v36 =	vld [tilespmem:s10+$0x40]  }
0x1b7: {  	v37 =	vld [tilespmem:s10+$0xC0]  }
0x1b8: {  	v38 =	vld [tilespmem:s10+$0x140]  }
0x1b9: {  	v39 =	vld [tilespmem:s10+$0x1C0]  }
0x1ba: {  	v40 =	vld [tilespmem:s10+$0x50]  }
0x1bb: {  	v28 =	vld [tilespmem:s10+$0xD0]  }
0x1bc: {  	v29 =	vld [tilespmem:s10+$0x150]  }
0x1bd: {  	v30 =	vld [tilespmem:s10+$0x1D0]  }
0x1be: {  	v31 =	vld [tilespmem:s10+$0x60]  }
0x1bf: {  	v32 =	vld [tilespmem:s10+$0xE0]  }
0x1c0: {  	v33 =	vld [tilespmem:s10+$0x160]  }
0x1c1: {  	v34 =	vld [tilespmem:s10+$0x1E0]  }
0x1c2: {  	v35 =	vld [tilespmem:s10+$0x70]  }
0x1c3: {  	v26 =	vld [tilespmem:s10+$0xFFFFFE80]  }
0x1c4: {  	v27 =	vld [tilespmem:s10+$0xFFFFFF00]  }
0x1c5: {  	[tilespmem:$0x1FCA0] =	vst v36;
	v36 =	vld [tilespmem:s10+$0xF0]  }
0x1c6: {  	[tilespmem:$0x1FCB0] =	vst v37;
	v37 =	vld [tilespmem:s10+$0x170]  }
0x1c7: {  	[tilespmem:$0x1FCC0] =	vst v38;
	v38 =	vld [tilespmem:s10+$0x1F0]  }
0x1c8: {  	[tilespmem:$0x1FC90] =	vst v25;
	v25 =	vld [tilespmem:s10+$0xFFFFFE00]  }
0x1c9: {  	[tilespmem:$0x1FCF0] =	vst v28;
	v28 =	vld [tilespmem:s10+$0xFFFFFF80]  }
0x1ca: {  	[tilespmem:$0x1FD00] =	vst v29;
	v29 =	vld [tilespmem:s10+$0xFFFFFE10]  }
0x1cb: {  	[tilespmem:$0x1FD10] =	vst v30;
	v30 =	vld [tilespmem:s10+$0xFFFFFE90]  }
0x1cc: {  	[tilespmem:$0x1FD20] =	vst v31;
	v31 =	vld [tilespmem:s10+$0xFFFFFF10]  }
0x1cd: {  	[tilespmem:$0x1FD30] =	vst v32;
	v32 =	vld [tilespmem:s10+$0xFFFFFF90]  }
0x1ce: {  	[tilespmem:$0x1FD40] =	vst v33;
	v33 =	vld [tilespmem:s10+$0xFFFFFE20]  }
0x1cf: {  	[tilespmem:$0x1FD50] =	vst v34;
	v34 =	vld [tilespmem:s10+$0xFFFFFEA0]  }
0x1d0: {  	[tilespmem:$0x1FD60] =	vst v35;
	v35 =	vld [tilespmem:s10+$0xFFFFFF20]  }
0x1d1: {  	[tilespmem:$0x1FCD0] =	vst v39;
	v39 =	vmax.f32 v2, v3;
	v2 =	vld [tilespmem:s10+$0xFFFFFFA0]  }
0x1d2: {  	v0 =	vmax.f32 v0, v1;
	v1 =	vld [tilespmem:s10+$0xFFFFFE30]  }
0x1d3: {  	v3 =	vmax.f32 v4, v5;
	v5 =	vld [tilespmem:s10+$0xFFFFFEB0]  }
0x1d4: {  	[tilespmem:$0x1FCE0] =	vst v40;
	v40 =	vmax.f32 v6, v7;
	v6 =	vld [tilespmem:s10+$0xFFFFFF30]  }
0x1d5: {  	v4 =	vmax.f32 v8, v9;
	v8 =	vld [tilespmem:s10+$0xFFFFFFB0]  }
0x1d6: {  	v7 =	vld [tilespmem:s10+$0xFFFFFE40]  }
0x1d7: {  	v9 =	vld [tilespmem:s10+$0xFFFFFFC0]  }
0x1d8: {  	v13 =	vmax.f32 v12, v13;
	v12 =	vld [tilespmem:s10+$0xFFFFFED0]  }
0x1d9: {  	v17 =	vmax.f32 v16, v17;
	v16 =	vld [tilespmem:s10+$0xFFFFFFD0]  }
0x1da: {  	v15 =	vmax.f32 v14, v15;
	v14 =	vld [tilespmem:s10+$0xFFFFFE60]  }
0x1db: {  	v21 =	vmax.f32 v20, v21;
	v20 =	vmax.f32 v22, v23;
	v22 =	vmax.f32 v48, v49;
	v48 =	vld [tilespmem:$0x1FEE0]  }
0x1dc: {  	v19 =	vmax.f32 v18, v19;
	v18 =	vld [tilespmem:s10+$0xFFFFFEE0]  }
0x1dd: {  	v49 =	vld [tilespmem:$0x1FEF0]  }
0x1de: {  	v23 =	vmax.f32 v50, v51;
	v50 =	vld [tilespmem:$0x1FF00]  }
0x1df: {  	v3 =	vmax.f32 v3, v40;
	v40 =	vmax.f32 v10, v11;
	v11 =	vld [tilespmem:s10+$0xFFFFFF40]  }
0x1e0: {  	v0 =	vmax.f32 v0, v39;
	v39 =	vld [tilespmem:$0x1FEC0]  }
0x1e1: {  	v53 =	vmax.f32 v52, v53;
	v54 =	vmax.f32 v54, v55;
	v10 =	vmax.f32 v17, v19;
	v17 =	vld [tilespmem:s10+$0xFFFFFF60]  }
0x1e2: {  	v52 =	vmax.f32 v56, v57;
	v55 =	vmax.f32 v53, v54;
	v19 =	vld [tilespmem:s10+$0xFFFFFEF0];
	v53 =	vmax.f32 v58, v59  }
0x1e3: {  	v21 =	vmax.f32 v21, v20;
	v20 =	vmax.f32 v52, v53;
	v53 =	vmax.f32 v46, v24;
	v24 =	vld [tilespmem:$0x1FF30]  }
0x1e4: {  	[tilespmem:$0x1FD70] =	vst v36;
	v36 =	vld [tilespmem:$0x1FE90]  }
0x1e5: {  	[tilespmem:$0x1FD80] =	vst v37;
	v37 =	vld [tilespmem:$0x1FEA0]  }
0x1e6: {  	[tilespmem:$0x1FD90] =	vst v38;
	v38 =	vld [tilespmem:$0x1FEB0]  }
0x1e7: {  	v54 =	vmax.f32 v25, v26;
	v26 =	vld [tilespmem:s10+$0xFFFFFFF0]  }
0x1e8: {  	v58 =	vmax.f32 v29, v30;
	v30 =	vld [tilespmem:s10+$0x380]  }
0x1e9: {  	v59 =	vmax.f32 v31, v32;
	v31 =	vld [tilespmem:s10+$0x210]  }
0x1ea: {  	v32 =	vld [tilespmem:$0x1FF20]  }
0x1eb: {  	v52 =	vmax.f32 v6, v8;
	v6 =	vld [tilespmem:s10+$0x310]  }
0x1ec: {  	v8 =	vld [tilespmem:s10+$0x2A0]  }
0x1ed: {  	v1 =	vmax.f32 v1, v5;
	v29 =	vld [tilespmem:$0x1FF40];
	v0 =	vmul.f32 v0, v36  }
0x1ee: {  	v4 =	vmax.f32 v4, v40;
	v25 =	vmax.f32 v58, v59;
	v1 =	vmax.f32 v1, v52;
	v52 =	vld [tilespmem:s10+$0x250]  }
0x1ef: {  	v3 =	vmul.f32 v3, v37;
	v40 =	vmul.f32 v4, v38;
	v4 =	vld [tilespmem:s10+$0xFFFFFEC0];
	v0 =	vadd.f32 $0.0e+00, v0  }
0x1f0: {  	v2 =	vmax.f32 v35, v2;
	v25 =	vmul.f32 v25, v37;
	v37 =	vmax.f32 v33, v34;
	v34 =	vld [tilespmem:s10+$0x3B0]  }
0x1f1: {  	v2 =	vmax.f32 v37, v2;
	v37 =	vld [tilespmem:s10+$0x240];
	v0 =	vadd.f32 v3, v0  }
0x1f2: {  	v2 =	vmul.f32 v2, v38;
	v38 =	vld [tilespmem:$0x1FCA0]  }
0x1f3: {  	v0 =	vadd.f32 v40, v0;
	v40 =	vld [tilespmem:$0x1FED0]  }
0x1f4: {  	v3 =	vmax.f32 v13, v15;
	v13 =	vld [tilespmem:s10+$0xFFFFFE50]  }
0x1f5: {  	v15 =	vmax.f32 v22, v23;
	v23 =	vld [tilespmem:s10+$0xFFFFFF70]  }
0x1f6: {  	v22 =	vld [tilespmem:s10+$0x200];
	v3 =	vmul.f32 v3, v39  }
0x1f7: {  	v51 =	vmul.f32 v15, v49;
	v15 =	vld [tilespmem:s10+$0xFFFFFFE0]  }
0x1f8: {  	v1 =	vmul.f32 v1, v39;
	v39 =	vld [tilespmem:$0x1FCB0];
	v0 =	vadd.f32 v3, v0;
	v3 =	vmul.f32 v10, v40  }
0x1f9: {  	v59 =	vmax.f32 v13, v12;
	v13 =	vld [tilespmem:s10+$0x330]  }
0x1fa: {  	v10 =	vld [tilespmem:s10+$0xFFFFFF50];
	v0 =	vadd.f32 v3, v0;
	v3 =	vmul.f32 v21, v48  }
0x1fb: {  	v21 =	vld [tilespmem:s10+$0xFFFFFE70]  }
0x1fc: {  	v0 =	vadd.f32 v3, v0;
	v3 =	vmul.f32 v55, v50;
	v55 =	vmax.f32 v27, v28;
	v28 =	vld [tilespmem:s10+$0x280]  }
0x1fd: {  	v27 =	vld [tilespmem:s10+$0x300]  }
0x1fe: {  	v57 =	vmax.f32 v54, v55;
	v54 =	vld [tilespmem:s10+$0x390]  }
0x1ff: {  	v61 =	vmax.f32 v60, v61;
	v60 =	vmax.f32 v10, v16;
	v10 =	vld [tilespmem:s10+$0x3A0]  }
0x200: {  	v55 =	vmax.f32 v45, v47;
	v45 =	vld [tilespmem:s10+$0x340]  }
0x201: {  	v0 =	vadd.f32 v51, v0;
	v51 =	vld [tilespmem:$0x1FF10]  }
0x202: {  	v4 =	vmax.f32 v7, v4;
	v7 =	vmax.f32 v59, v60;
	v59 =	vld [tilespmem:$0x1FD10]  }
0x203: {  	v47 =	vmax.f32 v27, v30;
	v27 =	vld [tilespmem:s10+$0x360]  }
0x204: {  	v46 =	vmax.f32 v22, v28;
	v28 =	vld [tilespmem:s10+$0x3E0]  }
0x205: {  	v5 =	vmax.f32 v6, v54;
	v54 =	vld [tilespmem:s10+$0x2D0]  }
0x206: {  	v56 =	vmul.f32 v20, v51;
	v20 =	vmul.f32 v57, v36;
	v36 =	vmax.f32 v62, v63;
	v62 =	vld [tilespmem:$0x1FC90]  }
0x207: {  	v63 =	vmul.f32 v7, v48;
	v7 =	vld [tilespmem:s10+$0x2B0]  }
0x208: {  	v48 =	vld [tilespmem:s10+$0x3C0]  }
0x209: {  	v0 =	vadd.f32 v3, v0;
	v3 =	vmax.f32 v61, v36;
	v61 =	vmax.f32 v42, v44;
	v42 =	vld [tilespmem:$0x1FCC0]  }
0x20a: {  	v36 =	vmax.f32 v23, v26;
	v23 =	vld [tilespmem:s10+$0x2E0]  }
0x20b: {  	v35 =	vmax.f32 v21, v19;
	v0 =	vadd.f32 v56, v0;
	v56 =	vmax.f32 v11, v9;
	v9 =	vld [tilespmem:s10+$0x230]  }
0x20c: {  	v12 =	vmax.f32 v35, v36;
	v35 =	vld [tilespmem:s10+$0x2F0]  }
0x20d: {  	v36 =	vld [tilespmem:$0x1FD40]  }
0x20e: {  	v20 =	vadd.f32 $0.0e+00, v20;
	v58 =	vmax.f32 v4, v56;
	v4 =	vld [tilespmem:s10+$0x320]  }
0x20f: {  	v3 =	vmul.f32 v3, v32;
	v56 =	vld [tilespmem:$0x1FCF0]  }
0x210: {  	v20 =	vadd.f32 v25, v20;
	v25 =	vld [tilespmem:s10+$0x290]  }
0x211: {  	v0 =	vadd.f32 v3, v0;
	v3 =	vmax.f32 v53, v55;
	v55 =	vld [tilespmem:$0x1FCE0]  }
0x212: {  	v57 =	vmul.f32 v3, v24;
	v3 =	vmul.f32 v58, v40;
	v40 =	vld [tilespmem:s10+$0x2C0]  }
0x213: {  	v11 =	vmax.f32 v62, v43;
	v43 =	vld [tilespmem:$0x1FCD0]  }
0x214: {  	v58 =	vld [tilespmem:$0x1FD00];
	v2 =	vadd.f32 v2, v20  }
0x215: {  	v16 =	vmax.f32 v14, v18;
	v18 =	vmax.f32 v17, v15;
	v62 =	vld [tilespmem:s10+$0x260]  }
0x216: {  	v44 =	vmul.f32 v12, v50;
	v12 =	vmax.f32 v45, v48;
	v45 =	vld [tilespmem:$0x1FD90];
	v1 =	vadd.f32 v1, v2  }
0x217: {  	v33 =	vmax.f32 v16, v18;
	v26 =	vmax.f32 v13, v34;
	v20 =	vld [tilespmem:s10+$0x220]  }
0x218: {  	v50 =	vmax.f32 v46, v47;
	v0 =	vadd.f32 v57, v0;
	v57 =	vld [tilespmem:s10+$0x350];
	v1 =	vadd.f32 v3, v1  }
0x219: {  	v6 =	vmax.f32 v52, v54;
	v22 =	vmax.f32 v9, v7;
	v2 =	vmax.f32 v61, v11;
	v61 =	vld [tilespmem:s10+$0x3D0]  }
0x21a: {  	v4 =	vmax.f32 v4, v10;
	v3 =	vmul.f32 v33, v49;
	v49 =	vld [tilespmem:$0x1FF50];
	v1 =	vadd.f32 v63, v1  }
0x21b: {  	v2 =	vmul.f32 v2, v29;
	v53 =	vmax.f32 v31, v25;
	v25 =	vld [tilespmem:$0x1FF60];
	v16 =	vmax.f32 v42, v43  }
0x21c: {  	v5 =	vmax.f32 v53, v5;
	v19 =	vmax.f32 v58, v59;
	v33 =	vld [tilespmem:$0x1FD30];
	v1 =	vadd.f32 v3, v1  }
0x21d: {  	v34 =	vmax.f32 v37, v40;
	v37 =	vld [tilespmem:$0x1FD50];
	v0 =	vadd.f32 v2, v0;
	v2 =	vmax.f32 v38, v39  }
0x21e: {  	v40 =	vld [tilespmem:s10+$0x3F0];
	v2 =	vmax.f32 v2, v16;
	v3 =	vmul.f32 v50, v51;
	v1 =	vadd.f32 v44, v1  }
0x21f: {  	v42 =	vld [tilespmem:$0x1FD60];
	v48 =	vmax.f32 v62, v23;
	v60 =	vmul.f32 v5, v32;
	v2 =	vmul.f32 v2, v49  }
0x220: {  	v8 =	vmax.f32 v20, v8;
	v32 =	vld [tilespmem:$0x1FD20];
	v38 =	vmax.f32 v34, v12;
	v1 =	vadd.f32 v3, v1  }
0x221: {  	v43 =	vld [tilespmem:$0x1FD70];
	v63 =	vmax.f32 v8, v4;
	v4 =	vmax.f32 v22, v26;
	v0 =	vadd.f32 v2, v0  }
0x222: {  	v39 =	vld [tilespmem:s10+$0x370];
	v2 =	vmax.f32 v55, v56;
	v3 =	vmul.f32 v63, v24;
	v1 =	vadd.f32 v60, v1  }
0x223: {  	v30 =	vmul.f32 v4, v29;
	v5 =	vmax.f32 v57, v61;
	v44 =	vld [tilespmem:$0x1FD80];
	v2 =	vmax.f32 v2, v19  }
0x224: {  	v5 =	vmax.f32 v6, v5;
	v51 =	vld [tilespmem:$0x1FF70];
	v2 =	vmul.f32 v2, v25;
	v1 =	vadd.f32 v3, v1  }
0x225: {  	v31 =	vld [tilespmem:s10+$0x270];
	v14 =	vmax.f32 v36, v37;
	v46 =	vmul.f32 v5, v25;
	v4 =	vmax.f32 v32, v33  }
0x226: {  	v53 =	vld [tilespmem:$0x1FF80];
	v0 =	vadd.f32 v2, v0;
	v2 =	vmul.f32 v38, v49;
	v1 =	vadd.f32 v30, v1  }
0x227: {  	v52 =	vmax.f32 v39, v40;
	v4 =	vmax.f32 v4, v14;
	v14 =	vmax.f32 v42, v43  }
0x228: {  	v6 =	vmax.f32 v44, v45;
	v49 =	vmax.f32 v27, v28;
	v1 =	vadd.f32 v2, v1  }
0x229: {  	v4 =	vmul.f32 v4, v51;
	v47 =	vmax.f32 v14, v6;
	v50 =	vmax.f32 v48, v49  }
0x22a: {  	v56 =	vld [tilespmem:$0x1FFC0];
	v3 =	vmax.f32 v31, v35;
	v2 =	vmul.f32 v50, v51;
	v1 =	vadd.f32 v46, v1  }
0x22b: {  	v0 =	vadd.f32 v4, v0;
	v3 =	vmax.f32 v3, v52;
	v54 =	vmul.f32 v47, v53  }
0x22c: {  	v55 =	vmul.f32 v3, v53;
	v1 =	vadd.f32 v2, v1  }
0x22d: {  	v0 =	vadd.f32 v54, v0  }
0x22e: {  	v58 =	vld [tilespmem:$0x1FFD0];
	v1 =	vadd.f32 v55, v1  }
0x22f: {  	v57 =	vperm.xlane v0, v56  }
0x230: {  	v3 =	vperm.xlane v1, v56  }
0x231: {  	v0 =	vadd.f32 v0, v57  }
0x232: {  	v59 =	vld [tilespmem:$0x1FFE0];
	v1 =	vadd.f32 v1, v3  }
0x233: {  	v2 =	vperm.xlane v0, v58  }
0x234: {  	v3 =	vperm.xlane v1, v58  }
0x235: {  	v0 =	vadd.f32 v0, v2  }
0x236: {  	v60 =	vld [tilespmem:$0x1FFF0];
	v1 =	vadd.f32 v1, v3  }
0x237: {  	v2 =	vperm.xlane v0, v59  }
0x238: {  	v3 =	vperm.xlane v1, v59  }
0x239: {  	v0 =	vadd.f32 v0, v2  }
0x23a: {  	v1 =	vadd.f32 v1, v3  }
0x23b: {  	p0 =	sne.s32 s1, $0xE;
	v2 =	vperm.xlane v0, v60  }
.Ltmp7:
0x23c: {  	v3 =	vperm.xlane v1, v60;
	(pc) =	sbr.rel @!p0 .LBB2_8-.Ltmp7, $4  }
0x23d: {  	s11 =	sadd.s32 $0x1, s1;
	v62 =	vlaneseq.u32;
	v61 =	vmov s1;
	v0 =	vadd.f32 v0, v2  }
0x23e: {  	vm1 =	veq.s32 v61, v62;
	v63 =	vmov s11;
	v1 =	vadd.f32 v1, v3  }
0x23f: {  	v0 =	vsel vm1, v0, v41;
	vm1 =	veq.s32 v63, v62  }
0x240: {  	v41 =	vsel vm1, v1, v0  }
0x241: {  	p0 =	slt.u32 s1, $0xE  }
.Ltmp8:
0x242: {  	_ = 	snop;
	(pc) =	sbr.rel @p0 .LBB2_7-.Ltmp8, $4  }
.Ltmp9:
0x243: {  	_ = 	snop;
	(pc) =	sbr.rel @!p0 .LBB2_10-.Ltmp9, $4  }
0x244: {  	_ = 	snop  }
0x245: {  	_ = 	snop  }
0x246: {  	s31 =	sadd.s32 $0x2, s31;
	s10 =	sadd.s32 $0x800, s10;
	s1 =	sadd.s32 $0x2, s1  }
0x247: {  	_ = 	snop  }
.LBB2_12:
0x248: {  	_ =	sfence.sel $0x180000  }
0x249: {  	[bflag:$0x0] =	sbarrier.arrive $0xFFFF  }
0x24a: {  	_ =	strace $0x90000047  }
0x24b: {  	s0 =	stileid.u32;
	[bflag:$0x2] =	sbarrier.arrive $0xFFFF  }
0x24c: {  	p0 =	sne.s32 s0, $0x0;
	s0 =	rddreg [dreg:$0x3]  }
0x24d: {  	s0 =	sadd.s32 @!p0 $0x100000, s0  }
0x24e: {  	[sflag:s0] =	ssyncadd.tile.s32 @!p0 $0x1;
	_ =	shalt  }
.Lfunc_end2:
_tile_overlayer_lowered:
.L_overlay_start_2:
0x24f: {  	(tag) =	ssettag $0x2  }
0x250: {  	s0 =	rddreg [dreg:$0x0];
	s2 =	stileid.u32  }
0x251: {  	s1 =	rddreg [dreg:$0x1];
	p0 =	sne.s32 s2, $0x0  }
0x252: {  	s3 =	rddreg [dreg:$0x2];
	[bflag:$0x3] =	sbarrier.arrive $0xFFFF;
	s2 =	simm.s32 @!p0 $0x1C03  }
0x253: {  	[timem:s3], [sflag:s2] =	dma.local @!p0 [hbm:s0], s1  }
0x254: {  	s0 =	simm.s32 @!p0 $0x3  }
0x255: {  	_ =	swait.ge @!p0 [sflag:s0], s1  }
0x256: {  	s1 =	ssub.s32 @!p0 $0x0, s1;
	[sflag:s0] =	ssyncset.done @!p0 $0x0  }
0x257: {  	[sflag:s0] =	ssyncadd.s32 @!p0 s1  }
0x258: {  	[bflag:$0x3] =	sbarrier.arrive $0xFFFF  }
0x259: {  	_ =	shalt  }

</sc_bundles>
